<compile_context>
chip_gen: v7x
topology: tpu7x:2x2x1
jax: 0.10.2.dev20260603
libtpu: 0.0.44.dev20260713+nightly
codegen_flags: <defaults>
</compile_context>

<pallas_src>
import functools

import jax
import jax.numpy as jnp
from jax import lax
from jax.experimental import pallas as pl
from jax.experimental.pallas import tpu as pltpu
from jax.experimental.pallas import tpu_sc as plsc

N = 10000
NP = 10240
D = 128
E = 320000
NC = 2
NS = 16
NW = NC * NS
CH = 125
NCHT = E // CH
NCH = NCHT // NW
CHH = 40
RPT = NP // NS
BLK = 1024
GRID = NP // BLK



def _deg_body(ei_hbm, out_hbm, dbuf, buf, degsh, dsem):
    c = lax.axis_index("c")
    s = lax.axis_index("s")
    wid = c * NS + s
    row0 = s * RPT

    zero16 = jnp.zeros((16,), jnp.float32)
    one16 = jnp.ones((16,), jnp.float32)

    def fill(i, _):
        buf[pl.ds(i * 16, 16)] = zero16
        buf[pl.ds(128 + i * 16, 16)] = one16
        return 0

    lax.fori_loop(0, 128 // 16, fill, 0)
    for r in range(RPT // 128):
        pltpu.sync_copy(buf.at[pl.ds(0, 128)],
                        degsh.at[pl.ds(row0 + r * 128, 128)])
    pltpu.sync_copy(ei_hbm.at[1, pl.ds(wid * NCH, NCH)], dbuf)
    plsc.subcore_barrier()

    K = 8

    def body(g, _):
        for k in range(K):
            pltpu.async_copy(buf.at[pl.ds(128, CH)],
                             degsh.at[dbuf.at[g * K + k]], dsem, add=True)
        for k in range(K):
            pltpu.make_async_copy(buf.at[pl.ds(128, CH)],
                                  degsh.at[dbuf.at[g * K + k]], dsem).wait()
        return 0

    lax.fori_loop(0, NCH // K, body, 0)
    plsc.subcore_barrier()
    pltpu.sync_copy(degsh.at[pl.ds(row0, RPT)], out_hbm.at[c, pl.ds(row0, RPT)])


_deg_kernel = functools.partial(
    pl.kernel,
    out_type=jax.ShapeDtypeStruct((NC, NP), jnp.float32),
    mesh=plsc.VectorSubcoreMesh(core_axis_name="c", subcore_axis_name="s"),
    scratch_types=[
        pltpu.VMEM((NCH, CH), jnp.int32),
        pltpu.VMEM((256,), jnp.float32),
        pltpu.VMEM_SHARED((NP,), jnp.float32),
        pltpu.SemaphoreType.DMA,
    ],
)(_deg_body)


def _scatter_body(hs_hbm, ei_hbm, out_hbm,
                  sbuf, dbuf, rows0, rows1, aggsh, sem0, sem1, ssem0, ssem1):
    c = lax.axis_index("c")
    s = lax.axis_index("s")
    wid = c * NS + s
    row0 = s * RPT

    zero16 = jnp.zeros((16,), jnp.float32)

    def zfill(i, _):
        for k in range(D // 16):
            rows0[i, pl.ds(k * 16, 16)] = zero16
        return 0

    lax.fori_loop(0, 80, zfill, 0)
    for r in range(RPT // 80):
        pltpu.sync_copy(rows0.at[pl.ds(0, 80)],
                        aggsh.at[pl.ds(row0 + r * 80, 80)])

    plsc.subcore_barrier()

    for h in range(NCH // CHH):
        base = wid * NCH + h * CHH
        pltpu.sync_copy(ei_hbm.at[0, pl.ds(base, CHH)], sbuf)
        pltpu.sync_copy(ei_hbm.at[1, pl.ds(base, CHH)], dbuf)
        pltpu.async_copy(hs_hbm.at[sbuf.at[0]], rows0, sem0)

        def body(t, _):
            j0 = 2 * t
            pltpu.async_copy(hs_hbm.at[sbuf.at[j0 + 1]], rows1, sem1)
            pltpu.make_async_copy(hs_hbm.at[sbuf.at[j0]], rows0, sem0).wait()
            pltpu.sync_copy(rows0, aggsh.at[dbuf.at[j0]], add=True)

            @pl.when(t + 1 < CHH // 2)
            def _():
                pltpu.async_copy(hs_hbm.at[sbuf.at[j0 + 2]], rows0, sem0)

            pltpu.make_async_copy(hs_hbm.at[sbuf.at[j0 + 1]], rows1, sem1).wait()
            pltpu.sync_copy(rows1, aggsh.at[dbuf.at[j0 + 1]], add=True)
            return 0

        lax.fori_loop(0, CHH // 2, body, 0)
    plsc.subcore_barrier()
    pltpu.sync_copy(aggsh.at[pl.ds(row0, RPT)], out_hbm.at[c, pl.ds(row0, RPT)])


_scatter_kernel = functools.partial(
    pl.kernel,
    out_type=jax.ShapeDtypeStruct((NC, NP, D), jnp.float32),
    mesh=plsc.VectorSubcoreMesh(core_axis_name="c", subcore_axis_name="s"),
    scratch_types=[
        pltpu.VMEM((CHH, CH), jnp.int32),
        pltpu.VMEM((CHH, CH), jnp.int32),
        pltpu.VMEM((CH, D), jnp.float32),
        pltpu.VMEM((CH, D), jnp.float32),
        pltpu.VMEM_SHARED((NP, D), jnp.float32),
        pltpu.SemaphoreType.DMA,
        pltpu.SemaphoreType.DMA,
        pltpu.SemaphoreType.DMA,
        pltpu.SemaphoreType.DMA,
    ],
)(_scatter_body)



def _dis(degp_ref):
    deg = degp_ref[0] + degp_ref[1] + 1.0
    return lax.rsqrt(deg).reshape(BLK, 1)


def _tc1_body(x_ref, w_ref, degp_ref, hs_ref):
    h = jnp.dot(x_ref[...], w_ref[...], preferred_element_type=jnp.float32)
    hs_ref[...] = h * _dis(degp_ref)


def _tc1(x, w1, degp):
    return pl.pallas_call(
        _tc1_body,
        grid=(GRID,),
        in_specs=[
            pl.BlockSpec((BLK, D), lambda i: (i, 0)),
            pl.BlockSpec((D, D), lambda i: (0, 0)),
            pl.BlockSpec((NC, BLK), lambda i: (0, i)),
        ],
        out_specs=pl.BlockSpec((BLK, D), lambda i: (i, 0)),
        out_shape=jax.ShapeDtypeStruct((NP, D), jnp.float32),
    )(x, w1, degp)


def _tc2_body(agg_ref, hs_ref_in, degp_ref, b_ref, w_ref, hs_ref):
    dis = _dis(degp_ref)
    a = agg_ref[0] + agg_ref[1] + hs_ref_in[...]
    z = jnp.maximum(a * dis + b_ref[...], 0.0)
    h = jnp.dot(z, w_ref[...], preferred_element_type=jnp.float32)
    hs_ref[...] = h * dis


def _tc2(agg, hs, degp, b1, w2):
    return pl.pallas_call(
        _tc2_body,
        grid=(GRID,),
        in_specs=[
            pl.BlockSpec((NC, BLK, D), lambda i: (0, i, 0)),
            pl.BlockSpec((BLK, D), lambda i: (i, 0)),
            pl.BlockSpec((NC, BLK), lambda i: (0, i)),
            pl.BlockSpec((1, D), lambda i: (0, 0)),
            pl.BlockSpec((D, D), lambda i: (0, 0)),
        ],
        out_specs=pl.BlockSpec((BLK, D), lambda i: (i, 0)),
        out_shape=jax.ShapeDtypeStruct((NP, D), jnp.float32),
    )(agg, hs, degp, b1, w2)


def _tc3_body(agg_ref, hs_ref_in, degp_ref, b_ref, out_ref):
    a = agg_ref[0] + agg_ref[1] + hs_ref_in[...]
    out_ref[...] = jnp.maximum(a * _dis(degp_ref) + b_ref[...], 0.0)


def _tc3(agg, hs, degp, b2):
    return pl.pallas_call(
        _tc3_body,
        grid=(GRID,),
        in_specs=[
            pl.BlockSpec((NC, BLK, D), lambda i: (0, i, 0)),
            pl.BlockSpec((BLK, D), lambda i: (i, 0)),
            pl.BlockSpec((NC, BLK), lambda i: (0, i)),
            pl.BlockSpec((1, D), lambda i: (0, 0)),
        ],
        out_specs=pl.BlockSpec((BLK, D), lambda i: (i, 0)),
        out_shape=jax.ShapeDtypeStruct((N, D), jnp.float32),
    )(agg, hs, degp, b2)



def kernel(x, edge_index, W1, b1, W2, b2):
    ei = edge_index.astype(jnp.int32).reshape(2, NCHT, CH)
    b1r = b1.reshape(1, D)
    b2r = b2.reshape(1, D)

    degp = _deg_kernel(ei)
    hs1 = _tc1(x, W1, degp)
    agg1 = _scatter_kernel(hs1, ei)
    hs2 = _tc2(agg1, hs1, degp, b1r, W2)
    agg2 = _scatter_kernel(hs2, ei)
    return _tc3(agg2, hs2, degp, b2r)

# --- scband reference (transcript-rebuilt; emitter-appended) ---
"""Pipeline reference for scband-gcn-encoder-16853451670135 (READ-ONLY COPY).

The authoritative reference and input builder live on the scoring server;
editing this copy changes nothing except your own understanding.
"""

import jax, jax.numpy as jnp
import numpy as np

N_NODES = 10000
N_EDGES = 320000
D_IN = 128
D_HID = 128
D_OUT = 128


def setup_inputs(seed: int = 0) -> dict:
    key = jax.random.key(seed)
    k1, k2, k3, k4, k5, k6 = jax.random.split(key, 6)
    x = jax.random.normal(k1, (N_NODES, D_IN), dtype=jnp.float32)
    edge_index = jax.random.randint(k2, (2, N_EDGES), 0, N_NODES, dtype=jnp.int64)
    # Glorot-style init for GCNConv weights, zeros for bias (PyG default)
    s1 = (6.0 / (D_IN + D_HID)) ** 0.5
    s2 = (6.0 / (D_HID + D_OUT)) ** 0.5
    W1 = jax.random.uniform(k3, (D_IN, D_HID), minval=-s1, maxval=s1, dtype=jnp.float32)
    b1 = jnp.zeros((D_HID,), dtype=jnp.float32)
    W2 = jax.random.uniform(k4, (D_HID, D_OUT), minval=-s2, maxval=s2, dtype=jnp.float32)
    b2 = jnp.zeros((D_OUT,), dtype=jnp.float32)
    return {"x": x, "edge_index": edge_index, "W1": W1, "b1": b1, "W2": W2, "b2": b2}


def _gcn_conv(x, W, b, edge_index, num_nodes):
    # PyG GCNConv: x' = D^{-1/2} (A + I) D^{-1/2} (x W) + b
    h = x @ W
    src = edge_index[0]
    dst = edge_index[1]
    loop = jnp.arange(num_nodes, dtype=src.dtype)
    src = jnp.concatenate([src, loop])
    dst = jnp.concatenate([dst, loop])
    ew = jnp.ones(src.shape[0], dtype=h.dtype)
    deg = jnp.zeros((num_nodes,), dtype=h.dtype).at[dst].add(ew)
    deg_inv_sqrt = jnp.where(deg > 0, deg ** -0.5, 0.0)
    norm = deg_inv_sqrt[src] * ew * deg_inv_sqrt[dst]
    msg = h[src] * norm[:, None]
    out = jnp.zeros((num_nodes, h.shape[1]), dtype=h.dtype).at[dst].add(msg)
    return out + b


def reference(x, edge_index, W1, b1, W2, b2):
    # layer 1: GCNConv -> Identity norm -> relu -> dropout(eval: identity)
    h = _gcn_conv(x, W1, b1, edge_index, N_NODES)
    h = jax.nn.relu(h)
    # layer 2 (last layer, last_activation=True): GCNConv -> Identity -> relu
    h = _gcn_conv(h, W2, b2, edge_index, N_NODES)
    h = jax.nn.relu(h)
    return h

if __name__ == "__main__":
    import jax
    _d = setup_inputs()
    print(jax.jit(kernel)(*tuple(_d.values())))

</pallas_src>

<mosaic_0001>
#map = affine_map<(d0, d1) -> (0, 0)>
#map1 = affine_map<(d0, d1) -> (0, 0, 0)>
module attributes {stable_mosaic.version = 14 : i64} {
  func.func @_scatter_body(%arg0: i32, %arg1: i32, %arg2: memref<10240x128xf32, #tpu.memory_space<hbm>>, %arg3: memref<2x2560x125xi32, #tpu.memory_space<hbm>>, %arg4: memref<2x10240x128xf32, #tpu.memory_space<hbm>>, %arg5: memref<40x125xi32, #tpu.memory_space<vmem>>, %arg6: memref<40x125xi32, #tpu.memory_space<vmem>>, %arg7: memref<125x128xf32, #tpu.memory_space<vmem>>, %arg8: memref<125x128xf32, #tpu.memory_space<vmem>>, %arg9: memref<10240x128xf32, #tpu.memory_space<vmem_shared>>, %arg10: memref<!tpu.dma_semaphore, #tpu.memory_space<semaphore_mem>>, %arg11: memref<!tpu.dma_semaphore, #tpu.memory_space<semaphore_mem>>, %arg12: memref<!tpu.dma_semaphore, #tpu.memory_space<semaphore_mem>>, %arg13: memref<!tpu.dma_semaphore, #tpu.memory_space<semaphore_mem>>) attributes {dimension_semantics = [#tpu.dimension_semantics<core_parallel>, #tpu.dimension_semantics<subcore_parallel>], iteration_bounds = array<i64: 2, 16>, scalar_prefetch = 0 : i64, scratch_operands = 9 : i64, tpu.core_type = #tpu.core_type<sc_vector_subcore>, window_params = [{transform_indices = #map}, {transform_indices = #map1}, {transform_indices = #map1}]} {
    %mul3A = arith.constant 16 : i32
    %mul3A_0 = arith.muli %arg0, %mul3A : i32
    %add3A = arith.addi %mul3A_0, %arg1 : i32
    %mul3A_1 = arith.constant 640 : i32
    %mul3A_2 = arith.muli %arg1, %mul3A_1 : i32
    %broadcast_in_dim3A = arith.constant 0.000000e+00 : f32
    %broadcast_in_dim3A_3 = vector.broadcast %broadcast_in_dim3A : f32 to vector<16xf32>
    %scan3A = arith.constant 0 : i32
    %scan3A_4 = arith.constant 0 : i32
    %scan3A_5 = arith.constant 80 : i32
    %scan3A_6 = arith.addi %scan3A_4, %scan3A_5 : i32
    %scan3A_7 = arith.constant 1 : i32
    %scan3A_8 = scf.for %scan3A_65 = %scan3A_4 to %scan3A_6 step %scan3A_7 iter_args(%scan3A_66 = %scan3A) -> (i32)  : i32 {
      %swap3A = arith.index_cast %scan3A_65 : i32 to index
      %swap3A_67 = arith.constant 0 : index
      %swap3A_68 = tpu.vector_load %arg7[%swap3A, %swap3A_67] {strides = array<i32>} : memref<125x128xf32, #tpu.memory_space<vmem>>, vector<1x16xf32>,
      %swap3A_69 = vector.shape_cast %swap3A_68 : vector<1x16xf32> to vector<16xf32>
      %swap3A_70 = vector.shape_cast %broadcast_in_dim3A_3 : vector<16xf32> to vector<1x16xf32>
      tpu.vector_store %arg7[%swap3A, %swap3A_67], %swap3A_70 {strides = array<i32>} : memref<125x128xf32, #tpu.memory_space<vmem>>, vector<1x16xf32>,
      %swap3A_71 = arith.index_cast %scan3A_65 : i32 to index
      %swap3A_72 = arith.constant 16 : index
      %swap3A_73 = tpu.vector_load %arg7[%swap3A_71, %swap3A_72] {strides = array<i32>} : memref<125x128xf32, #tpu.memory_space<vmem>>, vector<1x16xf32>,
      %swap3A_74 = vector.shape_cast %swap3A_73 : vector<1x16xf32> to vector<16xf32>
      %swap3A_75 = vector.shape_cast %broadcast_in_dim3A_3 : vector<16xf32> to vector<1x16xf32>
      tpu.vector_store %arg7[%swap3A_71, %swap3A_72], %swap3A_75 {strides = array<i32>} : memref<125x128xf32, #tpu.memory_space<vmem>>, vector<1x16xf32>,
      %swap3A_76 = arith.index_cast %scan3A_65 : i32 to index
      %swap3A_77 = arith.constant 32 : index
      %swap3A_78 = tpu.vector_load %arg7[%swap3A_76, %swap3A_77] {strides = array<i32>} : memref<125x128xf32, #tpu.memory_space<vmem>>, vector<1x16xf32>,
      %swap3A_79 = vector.shape_cast %swap3A_78 : vector<1x16xf32> to vector<16xf32>
      %swap3A_80 = vector.shape_cast %broadcast_in_dim3A_3 : vector<16xf32> to vector<1x16xf32>
      tpu.vector_store %arg7[%swap3A_76, %swap3A_77], %swap3A_80 {strides = array<i32>} : memref<125x128xf32, #tpu.memory_space<vmem>>, vector<1x16xf32>,
      %swap3A_81 = arith.index_cast %scan3A_65 : i32 to index
      %swap3A_82 = arith.constant 48 : index
      %swap3A_83 = tpu.vector_load %arg7[%swap3A_81, %swap3A_82] {strides = array<i32>} : memref<125x128xf32, #tpu.memory_space<vmem>>, vector<1x16xf32>,
      %swap3A_84 = vector.shape_cast %swap3A_83 : vector<1x16xf32> to vector<16xf32>
      %swap3A_85 = vector.shape_cast %broadcast_in_dim3A_3 : vector<16xf32> to vector<1x16xf32>
      tpu.vector_store %arg7[%swap3A_81, %swap3A_82], %swap3A_85 {strides = array<i32>} : memref<125x128xf32, #tpu.memory_space<vmem>>, vector<1x16xf32>,
      %swap3A_86 = arith.index_cast %scan3A_65 : i32 to index
      %swap3A_87 = arith.constant 64 : index
      %swap3A_88 = tpu.vector_load %arg7[%swap3A_86, %swap3A_87] {strides = array<i32>} : memref<125x128xf32, #tpu.memory_space<vmem>>, vector<1x16xf32>,
      %swap3A_89 = vector.shape_cast %swap3A_88 : vector<1x16xf32> to vector<16xf32>
      %swap3A_90 = vector.shape_cast %broadcast_in_dim3A_3 : vector<16xf32> to vector<1x16xf32>
      tpu.vector_store %arg7[%swap3A_86, %swap3A_87], %swap3A_90 {strides = array<i32>} : memref<125x128xf32, #tpu.memory_space<vmem>>, vector<1x16xf32>,
      %swap3A_91 = arith.index_cast %scan3A_65 : i32 to index
      %swap3A_92 = arith.constant 80 : index
      %swap3A_93 = tpu.vector_load %arg7[%swap3A_91, %swap3A_92] {strides = array<i32>} : memref<125x128xf32, #tpu.memory_space<vmem>>, vector<1x16xf32>,
      %swap3A_94 = vector.shape_cast %swap3A_93 : vector<1x16xf32> to vector<16xf32>
      %swap3A_95 = vector.shape_cast %broadcast_in_dim3A_3 : vector<16xf32> to vector<1x16xf32>
      tpu.vector_store %arg7[%swap3A_91, %swap3A_92], %swap3A_95 {strides = array<i32>} : memref<125x128xf32, #tpu.memory_space<vmem>>, vector<1x16xf32>,
      %swap3A_96 = arith.index_cast %scan3A_65 : i32 to index
      %swap3A_97 = arith.constant 96 : index
      %swap3A_98 = tpu.vector_load %arg7[%swap3A_96, %swap3A_97] {strides = array<i32>} : memref<125x128xf32, #tpu.memory_space<vmem>>, vector<1x16xf32>,
      %swap3A_99 = vector.shape_cast %swap3A_98 : vector<1x16xf32> to vector<16xf32>
      %swap3A_100 = vector.shape_cast %broadcast_in_dim3A_3 : vector<16xf32> to vector<1x16xf32>
      tpu.vector_store %arg7[%swap3A_96, %swap3A_97], %swap3A_100 {strides = array<i32>} : memref<125x128xf32, #tpu.memory_space<vmem>>, vector<1x16xf32>,
      %swap3A_101 = arith.index_cast %scan3A_65 : i32 to index
      %swap3A_102 = arith.constant 112 : index
      %swap3A_103 = tpu.vector_load %arg7[%swap3A_101, %swap3A_102] {strides = array<i32>} : memref<125x128xf32, #tpu.memory_space<vmem>>, vector<1x16xf32>,
      %swap3A_104 = vector.shape_cast %swap3A_103 : vector<1x16xf32> to vector<16xf32>
      %swap3A_105 = vector.shape_cast %broadcast_in_dim3A_3 : vector<16xf32> to vector<1x16xf32>
      tpu.vector_store %arg7[%swap3A_101, %swap3A_102], %swap3A_105 {strides = array<i32>} : memref<125x128xf32, #tpu.memory_space<vmem>>, vector<1x16xf32>,
      %scan3A_106 = arith.constant 0 : i32
      scf.yield %scan3A_106 : i32
    }
    %scan3A_9 = arith.constant 80 : i32
    %add3A_10 = arith.constant 0 : i32
    %add3A_11 = arith.addi %mul3A_2, %add3A_10 : i32
    "tpu.region"() ({
      %run_scoped3A_65 = tpu.sem_alloc : memref<!tpu.dma_semaphore, #tpu.memory_space<semaphore_mem>>
      %dma_start3A_66 = arith.constant 0 : i32
      %dma_start3A_67 = arith.constant 0 : i32
      %dma_start3A_68 = tpu.memref_slice %arg7[%dma_start3A_66, %dma_start3A_67] : memref<125x128xf32, #tpu.memory_space<vmem>> -> memref<80x128xf32, #tpu.memory_space<vmem>>
      %dma_start3A_69 = arith.constant 0 : i32
      %dma_start3A_70 = tpu.memref_slice %arg9[%add3A_11, %dma_start3A_69] : memref<10240x128xf32, #tpu.memory_space<vmem_shared>> -> memref<80x128xf32, #tpu.memory_space<vmem_shared>>
      %dma_start3A_71 = arith.constant 0 : i32
      %dma_start3A_72 = tpu.memref_slice %arg9[%add3A_11, %dma_start3A_71] : memref<10240x128xf32, #tpu.memory_space<vmem_shared>> -> memref<80x128xf32, #tpu.memory_space<vmem_shared>>
      %dma_start3A_73 = arith.constant 0 : i32
      %dma_start3A_74 = arith.constant 0 : i32
      %dma_start3A_75 = tpu.memref_slice %arg7[%dma_start3A_73, %dma_start3A_74] : memref<125x128xf32, #tpu.memory_space<vmem>> -> memref<80x128xf32, #tpu.memory_space<vmem>>
      tpu.enqueue_dma source(%dma_start3A_75 : memref<80x128xf32, #tpu.memory_space<vmem>>) target(%dma_start3A_72 : memref<80x128xf32, #tpu.memory_space<vmem_shared>>) target_semaphore(%run_scoped3A_65 : memref<!tpu.dma_semaphore, #tpu.memory_space<semaphore_mem>>)
      %dma_wait3A = arith.constant 0 : i32
      %dma_wait3A_76 = arith.constant 0 : i32
      %dma_wait3A_77 = tpu.memref_slice %arg7[%dma_wait3A, %dma_wait3A_76] : memref<125x128xf32, #tpu.memory_space<vmem>> -> memref<80x128xf32, #tpu.memory_space<vmem>>
      %dma_wait3A_78 = arith.constant 0 : i32
      %dma_wait3A_79 = tpu.memref_slice %arg9[%add3A_11, %dma_wait3A_78] : memref<10240x128xf32, #tpu.memory_space<vmem_shared>> -> memref<80x128xf32, #tpu.memory_space<vmem_shared>>
      %dma_wait3A_80 = arith.constant 0 : i32
      %dma_wait3A_81 = tpu.memref_slice %arg9[%add3A_11, %dma_wait3A_80] : memref<10240x128xf32, #tpu.memory_space<vmem_shared>> -> memref<80x128xf32, #tpu.memory_space<vmem_shared>>
      %dma_wait3A_82 = arith.constant 0 : i32
      %dma_wait3A_83 = arith.constant 0 : i32
      %dma_wait3A_84 = tpu.memref_slice %arg7[%dma_wait3A_82, %dma_wait3A_83] : memref<125x128xf32, #tpu.memory_space<vmem>> -> memref<80x128xf32, #tpu.memory_space<vmem>>
      tpu.wait_dma2 semaphore(%run_scoped3A_65 : memref<!tpu.dma_semaphore, #tpu.memory_space<semaphore_mem>>) src(%dma_wait3A_84 : memref<80x128xf32, #tpu.memory_space<vmem>>) dst(%dma_wait3A_81 : memref<80x128xf32, #tpu.memory_space<vmem_shared>>)
      tpu.yield
    }) : () -> ()
    %add3A_12 = arith.constant 80 : i32
    %add3A_13 = arith.addi %mul3A_2, %add3A_12 : i32
    "tpu.region"() ({
      %run_scoped3A_65 = tpu.sem_alloc : memref<!tpu.dma_semaphore, #tpu.memory_space<semaphore_mem>>
      %dma_start3A_66 = arith.constant 0 : i32
      %dma_start3A_67 = arith.constant 0 : i32
      %dma_start3A_68 = tpu.memref_slice %arg7[%dma_start3A_66, %dma_start3A_67] : memref<125x128xf32, #tpu.memory_space<vmem>> -> memref<80x128xf32, #tpu.memory_space<vmem>>
      %dma_start3A_69 = arith.constant 0 : i32
      %dma_start3A_70 = tpu.memref_slice %arg9[%add3A_13, %dma_start3A_69] : memref<10240x128xf32, #tpu.memory_space<vmem_shared>> -> memref<80x128xf32, #tpu.memory_space<vmem_shared>>
      %dma_start3A_71 = arith.constant 0 : i32
      %dma_start3A_72 = tpu.memref_slice %arg9[%add3A_13, %dma_start3A_71] : memref<10240x128xf32, #tpu.memory_space<vmem_shared>> -> memref<80x128xf32, #tpu.memory_space<vmem_shared>>
      %dma_start3A_73 = arith.constant 0 : i32
      %dma_start3A_74 = arith.constant 0 : i32
      %dma_start3A_75 = tpu.memref_slice %arg7[%dma_start3A_73, %dma_start3A_74] : memref<125x128xf32, #tpu.memory_space<vmem>> -> memref<80x128xf32, #tpu.memory_space<vmem>>
      tpu.enqueue_dma source(%dma_start3A_75 : memref<80x128xf32, #tpu.memory_space<vmem>>) target(%dma_start3A_72 : memref<80x128xf32, #tpu.memory_space<vmem_shared>>) target_semaphore(%run_scoped3A_65 : memref<!tpu.dma_semaphore, #tpu.memory_space<semaphore_mem>>)
      %dma_wait3A = arith.constant 0 : i32
      %dma_wait3A_76 = arith.constant 0 : i32
      %dma_wait3A_77 = tpu.memref_slice %arg7[%dma_wait3A, %dma_wait3A_76] : memref<125x128xf32, #tpu.memory_space<vmem>> -> memref<80x128xf32, #tpu.memory_space<vmem>>
      %dma_wait3A_78 = arith.constant 0 : i32
      %dma_wait3A_79 = tpu.memref_slice %arg9[%add3A_13, %dma_wait3A_78] : memref<10240x128xf32, #tpu.memory_space<vmem_shared>> -> memref<80x128xf32, #tpu.memory_space<vmem_shared>>
      %dma_wait3A_80 = arith.constant 0 : i32
      %dma_wait3A_81 = tpu.memref_slice %arg9[%add3A_13, %dma_wait3A_80] : memref<10240x128xf32, #tpu.memory_space<vmem_shared>> -> memref<80x128xf32, #tpu.memory_space<vmem_shared>>
      %dma_wait3A_82 = arith.constant 0 : i32
      %dma_wait3A_83 = arith.constant 0 : i32
      %dma_wait3A_84 = tpu.memref_slice %arg7[%dma_wait3A_82, %dma_wait3A_83] : memref<125x128xf32, #tpu.memory_space<vmem>> -> memref<80x128xf32, #tpu.memory_space<vmem>>
      tpu.wait_dma2 semaphore(%run_scoped3A_65 : memref<!tpu.dma_semaphore, #tpu.memory_space<semaphore_mem>>) src(%dma_wait3A_84 : memref<80x128xf32, #tpu.memory_space<vmem>>) dst(%dma_wait3A_81 : memref<80x128xf32, #tpu.memory_space<vmem_shared>>)
      tpu.yield
    }) : () -> ()
    %add3A_14 = arith.constant 160 : i32
    %add3A_15 = arith.addi %mul3A_2, %add3A_14 : i32
    "tpu.region"() ({
      %run_scoped3A_65 = tpu.sem_alloc : memref<!tpu.dma_semaphore, #tpu.memory_space<semaphore_mem>>
      %dma_start3A_66 = arith.constant 0 : i32
      %dma_start3A_67 = arith.constant 0 : i32
      %dma_start3A_68 = tpu.memref_slice %arg7[%dma_start3A_66, %dma_start3A_67] : memref<125x128xf32, #tpu.memory_space<vmem>> -> memref<80x128xf32, #tpu.memory_space<vmem>>
      %dma_start3A_69 = arith.constant 0 : i32
      %dma_start3A_70 = tpu.memref_slice %arg9[%add3A_15, %dma_start3A_69] : memref<10240x128xf32, #tpu.memory_space<vmem_shared>> -> memref<80x128xf32, #tpu.memory_space<vmem_shared>>
      %dma_start3A_71 = arith.constant 0 : i32
      %dma_start3A_72 = tpu.memref_slice %arg9[%add3A_15, %dma_start3A_71] : memref<10240x128xf32, #tpu.memory_space<vmem_shared>> -> memref<80x128xf32, #tpu.memory_space<vmem_shared>>
      %dma_start3A_73 = arith.constant 0 : i32
      %dma_start3A_74 = arith.constant 0 : i32
      %dma_start3A_75 = tpu.memref_slice %arg7[%dma_start3A_73, %dma_start3A_74] : memref<125x128xf32, #tpu.memory_space<vmem>> -> memref<80x128xf32, #tpu.memory_space<vmem>>
      tpu.enqueue_dma source(%dma_start3A_75 : memref<80x128xf32, #tpu.memory_space<vmem>>) target(%dma_start3A_72 : memref<80x128xf32, #tpu.memory_space<vmem_shared>>) target_semaphore(%run_scoped3A_65 : memref<!tpu.dma_semaphore, #tpu.memory_space<semaphore_mem>>)
      %dma_wait3A = arith.constant 0 : i32
      %dma_wait3A_76 = arith.constant 0 : i32
      %dma_wait3A_77 = tpu.memref_slice %arg7[%dma_wait3A, %dma_wait3A_76] : memref<125x128xf32, #tpu.memory_space<vmem>> -> memref<80x128xf32, #tpu.memory_space<vmem>>
      %dma_wait3A_78 = arith.constant 0 : i32
      %dma_wait3A_79 = tpu.memref_slice %arg9[%add3A_15, %dma_wait3A_78] : memref<10240x128xf32, #tpu.memory_space<vmem_shared>> -> memref<80x128xf32, #tpu.memory_space<vmem_shared>>
      %dma_wait3A_80 = arith.constant 0 : i32
      %dma_wait3A_81 = tpu.memref_slice %arg9[%add3A_15, %dma_wait3A_80] : memref<10240x128xf32, #tpu.memory_space<vmem_shared>> -> memref<80x128xf32, #tpu.memory_space<vmem_shared>>
      %dma_wait3A_82 = arith.constant 0 : i32
      %dma_wait3A_83 = arith.constant 0 : i32
      %dma_wait3A_84 = tpu.memref_slice %arg7[%dma_wait3A_82, %dma_wait3A_83] : memref<125x128xf32, #tpu.memory_space<vmem>> -> memref<80x128xf32, #tpu.memory_space<vmem>>
      tpu.wait_dma2 semaphore(%run_scoped3A_65 : memref<!tpu.dma_semaphore, #tpu.memory_space<semaphore_mem>>) src(%dma_wait3A_84 : memref<80x128xf32, #tpu.memory_space<vmem>>) dst(%dma_wait3A_81 : memref<80x128xf32, #tpu.memory_space<vmem_shared>>)
      tpu.yield
    }) : () -> ()
    %add3A_16 = arith.constant 240 : i32
    %add3A_17 = arith.addi %mul3A_2, %add3A_16 : i32
    "tpu.region"() ({
      %run_scoped3A_65 = tpu.sem_alloc : memref<!tpu.dma_semaphore, #tpu.memory_space<semaphore_mem>>
      %dma_start3A_66 = arith.constant 0 : i32
      %dma_start3A_67 = arith.constant 0 : i32
      %dma_start3A_68 = tpu.memref_slice %arg7[%dma_start3A_66, %dma_start3A_67] : memref<125x128xf32, #tpu.memory_space<vmem>> -> memref<80x128xf32, #tpu.memory_space<vmem>>
      %dma_start3A_69 = arith.constant 0 : i32
      %dma_start3A_70 = tpu.memref_slice %arg9[%add3A_17, %dma_start3A_69] : memref<10240x128xf32, #tpu.memory_space<vmem_shared>> -> memref<80x128xf32, #tpu.memory_space<vmem_shared>>
      %dma_start3A_71 = arith.constant 0 : i32
      %dma_start3A_72 = tpu.memref_slice %arg9[%add3A_17, %dma_start3A_71] : memref<10240x128xf32, #tpu.memory_space<vmem_shared>> -> memref<80x128xf32, #tpu.memory_space<vmem_shared>>
      %dma_start3A_73 = arith.constant 0 : i32
      %dma_start3A_74 = arith.constant 0 : i32
      %dma_start3A_75 = tpu.memref_slice %arg7[%dma_start3A_73, %dma_start3A_74] : memref<125x128xf32, #tpu.memory_space<vmem>> -> memref<80x128xf32, #tpu.memory_space<vmem>>
      tpu.enqueue_dma source(%dma_start3A_75 : memref<80x128xf32, #tpu.memory_space<vmem>>) target(%dma_start3A_72 : memref<80x128xf32, #tpu.memory_space<vmem_shared>>) target_semaphore(%run_scoped3A_65 : memref<!tpu.dma_semaphore, #tpu.memory_space<semaphore_mem>>)
      %dma_wait3A = arith.constant 0 : i32
      %dma_wait3A_76 = arith.constant 0 : i32
      %dma_wait3A_77 = tpu.memref_slice %arg7[%dma_wait3A, %dma_wait3A_76] : memref<125x128xf32, #tpu.memory_space<vmem>> -> memref<80x128xf32, #tpu.memory_space<vmem>>
      %dma_wait3A_78 = arith.constant 0 : i32
      %dma_wait3A_79 = tpu.memref_slice %arg9[%add3A_17, %dma_wait3A_78] : memref<10240x128xf32, #tpu.memory_space<vmem_shared>> -> memref<80x128xf32, #tpu.memory_space<vmem_shared>>
      %dma_wait3A_80 = arith.constant 0 : i32
      %dma_wait3A_81 = tpu.memref_slice %arg9[%add3A_17, %dma_wait3A_80] : memref<10240x128xf32, #tpu.memory_space<vmem_shared>> -> memref<80x128xf32, #tpu.memory_space<vmem_shared>>
      %dma_wait3A_82 = arith.constant 0 : i32
      %dma_wait3A_83 = arith.constant 0 : i32
      %dma_wait3A_84 = tpu.memref_slice %arg7[%dma_wait3A_82, %dma_wait3A_83] : memref<125x128xf32, #tpu.memory_space<vmem>> -> memref<80x128xf32, #tpu.memory_space<vmem>>
      tpu.wait_dma2 semaphore(%run_scoped3A_65 : memref<!tpu.dma_semaphore, #tpu.memory_space<semaphore_mem>>) src(%dma_wait3A_84 : memref<80x128xf32, #tpu.memory_space<vmem>>) dst(%dma_wait3A_81 : memref<80x128xf32, #tpu.memory_space<vmem_shared>>)
      tpu.yield
    }) : () -> ()
    %add3A_18 = arith.constant 320 : i32
    %add3A_19 = arith.addi %mul3A_2, %add3A_18 : i32
    "tpu.region"() ({
      %run_scoped3A_65 = tpu.sem_alloc : memref<!tpu.dma_semaphore, #tpu.memory_space<semaphore_mem>>
      %dma_start3A_66 = arith.constant 0 : i32
      %dma_start3A_67 = arith.constant 0 : i32
      %dma_start3A_68 = tpu.memref_slice %arg7[%dma_start3A_66, %dma_start3A_67] : memref<125x128xf32, #tpu.memory_space<vmem>> -> memref<80x128xf32, #tpu.memory_space<vmem>>
      %dma_start3A_69 = arith.constant 0 : i32
      %dma_start3A_70 = tpu.memref_slice %arg9[%add3A_19, %dma_start3A_69] : memref<10240x128xf32, #tpu.memory_space<vmem_shared>> -> memref<80x128xf32, #tpu.memory_space<vmem_shared>>
      %dma_start3A_71 = arith.constant 0 : i32
      %dma_start3A_72 = tpu.memref_slice %arg9[%add3A_19, %dma_start3A_71] : memref<10240x128xf32, #tpu.memory_space<vmem_shared>> -> memref<80x128xf32, #tpu.memory_space<vmem_shared>>
      %dma_start3A_73 = arith.constant 0 : i32
      %dma_start3A_74 = arith.constant 0 : i32
      %dma_start3A_75 = tpu.memref_slice %arg7[%dma_start3A_73, %dma_start3A_74] : memref<125x128xf32, #tpu.memory_space<vmem>> -> memref<80x128xf32, #tpu.memory_space<vmem>>
      tpu.enqueue_dma source(%dma_start3A_75 : memref<80x128xf32, #tpu.memory_space<vmem>>) target(%dma_start3A_72 : memref<80x128xf32, #tpu.memory_space<vmem_shared>>) target_semaphore(%run_scoped3A_65 : memref<!tpu.dma_semaphore, #tpu.memory_space<semaphore_mem>>)
      %dma_wait3A = arith.constant 0 : i32
      %dma_wait3A_76 = arith.constant 0 : i32
      %dma_wait3A_77 = tpu.memref_slice %arg7[%dma_wait3A, %dma_wait3A_76] : memref<125x128xf32, #tpu.memory_space<vmem>> -> memref<80x128xf32, #tpu.memory_space<vmem>>
      %dma_wait3A_78 = arith.constant 0 : i32
      %dma_wait3A_79 = tpu.memref_slice %arg9[%add3A_19, %dma_wait3A_78] : memref<10240x128xf32, #tpu.memory_space<vmem_shared>> -> memref<80x128xf32, #tpu.memory_space<vmem_shared>>
      %dma_wait3A_80 = arith.constant 0 : i32
      %dma_wait3A_81 = tpu.memref_slice %arg9[%add3A_19, %dma_wait3A_80] : memref<10240x128xf32, #tpu.memory_space<vmem_shared>> -> memref<80x128xf32, #tpu.memory_space<vmem_shared>>
      %dma_wait3A_82 = arith.constant 0 : i32
      %dma_wait3A_83 = arith.constant 0 : i32
      %dma_wait3A_84 = tpu.memref_slice %arg7[%dma_wait3A_82, %dma_wait3A_83] : memref<125x128xf32, #tpu.memory_space<vmem>> -> memref<80x128xf32, #tpu.memory_space<vmem>>
      tpu.wait_dma2 semaphore(%run_scoped3A_65 : memref<!tpu.dma_semaphore, #tpu.memory_space<semaphore_mem>>) src(%dma_wait3A_84 : memref<80x128xf32, #tpu.memory_space<vmem>>) dst(%dma_wait3A_81 : memref<80x128xf32, #tpu.memory_space<vmem_shared>>)
      tpu.yield
    }) : () -> ()
    %add3A_20 = arith.constant 400 : i32
    %add3A_21 = arith.addi %mul3A_2, %add3A_20 : i32
    "tpu.region"() ({
      %run_scoped3A_65 = tpu.sem_alloc : memref<!tpu.dma_semaphore, #tpu.memory_space<semaphore_mem>>
      %dma_start3A_66 = arith.constant 0 : i32
      %dma_start3A_67 = arith.constant 0 : i32
      %dma_start3A_68 = tpu.memref_slice %arg7[%dma_start3A_66, %dma_start3A_67] : memref<125x128xf32, #tpu.memory_space<vmem>> -> memref<80x128xf32, #tpu.memory_space<vmem>>
      %dma_start3A_69 = arith.constant 0 : i32
      %dma_start3A_70 = tpu.memref_slice %arg9[%add3A_21, %dma_start3A_69] : memref<10240x128xf32, #tpu.memory_space<vmem_shared>> -> memref<80x128xf32, #tpu.memory_space<vmem_shared>>
      %dma_start3A_71 = arith.constant 0 : i32
      %dma_start3A_72 = tpu.memref_slice %arg9[%add3A_21, %dma_start3A_71] : memref<10240x128xf32, #tpu.memory_space<vmem_shared>> -> memref<80x128xf32, #tpu.memory_space<vmem_shared>>
      %dma_start3A_73 = arith.constant 0 : i32
      %dma_start3A_74 = arith.constant 0 : i32
      %dma_start3A_75 = tpu.memref_slice %arg7[%dma_start3A_73, %dma_start3A_74] : memref<125x128xf32, #tpu.memory_space<vmem>> -> memref<80x128xf32, #tpu.memory_space<vmem>>
      tpu.enqueue_dma source(%dma_start3A_75 : memref<80x128xf32, #tpu.memory_space<vmem>>) target(%dma_start3A_72 : memref<80x128xf32, #tpu.memory_space<vmem_shared>>) target_semaphore(%run_scoped3A_65 : memref<!tpu.dma_semaphore, #tpu.memory_space<semaphore_mem>>)
      %dma_wait3A = arith.constant 0 : i32
      %dma_wait3A_76 = arith.constant 0 : i32
      %dma_wait3A_77 = tpu.memref_slice %arg7[%dma_wait3A, %dma_wait3A_76] : memref<125x128xf32, #tpu.memory_space<vmem>> -> memref<80x128xf32, #tpu.memory_space<vmem>>
      %dma_wait3A_78 = arith.constant 0 : i32
      %dma_wait3A_79 = tpu.memref_slice %arg9[%add3A_21, %dma_wait3A_78] : memref<10240x128xf32, #tpu.memory_space<vmem_shared>> -> memref<80x128xf32, #tpu.memory_space<vmem_shared>>
      %dma_wait3A_80 = arith.constant 0 : i32
      %dma_wait3A_81 = tpu.memref_slice %arg9[%add3A_21, %dma_wait3A_80] : memref<10240x128xf32, #tpu.memory_space<vmem_shared>> -> memref<80x128xf32, #tpu.memory_space<vmem_shared>>
      %dma_wait3A_82 = arith.constant 0 : i32
      %dma_wait3A_83 = arith.constant 0 : i32
      %dma_wait3A_84 = tpu.memref_slice %arg7[%dma_wait3A_82, %dma_wait3A_83] : memref<125x128xf32, #tpu.memory_space<vmem>> -> memref<80x128xf32, #tpu.memory_space<vmem>>
      tpu.wait_dma2 semaphore(%run_scoped3A_65 : memref<!tpu.dma_semaphore, #tpu.memory_space<semaphore_mem>>) src(%dma_wait3A_84 : memref<80x128xf32, #tpu.memory_space<vmem>>) dst(%dma_wait3A_81 : memref<80x128xf32, #tpu.memory_space<vmem_shared>>)
      tpu.yield
    }) : () -> ()
    %add3A_22 = arith.constant 480 : i32
    %add3A_23 = arith.addi %mul3A_2, %add3A_22 : i32
    "tpu.region"() ({
      %run_scoped3A_65 = tpu.sem_alloc : memref<!tpu.dma_semaphore, #tpu.memory_space<semaphore_mem>>
      %dma_start3A_66 = arith.constant 0 : i32
      %dma_start3A_67 = arith.constant 0 : i32
      %dma_start3A_68 = tpu.memref_slice %arg7[%dma_start3A_66, %dma_start3A_67] : memref<125x128xf32, #tpu.memory_space<vmem>> -> memref<80x128xf32, #tpu.memory_space<vmem>>
      %dma_start3A_69 = arith.constant 0 : i32
      %dma_start3A_70 = tpu.memref_slice %arg9[%add3A_23, %dma_start3A_69] : memref<10240x128xf32, #tpu.memory_space<vmem_shared>> -> memref<80x128xf32, #tpu.memory_space<vmem_shared>>
      %dma_start3A_71 = arith.constant 0 : i32
      %dma_start3A_72 = tpu.memref_slice %arg9[%add3A_23, %dma_start3A_71] : memref<10240x128xf32, #tpu.memory_space<vmem_shared>> -> memref<80x128xf32, #tpu.memory_space<vmem_shared>>
      %dma_start3A_73 = arith.constant 0 : i32
      %dma_start3A_74 = arith.constant 0 : i32
      %dma_start3A_75 = tpu.memref_slice %arg7[%dma_start3A_73, %dma_start3A_74] : memref<125x128xf32, #tpu.memory_space<vmem>> -> memref<80x128xf32, #tpu.memory_space<vmem>>
      tpu.enqueue_dma source(%dma_start3A_75 : memref<80x128xf32, #tpu.memory_space<vmem>>) target(%dma_start3A_72 : memref<80x128xf32, #tpu.memory_space<vmem_shared>>) target_semaphore(%run_scoped3A_65 : memref<!tpu.dma_semaphore, #tpu.memory_space<semaphore_mem>>)
      %dma_wait3A = arith.constant 0 : i32
      %dma_wait3A_76 = arith.constant 0 : i32
      %dma_wait3A_77 = tpu.memref_slice %arg7[%dma_wait3A, %dma_wait3A_76] : memref<125x128xf32, #tpu.memory_space<vmem>> -> memref<80x128xf32, #tpu.memory_space<vmem>>
      %dma_wait3A_78 = arith.constant 0 : i32
      %dma_wait3A_79 = tpu.memref_slice %arg9[%add3A_23, %dma_wait3A_78] : memref<10240x128xf32, #tpu.memory_space<vmem_shared>> -> memref<80x128xf32, #tpu.memory_space<vmem_shared>>
      %dma_wait3A_80 = arith.constant 0 : i32
      %dma_wait3A_81 = tpu.memref_slice %arg9[%add3A_23, %dma_wait3A_80] : memref<10240x128xf32, #tpu.memory_space<vmem_shared>> -> memref<80x128xf32, #tpu.memory_space<vmem_shared>>
      %dma_wait3A_82 = arith.constant 0 : i32
      %dma_wait3A_83 = arith.constant 0 : i32
      %dma_wait3A_84 = tpu.memref_slice %arg7[%dma_wait3A_82, %dma_wait3A_83] : memref<125x128xf32, #tpu.memory_space<vmem>> -> memref<80x128xf32, #tpu.memory_space<vmem>>
      tpu.wait_dma2 semaphore(%run_scoped3A_65 : memref<!tpu.dma_semaphore, #tpu.memory_space<semaphore_mem>>) src(%dma_wait3A_84 : memref<80x128xf32, #tpu.memory_space<vmem>>) dst(%dma_wait3A_81 : memref<80x128xf32, #tpu.memory_space<vmem_shared>>)
      tpu.yield
    }) : () -> ()
    %add3A_24 = arith.constant 560 : i32
    %add3A_25 = arith.addi %mul3A_2, %add3A_24 : i32
    "tpu.region"() ({
      %run_scoped3A_65 = tpu.sem_alloc : memref<!tpu.dma_semaphore, #tpu.memory_space<semaphore_mem>>
      %dma_start3A_66 = arith.constant 0 : i32
      %dma_start3A_67 = arith.constant 0 : i32
      %dma_start3A_68 = tpu.memref_slice %arg7[%dma_start3A_66, %dma_start3A_67] : memref<125x128xf32, #tpu.memory_space<vmem>> -> memref<80x128xf32, #tpu.memory_space<vmem>>
      %dma_start3A_69 = arith.constant 0 : i32
      %dma_start3A_70 = tpu.memref_slice %arg9[%add3A_25, %dma_start3A_69] : memref<10240x128xf32, #tpu.memory_space<vmem_shared>> -> memref<80x128xf32, #tpu.memory_space<vmem_shared>>
      %dma_start3A_71 = arith.constant 0 : i32
      %dma_start3A_72 = tpu.memref_slice %arg9[%add3A_25, %dma_start3A_71] : memref<10240x128xf32, #tpu.memory_space<vmem_shared>> -> memref<80x128xf32, #tpu.memory_space<vmem_shared>>
      %dma_start3A_73 = arith.constant 0 : i32
      %dma_start3A_74 = arith.constant 0 : i32
      %dma_start3A_75 = tpu.memref_slice %arg7[%dma_start3A_73, %dma_start3A_74] : memref<125x128xf32, #tpu.memory_space<vmem>> -> memref<80x128xf32, #tpu.memory_space<vmem>>
      tpu.enqueue_dma source(%dma_start3A_75 : memref<80x128xf32, #tpu.memory_space<vmem>>) target(%dma_start3A_72 : memref<80x128xf32, #tpu.memory_space<vmem_shared>>) target_semaphore(%run_scoped3A_65 : memref<!tpu.dma_semaphore, #tpu.memory_space<semaphore_mem>>)
      %dma_wait3A = arith.constant 0 : i32
      %dma_wait3A_76 = arith.constant 0 : i32
      %dma_wait3A_77 = tpu.memref_slice %arg7[%dma_wait3A, %dma_wait3A_76] : memref<125x128xf32, #tpu.memory_space<vmem>> -> memref<80x128xf32, #tpu.memory_space<vmem>>
      %dma_wait3A_78 = arith.constant 0 : i32
      %dma_wait3A_79 = tpu.memref_slice %arg9[%add3A_25, %dma_wait3A_78] : memref<10240x128xf32, #tpu.memory_space<vmem_shared>> -> memref<80x128xf32, #tpu.memory_space<vmem_shared>>
      %dma_wait3A_80 = arith.constant 0 : i32
      %dma_wait3A_81 = tpu.memref_slice %arg9[%add3A_25, %dma_wait3A_80] : memref<10240x128xf32, #tpu.memory_space<vmem_shared>> -> memref<80x128xf32, #tpu.memory_space<vmem_shared>>
      %dma_wait3A_82 = arith.constant 0 : i32
      %dma_wait3A_83 = arith.constant 0 : i32
      %dma_wait3A_84 = tpu.memref_slice %arg7[%dma_wait3A_82, %dma_wait3A_83] : memref<125x128xf32, #tpu.memory_space<vmem>> -> memref<80x128xf32, #tpu.memory_space<vmem>>
      tpu.wait_dma2 semaphore(%run_scoped3A_65 : memref<!tpu.dma_semaphore, #tpu.memory_space<semaphore_mem>>) src(%dma_wait3A_84 : memref<80x128xf32, #tpu.memory_space<vmem>>) dst(%dma_wait3A_81 : memref<80x128xf32, #tpu.memory_space<vmem_shared>>)
      tpu.yield
    }) : () -> ()
    %barrier3A = arith.constant 0 : index
    tpu.barrier barrier_id(%barrier3A)
    %mul3A_26 = arith.constant 80 : i32
    %mul3A_27 = arith.muli %add3A, %mul3A_26 : i32
    %add3A_28 = arith.constant 0 : i32
    %add3A_29 = arith.addi %mul3A_27, %add3A_28 : i32
    %run_scoped3A = arith.constant 0 : i32
    "tpu.region"() ({
      %run_scoped3A_65 = tpu.sem_alloc : memref<!tpu.dma_semaphore, #tpu.memory_space<semaphore_mem>>
      %dma_start3A_66 = arith.constant 0 : i32
      %dma_start3A_67 = tpu.memref_slice %arg3[%run_scoped3A, %add3A_29, %dma_start3A_66] : memref<2x2560x125xi32, #tpu.memory_space<hbm>> -> memref<1x40x125xi32, #tpu.memory_space<hbm>>
      %dma_start3A_68 = tpu.memref_squeeze %dma_start3A_67 : memref<1x40x125xi32, #tpu.memory_space<hbm>> -> memref<40x125xi32, #tpu.memory_space<hbm>>
      %dma_start3A_69 = arith.constant 0 : i32
      %dma_start3A_70 = tpu.memref_slice %arg3[%run_scoped3A, %add3A_29, %dma_start3A_69] : memref<2x2560x125xi32, #tpu.memory_space<hbm>> -> memref<1x40x125xi32, #tpu.memory_space<hbm>>
      %dma_start3A_71 = tpu.memref_squeeze %dma_start3A_70 : memref<1x40x125xi32, #tpu.memory_space<hbm>> -> memref<40x125xi32, #tpu.memory_space<hbm>>
      tpu.enqueue_dma source(%dma_start3A_71 : memref<40x125xi32, #tpu.memory_space<hbm>>) target(%arg5 : memref<40x125xi32, #tpu.memory_space<vmem>>) target_semaphore(%run_scoped3A_65 : memref<!tpu.dma_semaphore, #tpu.memory_space<semaphore_mem>>)
      %dma_wait3A = arith.constant 0 : i32
      %dma_wait3A_72 = tpu.memref_slice %arg3[%run_scoped3A, %add3A_29, %dma_wait3A] : memref<2x2560x125xi32, #tpu.memory_space<hbm>> -> memref<1x40x125xi32, #tpu.memory_space<hbm>>
      %dma_wait3A_73 = tpu.memref_squeeze %dma_wait3A_72 : memref<1x40x125xi32, #tpu.memory_space<hbm>> -> memref<40x125xi32, #tpu.memory_space<hbm>>
      %dma_wait3A_74 = arith.constant 0 : i32
      %dma_wait3A_75 = tpu.memref_slice %arg3[%run_scoped3A, %add3A_29, %dma_wait3A_74] : memref<2x2560x125xi32, #tpu.memory_space<hbm>> -> memref<1x40x125xi32, #tpu.memory_space<hbm>>
      %dma_wait3A_76 = tpu.memref_squeeze %dma_wait3A_75 : memref<1x40x125xi32, #tpu.memory_space<hbm>> -> memref<40x125xi32, #tpu.memory_space<hbm>>
      tpu.wait_dma2 semaphore(%run_scoped3A_65 : memref<!tpu.dma_semaphore, #tpu.memory_space<semaphore_mem>>) src(%dma_wait3A_76 : memref<40x125xi32, #tpu.memory_space<hbm>>) dst(%arg5 : memref<40x125xi32, #tpu.memory_space<vmem>>)
      tpu.yield
    }) : () -> ()
    %run_scoped3A_30 = arith.constant 1 : i32
    "tpu.region"() ({
      %run_scoped3A_65 = tpu.sem_alloc : memref<!tpu.dma_semaphore, #tpu.memory_space<semaphore_mem>>
      %dma_start3A_66 = arith.constant 0 : i32
      %dma_start3A_67 = tpu.memref_slice %arg3[%run_scoped3A_30, %add3A_29, %dma_start3A_66] : memref<2x2560x125xi32, #tpu.memory_space<hbm>> -> memref<1x40x125xi32, #tpu.memory_space<hbm>>
      %dma_start3A_68 = tpu.memref_squeeze %dma_start3A_67 : memref<1x40x125xi32, #tpu.memory_space<hbm>> -> memref<40x125xi32, #tpu.memory_space<hbm>>
      %dma_start3A_69 = arith.constant 0 : i32
      %dma_start3A_70 = tpu.memref_slice %arg3[%run_scoped3A_30, %add3A_29, %dma_start3A_69] : memref<2x2560x125xi32, #tpu.memory_space<hbm>> -> memref<1x40x125xi32, #tpu.memory_space<hbm>>
      %dma_start3A_71 = tpu.memref_squeeze %dma_start3A_70 : memref<1x40x125xi32, #tpu.memory_space<hbm>> -> memref<40x125xi32, #tpu.memory_space<hbm>>
      tpu.enqueue_dma source(%dma_start3A_71 : memref<40x125xi32, #tpu.memory_space<hbm>>) target(%arg6 : memref<40x125xi32, #tpu.memory_space<vmem>>) target_semaphore(%run_scoped3A_65 : memref<!tpu.dma_semaphore, #tpu.memory_space<semaphore_mem>>)
      %dma_wait3A = arith.constant 0 : i32
      %dma_wait3A_72 = tpu.memref_slice %arg3[%run_scoped3A_30, %add3A_29, %dma_wait3A] : memref<2x2560x125xi32, #tpu.memory_space<hbm>> -> memref<1x40x125xi32, #tpu.memory_space<hbm>>
      %dma_wait3A_73 = tpu.memref_squeeze %dma_wait3A_72 : memref<1x40x125xi32, #tpu.memory_space<hbm>> -> memref<40x125xi32, #tpu.memory_space<hbm>>
      %dma_wait3A_74 = arith.constant 0 : i32
      %dma_wait3A_75 = tpu.memref_slice %arg3[%run_scoped3A_30, %add3A_29, %dma_wait3A_74] : memref<2x2560x125xi32, #tpu.memory_space<hbm>> -> memref<1x40x125xi32, #tpu.memory_space<hbm>>
      %dma_wait3A_76 = tpu.memref_squeeze %dma_wait3A_75 : memref<1x40x125xi32, #tpu.memory_space<hbm>> -> memref<40x125xi32, #tpu.memory_space<hbm>>
      tpu.wait_dma2 semaphore(%run_scoped3A_65 : memref<!tpu.dma_semaphore, #tpu.memory_space<semaphore_mem>>) src(%dma_wait3A_76 : memref<40x125xi32, #tpu.memory_space<hbm>>) dst(%arg6 : memref<40x125xi32, #tpu.memory_space<vmem>>)
      tpu.yield
    }) : () -> ()
    %dma_start3A = arith.constant 0 : i32
    %dma_start3A_31 = arith.constant 0 : i32
    %dma_start3A_32 = tpu.memref_slice %arg5[%dma_start3A, %dma_start3A_31] : memref<40x125xi32, #tpu.memory_space<vmem>> -> memref<1x125xi32, #tpu.memory_space<vmem>>
    %dma_start3A_33 = tpu.memref_squeeze %dma_start3A_32 : memref<1x125xi32, #tpu.memory_space<vmem>> -> memref<125xi32, #tpu.memory_space<vmem>>
    %dma_start3A_34 = arith.constant 0 : i32
    %dma_start3A_35 = arith.constant 0 : i32
    %dma_start3A_36 = tpu.memref_slice %arg2[%dma_start3A_34, %dma_start3A_35] : memref<10240x128xf32, #tpu.memory_space<hbm>> -> memref<10240x128xf32, #tpu.memory_space<hbm>>
    tpu.enqueue_indirect_dma source(%dma_start3A_36 : memref<10240x128xf32, #tpu.memory_space<hbm>>) target(%arg7 : memref<125x128xf32, #tpu.memory_space<vmem>>) offsets(%dma_start3A_33 : memref<125xi32, #tpu.memory_space<vmem>>) semaphore(%arg10 : memref<!tpu.dma_semaphore, #tpu.memory_space<semaphore_mem>>)
    %scan3A_37 = arith.constant 0 : i32
    %scan3A_38 = arith.constant 0 : i32
    %scan3A_39 = arith.constant 20 : i32
    %scan3A_40 = arith.addi %scan3A_38, %scan3A_39 : i32
    %scan3A_41 = arith.constant 1 : i32
    %scan3A_42 = scf.for %scan3A_65 = %scan3A_38 to %scan3A_40 step %scan3A_41 iter_args(%scan3A_66 = %scan3A_37) -> (i32)  : i32 {
      %mul3A_67 = arith.constant 2 : i32
      %mul3A_68 = arith.muli %mul3A_67, %scan3A_65 : i32
      %add3A_69 = arith.constant 1 : i32
      %add3A_70 = arith.addi %mul3A_68, %add3A_69 : i32
      %dma_start3A_71 = arith.constant 0 : i32
      %dma_start3A_72 = tpu.memref_slice %arg5[%add3A_70, %dma_start3A_71] : memref<40x125xi32, #tpu.memory_space<vmem>> -> memref<1x125xi32, #tpu.memory_space<vmem>>
      %dma_start3A_73 = tpu.memref_squeeze %dma_start3A_72 : memref<1x125xi32, #tpu.memory_space<vmem>> -> memref<125xi32, #tpu.memory_space<vmem>>
      %dma_start3A_74 = arith.constant 0 : i32
      %dma_start3A_75 = arith.constant 0 : i32
      %dma_start3A_76 = tpu.memref_slice %arg2[%dma_start3A_74, %dma_start3A_75] : memref<10240x128xf32, #tpu.memory_space<hbm>> -> memref<10240x128xf32, #tpu.memory_space<hbm>>
      tpu.enqueue_indirect_dma source(%dma_start3A_76 : memref<10240x128xf32, #tpu.memory_space<hbm>>) target(%arg8 : memref<125x128xf32, #tpu.memory_space<vmem>>) offsets(%dma_start3A_73 : memref<125xi32, #tpu.memory_space<vmem>>) semaphore(%arg11 : memref<!tpu.dma_semaphore, #tpu.memory_space<semaphore_mem>>)
      %dma_wait3A = arith.constant 0 : i32
      %dma_wait3A_77 = tpu.memref_slice %arg5[%mul3A_68, %dma_wait3A] : memref<40x125xi32, #tpu.memory_space<vmem>> -> memref<1x125xi32, #tpu.memory_space<vmem>>
      %dma_wait3A_78 = tpu.memref_squeeze %dma_wait3A_77 : memref<1x125xi32, #tpu.memory_space<vmem>> -> memref<125xi32, #tpu.memory_space<vmem>>
      %dma_wait3A_79 = arith.constant 0 : i32
      %dma_wait3A_80 = arith.constant 0 : i32
      %dma_wait3A_81 = tpu.memref_slice %arg2[%dma_wait3A_79, %dma_wait3A_80] : memref<10240x128xf32, #tpu.memory_space<hbm>> -> memref<10240x128xf32, #tpu.memory_space<hbm>>
      tpu.wait_indirect_dma semaphore(%arg10 : memref<!tpu.dma_semaphore, #tpu.memory_space<semaphore_mem>>) src(%dma_wait3A_81 : memref<10240x128xf32, #tpu.memory_space<hbm>>) dst(%arg7 : memref<125x128xf32, #tpu.memory_space<vmem>>)
      "tpu.region"() ({
        %run_scoped3A_97 = tpu.sem_alloc : memref<!tpu.dma_semaphore, #tpu.memory_space<semaphore_mem>>
        %dma_start3A_98 = arith.constant 0 : i32
        %dma_start3A_99 = tpu.memref_slice %arg6[%mul3A_68, %dma_start3A_98] : memref<40x125xi32, #tpu.memory_space<vmem>> -> memref<1x125xi32, #tpu.memory_space<vmem>>
        %dma_start3A_100 = tpu.memref_squeeze %dma_start3A_99 : memref<1x125xi32, #tpu.memory_space<vmem>> -> memref<125xi32, #tpu.memory_space<vmem>>
        %dma_start3A_101 = arith.constant 0 : i32
        %dma_start3A_102 = arith.constant 0 : i32
        %dma_start3A_103 = tpu.memref_slice %arg9[%dma_start3A_101, %dma_start3A_102] : memref<10240x128xf32, #tpu.memory_space<vmem_shared>> -> memref<10240x128xf32, #tpu.memory_space<vmem_shared>>
        tpu.enqueue_indirect_dma source(%arg7 : memref<125x128xf32, #tpu.memory_space<vmem>>) target(%dma_start3A_103 : memref<10240x128xf32, #tpu.memory_space<vmem_shared>>) offsets(%dma_start3A_100 : memref<125xi32, #tpu.memory_space<vmem>>) semaphore(%run_scoped3A_97 : memref<!tpu.dma_semaphore, #tpu.memory_space<semaphore_mem>>) {add = true}
        %dma_wait3A_104 = arith.constant 0 : i32
        %dma_wait3A_105 = tpu.memref_slice %arg6[%mul3A_68, %dma_wait3A_104] : memref<40x125xi32, #tpu.memory_space<vmem>> -> memref<1x125xi32, #tpu.memory_space<vmem>>
        %dma_wait3A_106 = tpu.memref_squeeze %dma_wait3A_105 : memref<1x125xi32, #tpu.memory_space<vmem>> -> memref<125xi32, #tpu.memory_space<vmem>>
        %dma_wait3A_107 = arith.constant 0 : i32
        %dma_wait3A_108 = arith.constant 0 : i32
        %dma_wait3A_109 = tpu.memref_slice %arg9[%dma_wait3A_107, %dma_wait3A_108] : memref<10240x128xf32, #tpu.memory_space<vmem_shared>> -> memref<10240x128xf32, #tpu.memory_space<vmem_shared>>
        tpu.wait_indirect_dma semaphore(%run_scoped3A_97 : memref<!tpu.dma_semaphore, #tpu.memory_space<semaphore_mem>>) src(%arg7 : memref<125x128xf32, #tpu.memory_space<vmem>>) dst(%dma_wait3A_109 : memref<10240x128xf32, #tpu.memory_space<vmem_shared>>)
        tpu.yield
      }) : () -> ()
      %add3A_82 = arith.constant 1 : i32
      %add3A_83 = arith.addi %scan3A_65, %add3A_82 : i32
      %lt3A = arith.constant 20 : i32
      %lt3A_84 = arith.cmpi slt, %add3A_83, %lt3A : i32
      %convert_element_type3A = arith.extui %lt3A_84 : i1 to i32
      %cond3A = arith.constant 0 : i32
      %cond3A_85 = arith.cmpi ne, %convert_element_type3A, %cond3A : i32
      scf.if %cond3A_85 {
        %add3A_97 = arith.constant 2 : i32
        %add3A_98 = arith.addi %mul3A_68, %add3A_97 : i32
        %dma_start3A_99 = arith.constant 0 : i32
        %dma_start3A_100 = tpu.memref_slice %arg5[%add3A_98, %dma_start3A_99] : memref<40x125xi32, #tpu.memory_space<vmem>> -> memref<1x125xi32, #tpu.memory_space<vmem>>
        %dma_start3A_101 = tpu.memref_squeeze %dma_start3A_100 : memref<1x125xi32, #tpu.memory_space<vmem>> -> memref<125xi32, #tpu.memory_space<vmem>>
        %dma_start3A_102 = arith.constant 0 : i32
        %dma_start3A_103 = arith.constant 0 : i32
        %dma_start3A_104 = tpu.memref_slice %arg2[%dma_start3A_102, %dma_start3A_103] : memref<10240x128xf32, #tpu.memory_space<hbm>> -> memref<10240x128xf32, #tpu.memory_space<hbm>>
        tpu.enqueue_indirect_dma source(%dma_start3A_104 : memref<10240x128xf32, #tpu.memory_space<hbm>>) target(%arg7 : memref<125x128xf32, #tpu.memory_space<vmem>>) offsets(%dma_start3A_101 : memref<125xi32, #tpu.memory_space<vmem>>) semaphore(%arg10 : memref<!tpu.dma_semaphore, #tpu.memory_space<semaphore_mem>>)
      } else {
      }
      %add3A_86 = arith.constant 1 : i32
      %add3A_87 = arith.addi %mul3A_68, %add3A_86 : i32
      %dma_wait3A_88 = arith.constant 0 : i32
      %dma_wait3A_89 = tpu.memref_slice %arg5[%add3A_87, %dma_wait3A_88] : memref<40x125xi32, #tpu.memory_space<vmem>> -> memref<1x125xi32, #tpu.memory_space<vmem>>
      %dma_wait3A_90 = tpu.memref_squeeze %dma_wait3A_89 : memref<1x125xi32, #tpu.memory_space<vmem>> -> memref<125xi32, #tpu.memory_space<vmem>>
      %dma_wait3A_91 = arith.constant 0 : i32
      %dma_wait3A_92 = arith.constant 0 : i32
      %dma_wait3A_93 = tpu.memref_slice %arg2[%dma_wait3A_91, %dma_wait3A_92] : memref<10240x128xf32, #tpu.memory_space<hbm>> -> memref<10240x128xf32, #tpu.memory_space<hbm>>
      tpu.wait_indirect_dma semaphore(%arg11 : memref<!tpu.dma_semaphore, #tpu.memory_space<semaphore_mem>>) src(%dma_wait3A_93 : memref<10240x128xf32, #tpu.memory_space<hbm>>) dst(%arg8 : memref<125x128xf32, #tpu.memory_space<vmem>>)
      %add3A_94 = arith.constant 1 : i32
      %add3A_95 = arith.addi %mul3A_68, %add3A_94 : i32
      "tpu.region"() ({
        %run_scoped3A_97 = tpu.sem_alloc : memref<!tpu.dma_semaphore, #tpu.memory_space<semaphore_mem>>
        %dma_start3A_98 = arith.constant 0 : i32
        %dma_start3A_99 = tpu.memref_slice %arg6[%add3A_95, %dma_start3A_98] : memref<40x125xi32, #tpu.memory_space<vmem>> -> memref<1x125xi32, #tpu.memory_space<vmem>>
        %dma_start3A_100 = tpu.memref_squeeze %dma_start3A_99 : memref<1x125xi32, #tpu.memory_space<vmem>> -> memref<125xi32, #tpu.memory_space<vmem>>
        %dma_start3A_101 = arith.constant 0 : i32
        %dma_start3A_102 = arith.constant 0 : i32
        %dma_start3A_103 = tpu.memref_slice %arg9[%dma_start3A_101, %dma_start3A_102] : memref<10240x128xf32, #tpu.memory_space<vmem_shared>> -> memref<10240x128xf32, #tpu.memory_space<vmem_shared>>
        tpu.enqueue_indirect_dma source(%arg8 : memref<125x128xf32, #tpu.memory_space<vmem>>) target(%dma_start3A_103 : memref<10240x128xf32, #tpu.memory_space<vmem_shared>>) offsets(%dma_start3A_100 : memref<125xi32, #tpu.memory_space<vmem>>) semaphore(%run_scoped3A_97 : memref<!tpu.dma_semaphore, #tpu.memory_space<semaphore_mem>>) {add = true}
        %dma_wait3A_104 = arith.constant 0 : i32
        %dma_wait3A_105 = tpu.memref_slice %arg6[%add3A_95, %dma_wait3A_104] : memref<40x125xi32, #tpu.memory_space<vmem>> -> memref<1x125xi32, #tpu.memory_space<vmem>>
        %dma_wait3A_106 = tpu.memref_squeeze %dma_wait3A_105 : memref<1x125xi32, #tpu.memory_space<vmem>> -> memref<125xi32, #tpu.memory_space<vmem>>
        %dma_wait3A_107 = arith.constant 0 : i32
        %dma_wait3A_108 = arith.constant 0 : i32
        %dma_wait3A_109 = tpu.memref_slice %arg9[%dma_wait3A_107, %dma_wait3A_108] : memref<10240x128xf32, #tpu.memory_space<vmem_shared>> -> memref<10240x128xf32, #tpu.memory_space<vmem_shared>>
        tpu.wait_indirect_dma semaphore(%run_scoped3A_97 : memref<!tpu.dma_semaphore, #tpu.memory_space<semaphore_mem>>) src(%arg8 : memref<125x128xf32, #tpu.memory_space<vmem>>) dst(%dma_wait3A_109 : memref<10240x128xf32, #tpu.memory_space<vmem_shared>>)
        tpu.yield
      }) : () -> ()
      %scan3A_96 = arith.constant 0 : i32
      scf.yield %scan3A_96 : i32
    }
    %scan3A_43 = arith.constant 20 : i32
    %mul3A_44 = arith.constant 80 : i32
    %mul3A_45 = arith.muli %add3A, %mul3A_44 : i32
    %add3A_46 = arith.constant 40 : i32
    %add3A_47 = arith.addi %mul3A_45, %add3A_46 : i32
    %run_scoped3A_48 = arith.constant 0 : i32
    "tpu.region"() ({
      %run_scoped3A_65 = tpu.sem_alloc : memref<!tpu.dma_semaphore, #tpu.memory_space<semaphore_mem>>
      %dma_start3A_66 = arith.constant 0 : i32
      %dma_start3A_67 = tpu.memref_slice %arg3[%run_scoped3A_48, %add3A_47, %dma_start3A_66] : memref<2x2560x125xi32, #tpu.memory_space<hbm>> -> memref<1x40x125xi32, #tpu.memory_space<hbm>>
      %dma_start3A_68 = tpu.memref_squeeze %dma_start3A_67 : memref<1x40x125xi32, #tpu.memory_space<hbm>> -> memref<40x125xi32, #tpu.memory_space<hbm>>
      %dma_start3A_69 = arith.constant 0 : i32
      %dma_start3A_70 = tpu.memref_slice %arg3[%run_scoped3A_48, %add3A_47, %dma_start3A_69] : memref<2x2560x125xi32, #tpu.memory_space<hbm>> -> memref<1x40x125xi32, #tpu.memory_space<hbm>>
      %dma_start3A_71 = tpu.memref_squeeze %dma_start3A_70 : memref<1x40x125xi32, #tpu.memory_space<hbm>> -> memref<40x125xi32, #tpu.memory_space<hbm>>
      tpu.enqueue_dma source(%dma_start3A_71 : memref<40x125xi32, #tpu.memory_space<hbm>>) target(%arg5 : memref<40x125xi32, #tpu.memory_space<vmem>>) target_semaphore(%run_scoped3A_65 : memref<!tpu.dma_semaphore, #tpu.memory_space<semaphore_mem>>)
      %dma_wait3A = arith.constant 0 : i32
      %dma_wait3A_72 = tpu.memref_slice %arg3[%run_scoped3A_48, %add3A_47, %dma_wait3A] : memref<2x2560x125xi32, #tpu.memory_space<hbm>> -> memref<1x40x125xi32, #tpu.memory_space<hbm>>
      %dma_wait3A_73 = tpu.memref_squeeze %dma_wait3A_72 : memref<1x40x125xi32, #tpu.memory_space<hbm>> -> memref<40x125xi32, #tpu.memory_space<hbm>>
      %dma_wait3A_74 = arith.constant 0 : i32
      %dma_wait3A_75 = tpu.memref_slice %arg3[%run_scoped3A_48, %add3A_47, %dma_wait3A_74] : memref<2x2560x125xi32, #tpu.memory_space<hbm>> -> memref<1x40x125xi32, #tpu.memory_space<hbm>>
      %dma_wait3A_76 = tpu.memref_squeeze %dma_wait3A_75 : memref<1x40x125xi32, #tpu.memory_space<hbm>> -> memref<40x125xi32, #tpu.memory_space<hbm>>
      tpu.wait_dma2 semaphore(%run_scoped3A_65 : memref<!tpu.dma_semaphore, #tpu.memory_space<semaphore_mem>>) src(%dma_wait3A_76 : memref<40x125xi32, #tpu.memory_space<hbm>>) dst(%arg5 : memref<40x125xi32, #tpu.memory_space<vmem>>)
      tpu.yield
    }) : () -> ()
    %run_scoped3A_49 = arith.constant 1 : i32
    "tpu.region"() ({
      %run_scoped3A_65 = tpu.sem_alloc : memref<!tpu.dma_semaphore, #tpu.memory_space<semaphore_mem>>
      %dma_start3A_66 = arith.constant 0 : i32
      %dma_start3A_67 = tpu.memref_slice %arg3[%run_scoped3A_49, %add3A_47, %dma_start3A_66] : memref<2x2560x125xi32, #tpu.memory_space<hbm>> -> memref<1x40x125xi32, #tpu.memory_space<hbm>>
      %dma_start3A_68 = tpu.memref_squeeze %dma_start3A_67 : memref<1x40x125xi32, #tpu.memory_space<hbm>> -> memref<40x125xi32, #tpu.memory_space<hbm>>
      %dma_start3A_69 = arith.constant 0 : i32
      %dma_start3A_70 = tpu.memref_slice %arg3[%run_scoped3A_49, %add3A_47, %dma_start3A_69] : memref<2x2560x125xi32, #tpu.memory_space<hbm>> -> memref<1x40x125xi32, #tpu.memory_space<hbm>>
      %dma_start3A_71 = tpu.memref_squeeze %dma_start3A_70 : memref<1x40x125xi32, #tpu.memory_space<hbm>> -> memref<40x125xi32, #tpu.memory_space<hbm>>
      tpu.enqueue_dma source(%dma_start3A_71 : memref<40x125xi32, #tpu.memory_space<hbm>>) target(%arg6 : memref<40x125xi32, #tpu.memory_space<vmem>>) target_semaphore(%run_scoped3A_65 : memref<!tpu.dma_semaphore, #tpu.memory_space<semaphore_mem>>)
      %dma_wait3A = arith.constant 0 : i32
      %dma_wait3A_72 = tpu.memref_slice %arg3[%run_scoped3A_49, %add3A_47, %dma_wait3A] : memref<2x2560x125xi32, #tpu.memory_space<hbm>> -> memref<1x40x125xi32, #tpu.memory_space<hbm>>
      %dma_wait3A_73 = tpu.memref_squeeze %dma_wait3A_72 : memref<1x40x125xi32, #tpu.memory_space<hbm>> -> memref<40x125xi32, #tpu.memory_space<hbm>>
      %dma_wait3A_74 = arith.constant 0 : i32
      %dma_wait3A_75 = tpu.memref_slice %arg3[%run_scoped3A_49, %add3A_47, %dma_wait3A_74] : memref<2x2560x125xi32, #tpu.memory_space<hbm>> -> memref<1x40x125xi32, #tpu.memory_space<hbm>>
      %dma_wait3A_76 = tpu.memref_squeeze %dma_wait3A_75 : memref<1x40x125xi32, #tpu.memory_space<hbm>> -> memref<40x125xi32, #tpu.memory_space<hbm>>
      tpu.wait_dma2 semaphore(%run_scoped3A_65 : memref<!tpu.dma_semaphore, #tpu.memory_space<semaphore_mem>>) src(%dma_wait3A_76 : memref<40x125xi32, #tpu.memory_space<hbm>>) dst(%arg6 : memref<40x125xi32, #tpu.memory_space<vmem>>)
      tpu.yield
    }) : () -> ()
    %dma_start3A_50 = arith.constant 0 : i32
    %dma_start3A_51 = arith.constant 0 : i32
    %dma_start3A_52 = tpu.memref_slice %arg5[%dma_start3A_50, %dma_start3A_51] : memref<40x125xi32, #tpu.memory_space<vmem>> -> memref<1x125xi32, #tpu.memory_space<vmem>>
    %dma_start3A_53 = tpu.memref_squeeze %dma_start3A_52 : memref<1x125xi32, #tpu.memory_space<vmem>> -> memref<125xi32, #tpu.memory_space<vmem>>
    %dma_start3A_54 = arith.constant 0 : i32
    %dma_start3A_55 = arith.constant 0 : i32
    %dma_start3A_56 = tpu.memref_slice %arg2[%dma_start3A_54, %dma_start3A_55] : memref<10240x128xf32, #tpu.memory_space<hbm>> -> memref<10240x128xf32, #tpu.memory_space<hbm>>
    tpu.enqueue_indirect_dma source(%dma_start3A_56 : memref<10240x128xf32, #tpu.memory_space<hbm>>) target(%arg7 : memref<125x128xf32, #tpu.memory_space<vmem>>) offsets(%dma_start3A_53 : memref<125xi32, #tpu.memory_space<vmem>>) semaphore(%arg10 : memref<!tpu.dma_semaphore, #tpu.memory_space<semaphore_mem>>)
    %scan3A_57 = arith.constant 0 : i32
    %scan3A_58 = arith.constant 0 : i32
    %scan3A_59 = arith.constant 20 : i32
    %scan3A_60 = arith.addi %scan3A_58, %scan3A_59 : i32
    %scan3A_61 = arith.constant 1 : i32
    %scan3A_62 = scf.for %scan3A_65 = %scan3A_58 to %scan3A_60 step %scan3A_61 iter_args(%scan3A_66 = %scan3A_57) -> (i32)  : i32 {
      %mul3A_67 = arith.constant 2 : i32
      %mul3A_68 = arith.muli %mul3A_67, %scan3A_65 : i32
      %add3A_69 = arith.constant 1 : i32
      %add3A_70 = arith.addi %mul3A_68, %add3A_69 : i32
      %dma_start3A_71 = arith.constant 0 : i32
      %dma_start3A_72 = tpu.memref_slice %arg5[%add3A_70, %dma_start3A_71] : memref<40x125xi32, #tpu.memory_space<vmem>> -> memref<1x125xi32, #tpu.memory_space<vmem>>
      %dma_start3A_73 = tpu.memref_squeeze %dma_start3A_72 : memref<1x125xi32, #tpu.memory_space<vmem>> -> memref<125xi32, #tpu.memory_space<vmem>>
      %dma_start3A_74 = arith.constant 0 : i32
      %dma_start3A_75 = arith.constant 0 : i32
      %dma_start3A_76 = tpu.memref_slice %arg2[%dma_start3A_74, %dma_start3A_75] : memref<10240x128xf32, #tpu.memory_space<hbm>> -> memref<10240x128xf32, #tpu.memory_space<hbm>>
      tpu.enqueue_indirect_dma source(%dma_start3A_76 : memref<10240x128xf32, #tpu.memory_space<hbm>>) target(%arg8 : memref<125x128xf32, #tpu.memory_space<vmem>>) offsets(%dma_start3A_73 : memref<125xi32, #tpu.memory_space<vmem>>) semaphore(%arg11 : memref<!tpu.dma_semaphore, #tpu.memory_space<semaphore_mem>>)
      %dma_wait3A = arith.constant 0 : i32
      %dma_wait3A_77 = tpu.memref_slice %arg5[%mul3A_68, %dma_wait3A] : memref<40x125xi32, #tpu.memory_space<vmem>> -> memref<1x125xi32, #tpu.memory_space<vmem>>
      %dma_wait3A_78 = tpu.memref_squeeze %dma_wait3A_77 : memref<1x125xi32, #tpu.memory_space<vmem>> -> memref<125xi32, #tpu.memory_space<vmem>>
      %dma_wait3A_79 = arith.constant 0 : i32
      %dma_wait3A_80 = arith.constant 0 : i32
      %dma_wait3A_81 = tpu.memref_slice %arg2[%dma_wait3A_79, %dma_wait3A_80] : memref<10240x128xf32, #tpu.memory_space<hbm>> -> memref<10240x128xf32, #tpu.memory_space<hbm>>
      tpu.wait_indirect_dma semaphore(%arg10 : memref<!tpu.dma_semaphore, #tpu.memory_space<semaphore_mem>>) src(%dma_wait3A_81 : memref<10240x128xf32, #tpu.memory_space<hbm>>) dst(%arg7 : memref<125x128xf32, #tpu.memory_space<vmem>>)
      "tpu.region"() ({
        %run_scoped3A_97 = tpu.sem_alloc : memref<!tpu.dma_semaphore, #tpu.memory_space<semaphore_mem>>
        %dma_start3A_98 = arith.constant 0 : i32
        %dma_start3A_99 = tpu.memref_slice %arg6[%mul3A_68, %dma_start3A_98] : memref<40x125xi32, #tpu.memory_space<vmem>> -> memref<1x125xi32, #tpu.memory_space<vmem>>
        %dma_start3A_100 = tpu.memref_squeeze %dma_start3A_99 : memref<1x125xi32, #tpu.memory_space<vmem>> -> memref<125xi32, #tpu.memory_space<vmem>>
        %dma_start3A_101 = arith.constant 0 : i32
        %dma_start3A_102 = arith.constant 0 : i32
        %dma_start3A_103 = tpu.memref_slice %arg9[%dma_start3A_101, %dma_start3A_102] : memref<10240x128xf32, #tpu.memory_space<vmem_shared>> -> memref<10240x128xf32, #tpu.memory_space<vmem_shared>>
        tpu.enqueue_indirect_dma source(%arg7 : memref<125x128xf32, #tpu.memory_space<vmem>>) target(%dma_start3A_103 : memref<10240x128xf32, #tpu.memory_space<vmem_shared>>) offsets(%dma_start3A_100 : memref<125xi32, #tpu.memory_space<vmem>>) semaphore(%run_scoped3A_97 : memref<!tpu.dma_semaphore, #tpu.memory_space<semaphore_mem>>) {add = true}
        %dma_wait3A_104 = arith.constant 0 : i32
        %dma_wait3A_105 = tpu.memref_slice %arg6[%mul3A_68, %dma_wait3A_104] : memref<40x125xi32, #tpu.memory_space<vmem>> -> memref<1x125xi32, #tpu.memory_space<vmem>>
        %dma_wait3A_106 = tpu.memref_squeeze %dma_wait3A_105 : memref<1x125xi32, #tpu.memory_space<vmem>> -> memref<125xi32, #tpu.memory_space<vmem>>
        %dma_wait3A_107 = arith.constant 0 : i32
        %dma_wait3A_108 = arith.constant 0 : i32
        %dma_wait3A_109 = tpu.memref_slice %arg9[%dma_wait3A_107, %dma_wait3A_108] : memref<10240x128xf32, #tpu.memory_space<vmem_shared>> -> memref<10240x128xf32, #tpu.memory_space<vmem_shared>>
        tpu.wait_indirect_dma semaphore(%run_scoped3A_97 : memref<!tpu.dma_semaphore, #tpu.memory_space<semaphore_mem>>) src(%arg7 : memref<125x128xf32, #tpu.memory_space<vmem>>) dst(%dma_wait3A_109 : memref<10240x128xf32, #tpu.memory_space<vmem_shared>>)
        tpu.yield
      }) : () -> ()
      %add3A_82 = arith.constant 1 : i32
      %add3A_83 = arith.addi %scan3A_65, %add3A_82 : i32
      %lt3A = arith.constant 20 : i32
      %lt3A_84 = arith.cmpi slt, %add3A_83, %lt3A : i32
      %convert_element_type3A = arith.extui %lt3A_84 : i1 to i32
      %cond3A = arith.constant 0 : i32
      %cond3A_85 = arith.cmpi ne, %convert_element_type3A, %cond3A : i32
      scf.if %cond3A_85 {
        %add3A_97 = arith.constant 2 : i32
        %add3A_98 = arith.addi %mul3A_68, %add3A_97 : i32
        %dma_start3A_99 = arith.constant 0 : i32
        %dma_start3A_100 = tpu.memref_slice %arg5[%add3A_98, %dma_start3A_99] : memref<40x125xi32, #tpu.memory_space<vmem>> -> memref<1x125xi32, #tpu.memory_space<vmem>>
        %dma_start3A_101 = tpu.memref_squeeze %dma_start3A_100 : memref<1x125xi32, #tpu.memory_space<vmem>> -> memref<125xi32, #tpu.memory_space<vmem>>
        %dma_start3A_102 = arith.constant 0 : i32
        %dma_start3A_103 = arith.constant 0 : i32
        %dma_start3A_104 = tpu.memref_slice %arg2[%dma_start3A_102, %dma_start3A_103] : memref<10240x128xf32, #tpu.memory_space<hbm>> -> memref<10240x128xf32, #tpu.memory_space<hbm>>
        tpu.enqueue_indirect_dma source(%dma_start3A_104 : memref<10240x128xf32, #tpu.memory_space<hbm>>) target(%arg7 : memref<125x128xf32, #tpu.memory_space<vmem>>) offsets(%dma_start3A_101 : memref<125xi32, #tpu.memory_space<vmem>>) semaphore(%arg10 : memref<!tpu.dma_semaphore, #tpu.memory_space<semaphore_mem>>)
      } else {
      }
      %add3A_86 = arith.constant 1 : i32
      %add3A_87 = arith.addi %mul3A_68, %add3A_86 : i32
      %dma_wait3A_88 = arith.constant 0 : i32
      %dma_wait3A_89 = tpu.memref_slice %arg5[%add3A_87, %dma_wait3A_88] : memref<40x125xi32, #tpu.memory_space<vmem>> -> memref<1x125xi32, #tpu.memory_space<vmem>>
      %dma_wait3A_90 = tpu.memref_squeeze %dma_wait3A_89 : memref<1x125xi32, #tpu.memory_space<vmem>> -> memref<125xi32, #tpu.memory_space<vmem>>
      %dma_wait3A_91 = arith.constant 0 : i32
      %dma_wait3A_92 = arith.constant 0 : i32
      %dma_wait3A_93 = tpu.memref_slice %arg2[%dma_wait3A_91, %dma_wait3A_92] : memref<10240x128xf32, #tpu.memory_space<hbm>> -> memref<10240x128xf32, #tpu.memory_space<hbm>>
      tpu.wait_indirect_dma semaphore(%arg11 : memref<!tpu.dma_semaphore, #tpu.memory_space<semaphore_mem>>) src(%dma_wait3A_93 : memref<10240x128xf32, #tpu.memory_space<hbm>>) dst(%arg8 : memref<125x128xf32, #tpu.memory_space<vmem>>)
      %add3A_94 = arith.constant 1 : i32
      %add3A_95 = arith.addi %mul3A_68, %add3A_94 : i32
      "tpu.region"() ({
        %run_scoped3A_97 = tpu.sem_alloc : memref<!tpu.dma_semaphore, #tpu.memory_space<semaphore_mem>>
        %dma_start3A_98 = arith.constant 0 : i32
        %dma_start3A_99 = tpu.memref_slice %arg6[%add3A_95, %dma_start3A_98] : memref<40x125xi32, #tpu.memory_space<vmem>> -> memref<1x125xi32, #tpu.memory_space<vmem>>
        %dma_start3A_100 = tpu.memref_squeeze %dma_start3A_99 : memref<1x125xi32, #tpu.memory_space<vmem>> -> memref<125xi32, #tpu.memory_space<vmem>>
        %dma_start3A_101 = arith.constant 0 : i32
        %dma_start3A_102 = arith.constant 0 : i32
        %dma_start3A_103 = tpu.memref_slice %arg9[%dma_start3A_101, %dma_start3A_102] : memref<10240x128xf32, #tpu.memory_space<vmem_shared>> -> memref<10240x128xf32, #tpu.memory_space<vmem_shared>>
        tpu.enqueue_indirect_dma source(%arg8 : memref<125x128xf32, #tpu.memory_space<vmem>>) target(%dma_start3A_103 : memref<10240x128xf32, #tpu.memory_space<vmem_shared>>) offsets(%dma_start3A_100 : memref<125xi32, #tpu.memory_space<vmem>>) semaphore(%run_scoped3A_97 : memref<!tpu.dma_semaphore, #tpu.memory_space<semaphore_mem>>) {add = true}
        %dma_wait3A_104 = arith.constant 0 : i32
        %dma_wait3A_105 = tpu.memref_slice %arg6[%add3A_95, %dma_wait3A_104] : memref<40x125xi32, #tpu.memory_space<vmem>> -> memref<1x125xi32, #tpu.memory_space<vmem>>
        %dma_wait3A_106 = tpu.memref_squeeze %dma_wait3A_105 : memref<1x125xi32, #tpu.memory_space<vmem>> -> memref<125xi32, #tpu.memory_space<vmem>>
        %dma_wait3A_107 = arith.constant 0 : i32
        %dma_wait3A_108 = arith.constant 0 : i32
        %dma_wait3A_109 = tpu.memref_slice %arg9[%dma_wait3A_107, %dma_wait3A_108] : memref<10240x128xf32, #tpu.memory_space<vmem_shared>> -> memref<10240x128xf32, #tpu.memory_space<vmem_shared>>
        tpu.wait_indirect_dma semaphore(%run_scoped3A_97 : memref<!tpu.dma_semaphore, #tpu.memory_space<semaphore_mem>>) src(%arg8 : memref<125x128xf32, #tpu.memory_space<vmem>>) dst(%dma_wait3A_109 : memref<10240x128xf32, #tpu.memory_space<vmem_shared>>)
        tpu.yield
      }) : () -> ()
      %scan3A_96 = arith.constant 0 : i32
      scf.yield %scan3A_96 : i32
    }
    %scan3A_63 = arith.constant 20 : i32
    %barrier3A_64 = arith.constant 0 : index
    tpu.barrier barrier_id(%barrier3A_64)
    "tpu.region"() ({
      %run_scoped3A_65 = tpu.sem_alloc : memref<!tpu.dma_semaphore, #tpu.memory_space<semaphore_mem>>
      %dma_start3A_66 = arith.constant 0 : i32
      %dma_start3A_67 = tpu.memref_slice %arg4[%arg0, %mul3A_2, %dma_start3A_66] : memref<2x10240x128xf32, #tpu.memory_space<hbm>> -> memref<1x640x128xf32, #tpu.memory_space<hbm>>
      %dma_start3A_68 = tpu.memref_squeeze %dma_start3A_67 : memref<1x640x128xf32, #tpu.memory_space<hbm>> -> memref<640x128xf32, #tpu.memory_space<hbm>>
      %dma_start3A_69 = arith.constant 0 : i32
      %dma_start3A_70 = tpu.memref_slice %arg9[%mul3A_2, %dma_start3A_69] : memref<10240x128xf32, #tpu.memory_space<vmem_shared>> -> memref<640x128xf32, #tpu.memory_space<vmem_shared>>
      tpu.enqueue_dma source(%dma_start3A_70 : memref<640x128xf32, #tpu.memory_space<vmem_shared>>) target(%dma_start3A_68 : memref<640x128xf32, #tpu.memory_space<hbm>>) target_semaphore(%run_scoped3A_65 : memref<!tpu.dma_semaphore, #tpu.memory_space<semaphore_mem>>)
      %dma_wait3A = arith.constant 0 : i32
      %dma_wait3A_71 = tpu.memref_slice %arg4[%arg0, %mul3A_2, %dma_wait3A] : memref<2x10240x128xf32, #tpu.memory_space<hbm>> -> memref<1x640x128xf32, #tpu.memory_space<hbm>>
      %dma_wait3A_72 = tpu.memref_squeeze %dma_wait3A_71 : memref<1x640x128xf32, #tpu.memory_space<hbm>> -> memref<640x128xf32, #tpu.memory_space<hbm>>
      %dma_wait3A_73 = arith.constant 0 : i32
      %dma_wait3A_74 = tpu.memref_slice %arg9[%mul3A_2, %dma_wait3A_73] : memref<10240x128xf32, #tpu.memory_space<vmem_shared>> -> memref<640x128xf32, #tpu.memory_space<vmem_shared>>
      tpu.wait_dma2 semaphore(%run_scoped3A_65 : memref<!tpu.dma_semaphore, #tpu.memory_space<semaphore_mem>>) src(%dma_wait3A_74 : memref<640x128xf32, #tpu.memory_space<vmem_shared>>) dst(%dma_wait3A_72 : memref<640x128xf32, #tpu.memory_space<hbm>>)
      tpu.yield
    }) : () -> ()
    return
  }
}

#map = affine_map<(d0, d1) -> (0, 0, 0)>
#map1 = affine_map<(d0, d1) -> (0, 0)>
module attributes {stable_mosaic.version = 14 : i64} {
  func.func @_deg_body(%arg0: i32, %arg1: i32, %arg2: memref<2x2560x125xi32, #tpu.memory_space<hbm>>, %arg3: memref<2x10240xf32, #tpu.memory_space<hbm>>, %arg4: memref<80x125xi32, #tpu.memory_space<vmem>>, %arg5: memref<256xf32, #tpu.memory_space<vmem>>, %arg6: memref<10240xf32, #tpu.memory_space<vmem_shared>>, %arg7: memref<!tpu.dma_semaphore, #tpu.memory_space<semaphore_mem>>) attributes {dimension_semantics = [#tpu.dimension_semantics<core_parallel>, #tpu.dimension_semantics<subcore_parallel>], iteration_bounds = array<i64: 2, 16>, scalar_prefetch = 0 : i64, scratch_operands = 4 : i64, tpu.core_type = #tpu.core_type<sc_vector_subcore>, window_params = [{transform_indices = #map}, {transform_indices = #map1}]} {
    %mul3A = arith.constant 16 : i32
    %mul3A_0 = arith.muli %arg0, %mul3A : i32
    %add3A = arith.addi %mul3A_0, %arg1 : i32
    %mul3A_1 = arith.constant 640 : i32
    %mul3A_2 = arith.muli %arg1, %mul3A_1 : i32
    %broadcast_in_dim3A = arith.constant 0.000000e+00 : f32
    %broadcast_in_dim3A_3 = vector.broadcast %broadcast_in_dim3A : f32 to vector<16xf32>
    %broadcast_in_dim3A_4 = arith.constant 1.000000e+00 : f32
    %broadcast_in_dim3A_5 = vector.broadcast %broadcast_in_dim3A_4 : f32 to vector<16xf32>
    %scan3A = arith.constant 0 : i32
    %scan3A_6 = arith.constant 0 : i32
    %scan3A_7 = arith.constant 8 : i32
    %scan3A_8 = arith.addi %scan3A_6, %scan3A_7 : i32
    %scan3A_9 = arith.constant 1 : i32
    %scan3A_10 = scf.for %scan3A_32 = %scan3A_6 to %scan3A_8 step %scan3A_9 iter_args(%scan3A_33 = %scan3A) -> (i32)  : i32 {
      %mul3A_34 = arith.constant 16 : i32
      %mul3A_35 = arith.muli %scan3A_32, %mul3A_34 : i32
      %swap3A = arith.index_cast %mul3A_35 : i32 to index
      %swap3A_36 = tpu.vector_load %arg5[%swap3A] {strides = array<i32>} : memref<256xf32, #tpu.memory_space<vmem>>, vector<16xf32>,
      %swap3A_37 = vector.shape_cast %swap3A_36 : vector<16xf32> to vector<16xf32>
      %swap3A_38 = vector.shape_cast %broadcast_in_dim3A_3 : vector<16xf32> to vector<16xf32>
      tpu.vector_store %arg5[%swap3A], %swap3A_38 {strides = array<i32>} : memref<256xf32, #tpu.memory_space<vmem>>, vector<16xf32>,
      %mul3A_39 = arith.constant 16 : i32
      %mul3A_40 = arith.muli %scan3A_32, %mul3A_39 : i32
      %add3A_41 = arith.constant 128 : i32
      %add3A_42 = arith.addi %add3A_41, %mul3A_40 : i32
      %swap3A_43 = arith.index_cast %add3A_42 : i32 to index
      %swap3A_44 = tpu.vector_load %arg5[%swap3A_43] {strides = array<i32>} : memref<256xf32, #tpu.memory_space<vmem>>, vector<16xf32>,
      %swap3A_45 = vector.shape_cast %swap3A_44 : vector<16xf32> to vector<16xf32>
      %swap3A_46 = vector.shape_cast %broadcast_in_dim3A_5 : vector<16xf32> to vector<16xf32>
      tpu.vector_store %arg5[%swap3A_43], %swap3A_46 {strides = array<i32>} : memref<256xf32, #tpu.memory_space<vmem>>, vector<16xf32>,
      %scan3A_47 = arith.constant 0 : i32
      scf.yield %scan3A_47 : i32
    }
    %scan3A_11 = arith.constant 8 : i32
    %add3A_12 = arith.constant 0 : i32
    %add3A_13 = arith.addi %mul3A_2, %add3A_12 : i32
    "tpu.region"() ({
      %run_scoped3A_32 = tpu.sem_alloc : memref<!tpu.dma_semaphore, #tpu.memory_space<semaphore_mem>>
      %dma_start3A = arith.constant 0 : i32
      %dma_start3A_33 = tpu.memref_slice %arg5[%dma_start3A] : memref<256xf32, #tpu.memory_space<vmem>> -> memref<128xf32, #tpu.memory_space<vmem>>
      %dma_start3A_34 = tpu.memref_slice %arg6[%add3A_13] : memref<10240xf32, #tpu.memory_space<vmem_shared>> -> memref<128xf32, #tpu.memory_space<vmem_shared>>
      %dma_start3A_35 = tpu.memref_slice %arg6[%add3A_13] : memref<10240xf32, #tpu.memory_space<vmem_shared>> -> memref<128xf32, #tpu.memory_space<vmem_shared>>
      %dma_start3A_36 = arith.constant 0 : i32
      %dma_start3A_37 = tpu.memref_slice %arg5[%dma_start3A_36] : memref<256xf32, #tpu.memory_space<vmem>> -> memref<128xf32, #tpu.memory_space<vmem>>
      tpu.enqueue_dma source(%dma_start3A_37 : memref<128xf32, #tpu.memory_space<vmem>>) target(%dma_start3A_35 : memref<128xf32, #tpu.memory_space<vmem_shared>>) target_semaphore(%run_scoped3A_32 : memref<!tpu.dma_semaphore, #tpu.memory_space<semaphore_mem>>)
      %dma_wait3A = arith.constant 0 : i32
      %dma_wait3A_38 = tpu.memref_slice %arg5[%dma_wait3A] : memref<256xf32, #tpu.memory_space<vmem>> -> memref<128xf32, #tpu.memory_space<vmem>>
      %dma_wait3A_39 = tpu.memref_slice %arg6[%add3A_13] : memref<10240xf32, #tpu.memory_space<vmem_shared>> -> memref<128xf32, #tpu.memory_space<vmem_shared>>
      %dma_wait3A_40 = tpu.memref_slice %arg6[%add3A_13] : memref<10240xf32, #tpu.memory_space<vmem_shared>> -> memref<128xf32, #tpu.memory_space<vmem_shared>>
      %dma_wait3A_41 = arith.constant 0 : i32
      %dma_wait3A_42 = tpu.memref_slice %arg5[%dma_wait3A_41] : memref<256xf32, #tpu.memory_space<vmem>> -> memref<128xf32, #tpu.memory_space<vmem>>
      tpu.wait_dma2 semaphore(%run_scoped3A_32 : memref<!tpu.dma_semaphore, #tpu.memory_space<semaphore_mem>>) src(%dma_wait3A_42 : memref<128xf32, #tpu.memory_space<vmem>>) dst(%dma_wait3A_40 : memref<128xf32, #tpu.memory_space<vmem_shared>>)
      tpu.yield
    }) : () -> ()
    %add3A_14 = arith.constant 128 : i32
    %add3A_15 = arith.addi %mul3A_2, %add3A_14 : i32
    "tpu.region"() ({
      %run_scoped3A_32 = tpu.sem_alloc : memref<!tpu.dma_semaphore, #tpu.memory_space<semaphore_mem>>
      %dma_start3A = arith.constant 0 : i32
      %dma_start3A_33 = tpu.memref_slice %arg5[%dma_start3A] : memref<256xf32, #tpu.memory_space<vmem>> -> memref<128xf32, #tpu.memory_space<vmem>>
      %dma_start3A_34 = tpu.memref_slice %arg6[%add3A_15] : memref<10240xf32, #tpu.memory_space<vmem_shared>> -> memref<128xf32, #tpu.memory_space<vmem_shared>>
      %dma_start3A_35 = tpu.memref_slice %arg6[%add3A_15] : memref<10240xf32, #tpu.memory_space<vmem_shared>> -> memref<128xf32, #tpu.memory_space<vmem_shared>>
      %dma_start3A_36 = arith.constant 0 : i32
      %dma_start3A_37 = tpu.memref_slice %arg5[%dma_start3A_36] : memref<256xf32, #tpu.memory_space<vmem>> -> memref<128xf32, #tpu.memory_space<vmem>>
      tpu.enqueue_dma source(%dma_start3A_37 : memref<128xf32, #tpu.memory_space<vmem>>) target(%dma_start3A_35 : memref<128xf32, #tpu.memory_space<vmem_shared>>) target_semaphore(%run_scoped3A_32 : memref<!tpu.dma_semaphore, #tpu.memory_space<semaphore_mem>>)
      %dma_wait3A = arith.constant 0 : i32
      %dma_wait3A_38 = tpu.memref_slice %arg5[%dma_wait3A] : memref<256xf32, #tpu.memory_space<vmem>> -> memref<128xf32, #tpu.memory_space<vmem>>
      %dma_wait3A_39 = tpu.memref_slice %arg6[%add3A_15] : memref<10240xf32, #tpu.memory_space<vmem_shared>> -> memref<128xf32, #tpu.memory_space<vmem_shared>>
      %dma_wait3A_40 = tpu.memref_slice %arg6[%add3A_15] : memref<10240xf32, #tpu.memory_space<vmem_shared>> -> memref<128xf32, #tpu.memory_space<vmem_shared>>
      %dma_wait3A_41 = arith.constant 0 : i32
      %dma_wait3A_42 = tpu.memref_slice %arg5[%dma_wait3A_41] : memref<256xf32, #tpu.memory_space<vmem>> -> memref<128xf32, #tpu.memory_space<vmem>>
      tpu.wait_dma2 semaphore(%run_scoped3A_32 : memref<!tpu.dma_semaphore, #tpu.memory_space<semaphore_mem>>) src(%dma_wait3A_42 : memref<128xf32, #tpu.memory_space<vmem>>) dst(%dma_wait3A_40 : memref<128xf32, #tpu.memory_space<vmem_shared>>)
      tpu.yield
    }) : () -> ()
    %add3A_16 = arith.constant 256 : i32
    %add3A_17 = arith.addi %mul3A_2, %add3A_16 : i32
    "tpu.region"() ({
      %run_scoped3A_32 = tpu.sem_alloc : memref<!tpu.dma_semaphore, #tpu.memory_space<semaphore_mem>>
      %dma_start3A = arith.constant 0 : i32
      %dma_start3A_33 = tpu.memref_slice %arg5[%dma_start3A] : memref<256xf32, #tpu.memory_space<vmem>> -> memref<128xf32, #tpu.memory_space<vmem>>
      %dma_start3A_34 = tpu.memref_slice %arg6[%add3A_17] : memref<10240xf32, #tpu.memory_space<vmem_shared>> -> memref<128xf32, #tpu.memory_space<vmem_shared>>
      %dma_start3A_35 = tpu.memref_slice %arg6[%add3A_17] : memref<10240xf32, #tpu.memory_space<vmem_shared>> -> memref<128xf32, #tpu.memory_space<vmem_shared>>
      %dma_start3A_36 = arith.constant 0 : i32
      %dma_start3A_37 = tpu.memref_slice %arg5[%dma_start3A_36] : memref<256xf32, #tpu.memory_space<vmem>> -> memref<128xf32, #tpu.memory_space<vmem>>
      tpu.enqueue_dma source(%dma_start3A_37 : memref<128xf32, #tpu.memory_space<vmem>>) target(%dma_start3A_35 : memref<128xf32, #tpu.memory_space<vmem_shared>>) target_semaphore(%run_scoped3A_32 : memref<!tpu.dma_semaphore, #tpu.memory_space<semaphore_mem>>)
      %dma_wait3A = arith.constant 0 : i32
      %dma_wait3A_38 = tpu.memref_slice %arg5[%dma_wait3A] : memref<256xf32, #tpu.memory_space<vmem>> -> memref<128xf32, #tpu.memory_space<vmem>>
      %dma_wait3A_39 = tpu.memref_slice %arg6[%add3A_17] : memref<10240xf32, #tpu.memory_space<vmem_shared>> -> memref<128xf32, #tpu.memory_space<vmem_shared>>
      %dma_wait3A_40 = tpu.memref_slice %arg6[%add3A_17] : memref<10240xf32, #tpu.memory_space<vmem_shared>> -> memref<128xf32, #tpu.memory_space<vmem_shared>>
      %dma_wait3A_41 = arith.constant 0 : i32
      %dma_wait3A_42 = tpu.memref_slice %arg5[%dma_wait3A_41] : memref<256xf32, #tpu.memory_space<vmem>> -> memref<128xf32, #tpu.memory_space<vmem>>
      tpu.wait_dma2 semaphore(%run_scoped3A_32 : memref<!tpu.dma_semaphore, #tpu.memory_space<semaphore_mem>>) src(%dma_wait3A_42 : memref<128xf32, #tpu.memory_space<vmem>>) dst(%dma_wait3A_40 : memref<128xf32, #tpu.memory_space<vmem_shared>>)
      tpu.yield
    }) : () -> ()
    %add3A_18 = arith.constant 384 : i32
    %add3A_19 = arith.addi %mul3A_2, %add3A_18 : i32
    "tpu.region"() ({
      %run_scoped3A_32 = tpu.sem_alloc : memref<!tpu.dma_semaphore, #tpu.memory_space<semaphore_mem>>
      %dma_start3A = arith.constant 0 : i32
      %dma_start3A_33 = tpu.memref_slice %arg5[%dma_start3A] : memref<256xf32, #tpu.memory_space<vmem>> -> memref<128xf32, #tpu.memory_space<vmem>>
      %dma_start3A_34 = tpu.memref_slice %arg6[%add3A_19] : memref<10240xf32, #tpu.memory_space<vmem_shared>> -> memref<128xf32, #tpu.memory_space<vmem_shared>>
      %dma_start3A_35 = tpu.memref_slice %arg6[%add3A_19] : memref<10240xf32, #tpu.memory_space<vmem_shared>> -> memref<128xf32, #tpu.memory_space<vmem_shared>>
      %dma_start3A_36 = arith.constant 0 : i32
      %dma_start3A_37 = tpu.memref_slice %arg5[%dma_start3A_36] : memref<256xf32, #tpu.memory_space<vmem>> -> memref<128xf32, #tpu.memory_space<vmem>>
      tpu.enqueue_dma source(%dma_start3A_37 : memref<128xf32, #tpu.memory_space<vmem>>) target(%dma_start3A_35 : memref<128xf32, #tpu.memory_space<vmem_shared>>) target_semaphore(%run_scoped3A_32 : memref<!tpu.dma_semaphore, #tpu.memory_space<semaphore_mem>>)
      %dma_wait3A = arith.constant 0 : i32
      %dma_wait3A_38 = tpu.memref_slice %arg5[%dma_wait3A] : memref<256xf32, #tpu.memory_space<vmem>> -> memref<128xf32, #tpu.memory_space<vmem>>
      %dma_wait3A_39 = tpu.memref_slice %arg6[%add3A_19] : memref<10240xf32, #tpu.memory_space<vmem_shared>> -> memref<128xf32, #tpu.memory_space<vmem_shared>>
      %dma_wait3A_40 = tpu.memref_slice %arg6[%add3A_19] : memref<10240xf32, #tpu.memory_space<vmem_shared>> -> memref<128xf32, #tpu.memory_space<vmem_shared>>
      %dma_wait3A_41 = arith.constant 0 : i32
      %dma_wait3A_42 = tpu.memref_slice %arg5[%dma_wait3A_41] : memref<256xf32, #tpu.memory_space<vmem>> -> memref<128xf32, #tpu.memory_space<vmem>>
      tpu.wait_dma2 semaphore(%run_scoped3A_32 : memref<!tpu.dma_semaphore, #tpu.memory_space<semaphore_mem>>) src(%dma_wait3A_42 : memref<128xf32, #tpu.memory_space<vmem>>) dst(%dma_wait3A_40 : memref<128xf32, #tpu.memory_space<vmem_shared>>)
      tpu.yield
    }) : () -> ()
    %add3A_20 = arith.constant 512 : i32
    %add3A_21 = arith.addi %mul3A_2, %add3A_20 : i32
    "tpu.region"() ({
      %run_scoped3A_32 = tpu.sem_alloc : memref<!tpu.dma_semaphore, #tpu.memory_space<semaphore_mem>>
      %dma_start3A = arith.constant 0 : i32
      %dma_start3A_33 = tpu.memref_slice %arg5[%dma_start3A] : memref<256xf32, #tpu.memory_space<vmem>> -> memref<128xf32, #tpu.memory_space<vmem>>
      %dma_start3A_34 = tpu.memref_slice %arg6[%add3A_21] : memref<10240xf32, #tpu.memory_space<vmem_shared>> -> memref<128xf32, #tpu.memory_space<vmem_shared>>
      %dma_start3A_35 = tpu.memref_slice %arg6[%add3A_21] : memref<10240xf32, #tpu.memory_space<vmem_shared>> -> memref<128xf32, #tpu.memory_space<vmem_shared>>
      %dma_start3A_36 = arith.constant 0 : i32
      %dma_start3A_37 = tpu.memref_slice %arg5[%dma_start3A_36] : memref<256xf32, #tpu.memory_space<vmem>> -> memref<128xf32, #tpu.memory_space<vmem>>
      tpu.enqueue_dma source(%dma_start3A_37 : memref<128xf32, #tpu.memory_space<vmem>>) target(%dma_start3A_35 : memref<128xf32, #tpu.memory_space<vmem_shared>>) target_semaphore(%run_scoped3A_32 : memref<!tpu.dma_semaphore, #tpu.memory_space<semaphore_mem>>)
      %dma_wait3A = arith.constant 0 : i32
      %dma_wait3A_38 = tpu.memref_slice %arg5[%dma_wait3A] : memref<256xf32, #tpu.memory_space<vmem>> -> memref<128xf32, #tpu.memory_space<vmem>>
      %dma_wait3A_39 = tpu.memref_slice %arg6[%add3A_21] : memref<10240xf32, #tpu.memory_space<vmem_shared>> -> memref<128xf32, #tpu.memory_space<vmem_shared>>
      %dma_wait3A_40 = tpu.memref_slice %arg6[%add3A_21] : memref<10240xf32, #tpu.memory_space<vmem_shared>> -> memref<128xf32, #tpu.memory_space<vmem_shared>>
      %dma_wait3A_41 = arith.constant 0 : i32
      %dma_wait3A_42 = tpu.memref_slice %arg5[%dma_wait3A_41] : memref<256xf32, #tpu.memory_space<vmem>> -> memref<128xf32, #tpu.memory_space<vmem>>
      tpu.wait_dma2 semaphore(%run_scoped3A_32 : memref<!tpu.dma_semaphore, #tpu.memory_space<semaphore_mem>>) src(%dma_wait3A_42 : memref<128xf32, #tpu.memory_space<vmem>>) dst(%dma_wait3A_40 : memref<128xf32, #tpu.memory_space<vmem_shared>>)
      tpu.yield
    }) : () -> ()
    %mul3A_22 = arith.constant 80 : i32
    %mul3A_23 = arith.muli %add3A, %mul3A_22 : i32
    %run_scoped3A = arith.constant 1 : i32
    "tpu.region"() ({
      %run_scoped3A_32 = tpu.sem_alloc : memref<!tpu.dma_semaphore, #tpu.memory_space<semaphore_mem>>
      %dma_start3A = arith.constant 0 : i32
      %dma_start3A_33 = tpu.memref_slice %arg2[%run_scoped3A, %mul3A_23, %dma_start3A] : memref<2x2560x125xi32, #tpu.memory_space<hbm>> -> memref<1x80x125xi32, #tpu.memory_space<hbm>>
      %dma_start3A_34 = tpu.memref_squeeze %dma_start3A_33 : memref<1x80x125xi32, #tpu.memory_space<hbm>> -> memref<80x125xi32, #tpu.memory_space<hbm>>
      %dma_start3A_35 = arith.constant 0 : i32
      %dma_start3A_36 = tpu.memref_slice %arg2[%run_scoped3A, %mul3A_23, %dma_start3A_35] : memref<2x2560x125xi32, #tpu.memory_space<hbm>> -> memref<1x80x125xi32, #tpu.memory_space<hbm>>
      %dma_start3A_37 = tpu.memref_squeeze %dma_start3A_36 : memref<1x80x125xi32, #tpu.memory_space<hbm>> -> memref<80x125xi32, #tpu.memory_space<hbm>>
      tpu.enqueue_dma source(%dma_start3A_37 : memref<80x125xi32, #tpu.memory_space<hbm>>) target(%arg4 : memref<80x125xi32, #tpu.memory_space<vmem>>) target_semaphore(%run_scoped3A_32 : memref<!tpu.dma_semaphore, #tpu.memory_space<semaphore_mem>>)
      %dma_wait3A = arith.constant 0 : i32
      %dma_wait3A_38 = tpu.memref_slice %arg2[%run_scoped3A, %mul3A_23, %dma_wait3A] : memref<2x2560x125xi32, #tpu.memory_space<hbm>> -> memref<1x80x125xi32, #tpu.memory_space<hbm>>
      %dma_wait3A_39 = tpu.memref_squeeze %dma_wait3A_38 : memref<1x80x125xi32, #tpu.memory_space<hbm>> -> memref<80x125xi32, #tpu.memory_space<hbm>>
      %dma_wait3A_40 = arith.constant 0 : i32
      %dma_wait3A_41 = tpu.memref_slice %arg2[%run_scoped3A, %mul3A_23, %dma_wait3A_40] : memref<2x2560x125xi32, #tpu.memory_space<hbm>> -> memref<1x80x125xi32, #tpu.memory_space<hbm>>
      %dma_wait3A_42 = tpu.memref_squeeze %dma_wait3A_41 : memref<1x80x125xi32, #tpu.memory_space<hbm>> -> memref<80x125xi32, #tpu.memory_space<hbm>>
      tpu.wait_dma2 semaphore(%run_scoped3A_32 : memref<!tpu.dma_semaphore, #tpu.memory_space<semaphore_mem>>) src(%dma_wait3A_42 : memref<80x125xi32, #tpu.memory_space<hbm>>) dst(%arg4 : memref<80x125xi32, #tpu.memory_space<vmem>>)
      tpu.yield
    }) : () -> ()
    %barrier3A = arith.constant 0 : index
    tpu.barrier barrier_id(%barrier3A)
    %scan3A_24 = arith.constant 0 : i32
    %scan3A_25 = arith.constant 0 : i32
    %scan3A_26 = arith.constant 10 : i32
    %scan3A_27 = arith.addi %scan3A_25, %scan3A_26 : i32
    %scan3A_28 = arith.constant 1 : i32
    %scan3A_29 = scf.for %scan3A_32 = %scan3A_25 to %scan3A_27 step %scan3A_28 iter_args(%scan3A_33 = %scan3A_24) -> (i32)  : i32 {
      %mul3A_34 = arith.constant 8 : i32
      %mul3A_35 = arith.muli %scan3A_32, %mul3A_34 : i32
      %add3A_36 = arith.constant 0 : i32
      %add3A_37 = arith.addi %mul3A_35, %add3A_36 : i32
      %dma_start3A = arith.constant 128 : i32
      %dma_start3A_38 = tpu.memref_slice %arg5[%dma_start3A] : memref<256xf32, #tpu.memory_space<vmem>> -> memref<125xf32, #tpu.memory_space<vmem>>
      %dma_start3A_39 = arith.constant 0 : i32
      %dma_start3A_40 = tpu.memref_slice %arg4[%add3A_37, %dma_start3A_39] : memref<80x125xi32, #tpu.memory_space<vmem>> -> memref<1x125xi32, #tpu.memory_space<vmem>>
      %dma_start3A_41 = tpu.memref_squeeze %dma_start3A_40 : memref<1x125xi32, #tpu.memory_space<vmem>> -> memref<125xi32, #tpu.memory_space<vmem>>
      %dma_start3A_42 = arith.constant 0 : i32
      %dma_start3A_43 = tpu.memref_slice %arg6[%dma_start3A_42] : memref<10240xf32, #tpu.memory_space<vmem_shared>> -> memref<10240xf32, #tpu.memory_space<vmem_shared>>
      tpu.enqueue_indirect_dma source(%dma_start3A_38 : memref<125xf32, #tpu.memory_space<vmem>>) target(%dma_start3A_43 : memref<10240xf32, #tpu.memory_space<vmem_shared>>) offsets(%dma_start3A_41 : memref<125xi32, #tpu.memory_space<vmem>>) semaphore(%arg7 : memref<!tpu.dma_semaphore, #tpu.memory_space<semaphore_mem>>) {add = true}
      %mul3A_44 = arith.constant 8 : i32
      %mul3A_45 = arith.muli %scan3A_32, %mul3A_44 : i32
      %add3A_46 = arith.constant 1 : i32
      %add3A_47 = arith.addi %mul3A_45, %add3A_46 : i32
      %dma_start3A_48 = arith.constant 128 : i32
      %dma_start3A_49 = tpu.memref_slice %arg5[%dma_start3A_48] : memref<256xf32, #tpu.memory_space<vmem>> -> memref<125xf32, #tpu.memory_space<vmem>>
      %dma_start3A_50 = arith.constant 0 : i32
      %dma_start3A_51 = tpu.memref_slice %arg4[%add3A_47, %dma_start3A_50] : memref<80x125xi32, #tpu.memory_space<vmem>> -> memref<1x125xi32, #tpu.memory_space<vmem>>
      %dma_start3A_52 = tpu.memref_squeeze %dma_start3A_51 : memref<1x125xi32, #tpu.memory_space<vmem>> -> memref<125xi32, #tpu.memory_space<vmem>>
      %dma_start3A_53 = arith.constant 0 : i32
      %dma_start3A_54 = tpu.memref_slice %arg6[%dma_start3A_53] : memref<10240xf32, #tpu.memory_space<vmem_shared>> -> memref<10240xf32, #tpu.memory_space<vmem_shared>>
      tpu.enqueue_indirect_dma source(%dma_start3A_49 : memref<125xf32, #tpu.memory_space<vmem>>) target(%dma_start3A_54 : memref<10240xf32, #tpu.memory_space<vmem_shared>>) offsets(%dma_start3A_52 : memref<125xi32, #tpu.memory_space<vmem>>) semaphore(%arg7 : memref<!tpu.dma_semaphore, #tpu.memory_space<semaphore_mem>>) {add = true}
      %mul3A_55 = arith.constant 8 : i32
      %mul3A_56 = arith.muli %scan3A_32, %mul3A_55 : i32
      %add3A_57 = arith.constant 2 : i32
      %add3A_58 = arith.addi %mul3A_56, %add3A_57 : i32
      %dma_start3A_59 = arith.constant 128 : i32
      %dma_start3A_60 = tpu.memref_slice %arg5[%dma_start3A_59] : memref<256xf32, #tpu.memory_space<vmem>> -> memref<125xf32, #tpu.memory_space<vmem>>
      %dma_start3A_61 = arith.constant 0 : i32
      %dma_start3A_62 = tpu.memref_slice %arg4[%add3A_58, %dma_start3A_61] : memref<80x125xi32, #tpu.memory_space<vmem>> -> memref<1x125xi32, #tpu.memory_space<vmem>>
      %dma_start3A_63 = tpu.memref_squeeze %dma_start3A_62 : memref<1x125xi32, #tpu.memory_space<vmem>> -> memref<125xi32, #tpu.memory_space<vmem>>
      %dma_start3A_64 = arith.constant 0 : i32
      %dma_start3A_65 = tpu.memref_slice %arg6[%dma_start3A_64] : memref<10240xf32, #tpu.memory_space<vmem_shared>> -> memref<10240xf32, #tpu.memory_space<vmem_shared>>
      tpu.enqueue_indirect_dma source(%dma_start3A_60 : memref<125xf32, #tpu.memory_space<vmem>>) target(%dma_start3A_65 : memref<10240xf32, #tpu.memory_space<vmem_shared>>) offsets(%dma_start3A_63 : memref<125xi32, #tpu.memory_space<vmem>>) semaphore(%arg7 : memref<!tpu.dma_semaphore, #tpu.memory_space<semaphore_mem>>) {add = true}
      %mul3A_66 = arith.constant 8 : i32
      %mul3A_67 = arith.muli %scan3A_32, %mul3A_66 : i32
      %add3A_68 = arith.constant 3 : i32
      %add3A_69 = arith.addi %mul3A_67, %add3A_68 : i32
      %dma_start3A_70 = arith.constant 128 : i32
      %dma_start3A_71 = tpu.memref_slice %arg5[%dma_start3A_70] : memref<256xf32, #tpu.memory_space<vmem>> -> memref<125xf32, #tpu.memory_space<vmem>>
      %dma_start3A_72 = arith.constant 0 : i32
      %dma_start3A_73 = tpu.memref_slice %arg4[%add3A_69, %dma_start3A_72] : memref<80x125xi32, #tpu.memory_space<vmem>> -> memref<1x125xi32, #tpu.memory_space<vmem>>
      %dma_start3A_74 = tpu.memref_squeeze %dma_start3A_73 : memref<1x125xi32, #tpu.memory_space<vmem>> -> memref<125xi32, #tpu.memory_space<vmem>>
      %dma_start3A_75 = arith.constant 0 : i32
      %dma_start3A_76 = tpu.memref_slice %arg6[%dma_start3A_75] : memref<10240xf32, #tpu.memory_space<vmem_shared>> -> memref<10240xf32, #tpu.memory_space<vmem_shared>>
      tpu.enqueue_indirect_dma source(%dma_start3A_71 : memref<125xf32, #tpu.memory_space<vmem>>) target(%dma_start3A_76 : memref<10240xf32, #tpu.memory_space<vmem_shared>>) offsets(%dma_start3A_74 : memref<125xi32, #tpu.memory_space<vmem>>) semaphore(%arg7 : memref<!tpu.dma_semaphore, #tpu.memory_space<semaphore_mem>>) {add = true}
      %mul3A_77 = arith.constant 8 : i32
      %mul3A_78 = arith.muli %scan3A_32, %mul3A_77 : i32
      %add3A_79 = arith.constant 4 : i32
      %add3A_80 = arith.addi %mul3A_78, %add3A_79 : i32
      %dma_start3A_81 = arith.constant 128 : i32
      %dma_start3A_82 = tpu.memref_slice %arg5[%dma_start3A_81] : memref<256xf32, #tpu.memory_space<vmem>> -> memref<125xf32, #tpu.memory_space<vmem>>
      %dma_start3A_83 = arith.constant 0 : i32
      %dma_start3A_84 = tpu.memref_slice %arg4[%add3A_80, %dma_start3A_83] : memref<80x125xi32, #tpu.memory_space<vmem>> -> memref<1x125xi32, #tpu.memory_space<vmem>>
      %dma_start3A_85 = tpu.memref_squeeze %dma_start3A_84 : memref<1x125xi32, #tpu.memory_space<vmem>> -> memref<125xi32, #tpu.memory_space<vmem>>
      %dma_start3A_86 = arith.constant 0 : i32
      %dma_start3A_87 = tpu.memref_slice %arg6[%dma_start3A_86] : memref<10240xf32, #tpu.memory_space<vmem_shared>> -> memref<10240xf32, #tpu.memory_space<vmem_shared>>
      tpu.enqueue_indirect_dma source(%dma_start3A_82 : memref<125xf32, #tpu.memory_space<vmem>>) target(%dma_start3A_87 : memref<10240xf32, #tpu.memory_space<vmem_shared>>) offsets(%dma_start3A_85 : memref<125xi32, #tpu.memory_space<vmem>>) semaphore(%arg7 : memref<!tpu.dma_semaphore, #tpu.memory_space<semaphore_mem>>) {add = true}
      %mul3A_88 = arith.constant 8 : i32
      %mul3A_89 = arith.muli %scan3A_32, %mul3A_88 : i32
      %add3A_90 = arith.constant 5 : i32
      %add3A_91 = arith.addi %mul3A_89, %add3A_90 : i32
      %dma_start3A_92 = arith.constant 128 : i32
      %dma_start3A_93 = tpu.memref_slice %arg5[%dma_start3A_92] : memref<256xf32, #tpu.memory_space<vmem>> -> memref<125xf32, #tpu.memory_space<vmem>>
      %dma_start3A_94 = arith.constant 0 : i32
      %dma_start3A_95 = tpu.memref_slice %arg4[%add3A_91, %dma_start3A_94] : memref<80x125xi32, #tpu.memory_space<vmem>> -> memref<1x125xi32, #tpu.memory_space<vmem>>
      %dma_start3A_96 = tpu.memref_squeeze %dma_start3A_95 : memref<1x125xi32, #tpu.memory_space<vmem>> -> memref<125xi32, #tpu.memory_space<vmem>>
      %dma_start3A_97 = arith.constant 0 : i32
      %dma_start3A_98 = tpu.memref_slice %arg6[%dma_start3A_97] : memref<10240xf32, #tpu.memory_space<vmem_shared>> -> memref<10240xf32, #tpu.memory_space<vmem_shared>>
      tpu.enqueue_indirect_dma source(%dma_start3A_93 : memref<125xf32, #tpu.memory_space<vmem>>) target(%dma_start3A_98 : memref<10240xf32, #tpu.memory_space<vmem_shared>>) offsets(%dma_start3A_96 : memref<125xi32, #tpu.memory_space<vmem>>) semaphore(%arg7 : memref<!tpu.dma_semaphore, #tpu.memory_space<semaphore_mem>>) {add = true}
      %mul3A_99 = arith.constant 8 : i32
      %mul3A_100 = arith.muli %scan3A_32, %mul3A_99 : i32
      %add3A_101 = arith.constant 6 : i32
      %add3A_102 = arith.addi %mul3A_100, %add3A_101 : i32
      %dma_start3A_103 = arith.constant 128 : i32
      %dma_start3A_104 = tpu.memref_slice %arg5[%dma_start3A_103] : memref<256xf32, #tpu.memory_space<vmem>> -> memref<125xf32, #tpu.memory_space<vmem>>
      %dma_start3A_105 = arith.constant 0 : i32
      %dma_start3A_106 = tpu.memref_slice %arg4[%add3A_102, %dma_start3A_105] : memref<80x125xi32, #tpu.memory_space<vmem>> -> memref<1x125xi32, #tpu.memory_space<vmem>>
      %dma_start3A_107 = tpu.memref_squeeze %dma_start3A_106 : memref<1x125xi32, #tpu.memory_space<vmem>> -> memref<125xi32, #tpu.memory_space<vmem>>
      %dma_start3A_108 = arith.constant 0 : i32
      %dma_start3A_109 = tpu.memref_slice %arg6[%dma_start3A_108] : memref<10240xf32, #tpu.memory_space<vmem_shared>> -> memref<10240xf32, #tpu.memory_space<vmem_shared>>
      tpu.enqueue_indirect_dma source(%dma_start3A_104 : memref<125xf32, #tpu.memory_space<vmem>>) target(%dma_start3A_109 : memref<10240xf32, #tpu.memory_space<vmem_shared>>) offsets(%dma_start3A_107 : memref<125xi32, #tpu.memory_space<vmem>>) semaphore(%arg7 : memref<!tpu.dma_semaphore, #tpu.memory_space<semaphore_mem>>) {add = true}
      %mul3A_110 = arith.constant 8 : i32
      %mul3A_111 = arith.muli %scan3A_32, %mul3A_110 : i32
      %add3A_112 = arith.constant 7 : i32
      %add3A_113 = arith.addi %mul3A_111, %add3A_112 : i32
      %dma_start3A_114 = arith.constant 128 : i32
      %dma_start3A_115 = tpu.memref_slice %arg5[%dma_start3A_114] : memref<256xf32, #tpu.memory_space<vmem>> -> memref<125xf32, #tpu.memory_space<vmem>>
      %dma_start3A_116 = arith.constant 0 : i32
      %dma_start3A_117 = tpu.memref_slice %arg4[%add3A_113, %dma_start3A_116] : memref<80x125xi32, #tpu.memory_space<vmem>> -> memref<1x125xi32, #tpu.memory_space<vmem>>
      %dma_start3A_118 = tpu.memref_squeeze %dma_start3A_117 : memref<1x125xi32, #tpu.memory_space<vmem>> -> memref<125xi32, #tpu.memory_space<vmem>>
      %dma_start3A_119 = arith.constant 0 : i32
      %dma_start3A_120 = tpu.memref_slice %arg6[%dma_start3A_119] : memref<10240xf32, #tpu.memory_space<vmem_shared>> -> memref<10240xf32, #tpu.memory_space<vmem_shared>>
      tpu.enqueue_indirect_dma source(%dma_start3A_115 : memref<125xf32, #tpu.memory_space<vmem>>) target(%dma_start3A_120 : memref<10240xf32, #tpu.memory_space<vmem_shared>>) offsets(%dma_start3A_118 : memref<125xi32, #tpu.memory_space<vmem>>) semaphore(%arg7 : memref<!tpu.dma_semaphore, #tpu.memory_space<semaphore_mem>>) {add = true}
      %mul3A_121 = arith.constant 8 : i32
      %mul3A_122 = arith.muli %scan3A_32, %mul3A_121 : i32
      %add3A_123 = arith.constant 0 : i32
      %add3A_124 = arith.addi %mul3A_122, %add3A_123 : i32
      %dma_wait3A = arith.constant 128 : i32
      %dma_wait3A_125 = tpu.memref_slice %arg5[%dma_wait3A] : memref<256xf32, #tpu.memory_space<vmem>> -> memref<125xf32, #tpu.memory_space<vmem>>
      %dma_wait3A_126 = arith.constant 0 : i32
      %dma_wait3A_127 = tpu.memref_slice %arg4[%add3A_124, %dma_wait3A_126] : memref<80x125xi32, #tpu.memory_space<vmem>> -> memref<1x125xi32, #tpu.memory_space<vmem>>
      %dma_wait3A_128 = tpu.memref_squeeze %dma_wait3A_127 : memref<1x125xi32, #tpu.memory_space<vmem>> -> memref<125xi32, #tpu.memory_space<vmem>>
      %dma_wait3A_129 = arith.constant 0 : i32
      %dma_wait3A_130 = tpu.memref_slice %arg6[%dma_wait3A_129] : memref<10240xf32, #tpu.memory_space<vmem_shared>> -> memref<10240xf32, #tpu.memory_space<vmem_shared>>
      tpu.wait_indirect_dma semaphore(%arg7 : memref<!tpu.dma_semaphore, #tpu.memory_space<semaphore_mem>>) src(%dma_wait3A_125 : memref<125xf32, #tpu.memory_space<vmem>>) dst(%dma_wait3A_130 : memref<10240xf32, #tpu.memory_space<vmem_shared>>)
      %mul3A_131 = arith.constant 8 : i32
      %mul3A_132 = arith.muli %scan3A_32, %mul3A_131 : i32
      %add3A_133 = arith.constant 1 : i32
      %add3A_134 = arith.addi %mul3A_132, %add3A_133 : i32
      %dma_wait3A_135 = arith.constant 128 : i32
      %dma_wait3A_136 = tpu.memref_slice %arg5[%dma_wait3A_135] : memref<256xf32, #tpu.memory_space<vmem>> -> memref<125xf32, #tpu.memory_space<vmem>>
      %dma_wait3A_137 = arith.constant 0 : i32
      %dma_wait3A_138 = tpu.memref_slice %arg4[%add3A_134, %dma_wait3A_137] : memref<80x125xi32, #tpu.memory_space<vmem>> -> memref<1x125xi32, #tpu.memory_space<vmem>>
      %dma_wait3A_139 = tpu.memref_squeeze %dma_wait3A_138 : memref<1x125xi32, #tpu.memory_space<vmem>> -> memref<125xi32, #tpu.memory_space<vmem>>
      %dma_wait3A_140 = arith.constant 0 : i32
      %dma_wait3A_141 = tpu.memref_slice %arg6[%dma_wait3A_140] : memref<10240xf32, #tpu.memory_space<vmem_shared>> -> memref<10240xf32, #tpu.memory_space<vmem_shared>>
      tpu.wait_indirect_dma semaphore(%arg7 : memref<!tpu.dma_semaphore, #tpu.memory_space<semaphore_mem>>) src(%dma_wait3A_136 : memref<125xf32, #tpu.memory_space<vmem>>) dst(%dma_wait3A_141 : memref<10240xf32, #tpu.memory_space<vmem_shared>>)
      %mul3A_142 = arith.constant 8 : i32
      %mul3A_143 = arith.muli %scan3A_32, %mul3A_142 : i32
      %add3A_144 = arith.constant 2 : i32
      %add3A_145 = arith.addi %mul3A_143, %add3A_144 : i32
      %dma_wait3A_146 = arith.constant 128 : i32
      %dma_wait3A_147 = tpu.memref_slice %arg5[%dma_wait3A_146] : memref<256xf32, #tpu.memory_space<vmem>> -> memref<125xf32, #tpu.memory_space<vmem>>
      %dma_wait3A_148 = arith.constant 0 : i32
      %dma_wait3A_149 = tpu.memref_slice %arg4[%add3A_145, %dma_wait3A_148] : memref<80x125xi32, #tpu.memory_space<vmem>> -> memref<1x125xi32, #tpu.memory_space<vmem>>
      %dma_wait3A_150 = tpu.memref_squeeze %dma_wait3A_149 : memref<1x125xi32, #tpu.memory_space<vmem>> -> memref<125xi32, #tpu.memory_space<vmem>>
      %dma_wait3A_151 = arith.constant 0 : i32
      %dma_wait3A_152 = tpu.memref_slice %arg6[%dma_wait3A_151] : memref<10240xf32, #tpu.memory_space<vmem_shared>> -> memref<10240xf32, #tpu.memory_space<vmem_shared>>
      tpu.wait_indirect_dma semaphore(%arg7 : memref<!tpu.dma_semaphore, #tpu.memory_space<semaphore_mem>>) src(%dma_wait3A_147 : memref<125xf32, #tpu.memory_space<vmem>>) dst(%dma_wait3A_152 : memref<10240xf32, #tpu.memory_space<vmem_shared>>)
      %mul3A_153 = arith.constant 8 : i32
      %mul3A_154 = arith.muli %scan3A_32, %mul3A_153 : i32
      %add3A_155 = arith.constant 3 : i32
      %add3A_156 = arith.addi %mul3A_154, %add3A_155 : i32
      %dma_wait3A_157 = arith.constant 128 : i32
      %dma_wait3A_158 = tpu.memref_slice %arg5[%dma_wait3A_157] : memref<256xf32, #tpu.memory_space<vmem>> -> memref<125xf32, #tpu.memory_space<vmem>>
      %dma_wait3A_159 = arith.constant 0 : i32
      %dma_wait3A_160 = tpu.memref_slice %arg4[%add3A_156, %dma_wait3A_159] : memref<80x125xi32, #tpu.memory_space<vmem>> -> memref<1x125xi32, #tpu.memory_space<vmem>>
      %dma_wait3A_161 = tpu.memref_squeeze %dma_wait3A_160 : memref<1x125xi32, #tpu.memory_space<vmem>> -> memref<125xi32, #tpu.memory_space<vmem>>
      %dma_wait3A_162 = arith.constant 0 : i32
      %dma_wait3A_163 = tpu.memref_slice %arg6[%dma_wait3A_162] : memref<10240xf32, #tpu.memory_space<vmem_shared>> -> memref<10240xf32, #tpu.memory_space<vmem_shared>>
      tpu.wait_indirect_dma semaphore(%arg7 : memref<!tpu.dma_semaphore, #tpu.memory_space<semaphore_mem>>) src(%dma_wait3A_158 : memref<125xf32, #tpu.memory_space<vmem>>) dst(%dma_wait3A_163 : memref<10240xf32, #tpu.memory_space<vmem_shared>>)
      %mul3A_164 = arith.constant 8 : i32
      %mul3A_165 = arith.muli %scan3A_32, %mul3A_164 : i32
      %add3A_166 = arith.constant 4 : i32
      %add3A_167 = arith.addi %mul3A_165, %add3A_166 : i32
      %dma_wait3A_168 = arith.constant 128 : i32
      %dma_wait3A_169 = tpu.memref_slice %arg5[%dma_wait3A_168] : memref<256xf32, #tpu.memory_space<vmem>> -> memref<125xf32, #tpu.memory_space<vmem>>
      %dma_wait3A_170 = arith.constant 0 : i32
      %dma_wait3A_171 = tpu.memref_slice %arg4[%add3A_167, %dma_wait3A_170] : memref<80x125xi32, #tpu.memory_space<vmem>> -> memref<1x125xi32, #tpu.memory_space<vmem>>
      %dma_wait3A_172 = tpu.memref_squeeze %dma_wait3A_171 : memref<1x125xi32, #tpu.memory_space<vmem>> -> memref<125xi32, #tpu.memory_space<vmem>>
      %dma_wait3A_173 = arith.constant 0 : i32
      %dma_wait3A_174 = tpu.memref_slice %arg6[%dma_wait3A_173] : memref<10240xf32, #tpu.memory_space<vmem_shared>> -> memref<10240xf32, #tpu.memory_space<vmem_shared>>
      tpu.wait_indirect_dma semaphore(%arg7 : memref<!tpu.dma_semaphore, #tpu.memory_space<semaphore_mem>>) src(%dma_wait3A_169 : memref<125xf32, #tpu.memory_space<vmem>>) dst(%dma_wait3A_174 : memref<10240xf32, #tpu.memory_space<vmem_shared>>)
      %mul3A_175 = arith.constant 8 : i32
      %mul3A_176 = arith.muli %scan3A_32, %mul3A_175 : i32
      %add3A_177 = arith.constant 5 : i32
      %add3A_178 = arith.addi %mul3A_176, %add3A_177 : i32
      %dma_wait3A_179 = arith.constant 128 : i32
      %dma_wait3A_180 = tpu.memref_slice %arg5[%dma_wait3A_179] : memref<256xf32, #tpu.memory_space<vmem>> -> memref<125xf32, #tpu.memory_space<vmem>>
      %dma_wait3A_181 = arith.constant 0 : i32
      %dma_wait3A_182 = tpu.memref_slice %arg4[%add3A_178, %dma_wait3A_181] : memref<80x125xi32, #tpu.memory_space<vmem>> -> memref<1x125xi32, #tpu.memory_space<vmem>>
      %dma_wait3A_183 = tpu.memref_squeeze %dma_wait3A_182 : memref<1x125xi32, #tpu.memory_space<vmem>> -> memref<125xi32, #tpu.memory_space<vmem>>
      %dma_wait3A_184 = arith.constant 0 : i32
      %dma_wait3A_185 = tpu.memref_slice %arg6[%dma_wait3A_184] : memref<10240xf32, #tpu.memory_space<vmem_shared>> -> memref<10240xf32, #tpu.memory_space<vmem_shared>>
      tpu.wait_indirect_dma semaphore(%arg7 : memref<!tpu.dma_semaphore, #tpu.memory_space<semaphore_mem>>) src(%dma_wait3A_180 : memref<125xf32, #tpu.memory_space<vmem>>) dst(%dma_wait3A_185 : memref<10240xf32, #tpu.memory_space<vmem_shared>>)
      %mul3A_186 = arith.constant 8 : i32
      %mul3A_187 = arith.muli %scan3A_32, %mul3A_186 : i32
      %add3A_188 = arith.constant 6 : i32
      %add3A_189 = arith.addi %mul3A_187, %add3A_188 : i32
      %dma_wait3A_190 = arith.constant 128 : i32
      %dma_wait3A_191 = tpu.memref_slice %arg5[%dma_wait3A_190] : memref<256xf32, #tpu.memory_space<vmem>> -> memref<125xf32, #tpu.memory_space<vmem>>
      %dma_wait3A_192 = arith.constant 0 : i32
      %dma_wait3A_193 = tpu.memref_slice %arg4[%add3A_189, %dma_wait3A_192] : memref<80x125xi32, #tpu.memory_space<vmem>> -> memref<1x125xi32, #tpu.memory_space<vmem>>
      %dma_wait3A_194 = tpu.memref_squeeze %dma_wait3A_193 : memref<1x125xi32, #tpu.memory_space<vmem>> -> memref<125xi32, #tpu.memory_space<vmem>>
      %dma_wait3A_195 = arith.constant 0 : i32
      %dma_wait3A_196 = tpu.memref_slice %arg6[%dma_wait3A_195] : memref<10240xf32, #tpu.memory_space<vmem_shared>> -> memref<10240xf32, #tpu.memory_space<vmem_shared>>
      tpu.wait_indirect_dma semaphore(%arg7 : memref<!tpu.dma_semaphore, #tpu.memory_space<semaphore_mem>>) src(%dma_wait3A_191 : memref<125xf32, #tpu.memory_space<vmem>>) dst(%dma_wait3A_196 : memref<10240xf32, #tpu.memory_space<vmem_shared>>)
      %mul3A_197 = arith.constant 8 : i32
      %mul3A_198 = arith.muli %scan3A_32, %mul3A_197 : i32
      %add3A_199 = arith.constant 7 : i32
      %add3A_200 = arith.addi %mul3A_198, %add3A_199 : i32
      %dma_wait3A_201 = arith.constant 128 : i32
      %dma_wait3A_202 = tpu.memref_slice %arg5[%dma_wait3A_201] : memref<256xf32, #tpu.memory_space<vmem>> -> memref<125xf32, #tpu.memory_space<vmem>>
      %dma_wait3A_203 = arith.constant 0 : i32
      %dma_wait3A_204 = tpu.memref_slice %arg4[%add3A_200, %dma_wait3A_203] : memref<80x125xi32, #tpu.memory_space<vmem>> -> memref<1x125xi32, #tpu.memory_space<vmem>>
      %dma_wait3A_205 = tpu.memref_squeeze %dma_wait3A_204 : memref<1x125xi32, #tpu.memory_space<vmem>> -> memref<125xi32, #tpu.memory_space<vmem>>
      %dma_wait3A_206 = arith.constant 0 : i32
      %dma_wait3A_207 = tpu.memref_slice %arg6[%dma_wait3A_206] : memref<10240xf32, #tpu.memory_space<vmem_shared>> -> memref<10240xf32, #tpu.memory_space<vmem_shared>>
      tpu.wait_indirect_dma semaphore(%arg7 : memref<!tpu.dma_semaphore, #tpu.memory_space<semaphore_mem>>) src(%dma_wait3A_202 : memref<125xf32, #tpu.memory_space<vmem>>) dst(%dma_wait3A_207 : memref<10240xf32, #tpu.memory_space<vmem_shared>>)
      %scan3A_208 = arith.constant 0 : i32
      scf.yield %scan3A_208 : i32
    }
    %scan3A_30 = arith.constant 10 : i32
    %barrier3A_31 = arith.constant 0 : index
    tpu.barrier barrier_id(%barrier3A_31)
    "tpu.region"() ({
      %run_scoped3A_32 = tpu.sem_alloc : memref<!tpu.dma_semaphore, #tpu.memory_space<semaphore_mem>>
      %dma_start3A = tpu.memref_slice %arg3[%arg0, %mul3A_2] : memref<2x10240xf32, #tpu.memory_space<hbm>> -> memref<1x640xf32, #tpu.memory_space<hbm>>
      %dma_start3A_33 = tpu.memref_squeeze %dma_start3A : memref<1x640xf32, #tpu.memory_space<hbm>> -> memref<640xf32, #tpu.memory_space<hbm>>
      %dma_start3A_34 = tpu.memref_slice %arg6[%mul3A_2] : memref<10240xf32, #tpu.memory_space<vmem_shared>> -> memref<640xf32, #tpu.memory_space<vmem_shared>>
      tpu.enqueue_dma source(%dma_start3A_34 : memref<640xf32, #tpu.memory_space<vmem_shared>>) target(%dma_start3A_33 : memref<640xf32, #tpu.memory_space<hbm>>) target_semaphore(%run_scoped3A_32 : memref<!tpu.dma_semaphore, #tpu.memory_space<semaphore_mem>>)
      %dma_wait3A = tpu.memref_slice %arg3[%arg0, %mul3A_2] : memref<2x10240xf32, #tpu.memory_space<hbm>> -> memref<1x640xf32, #tpu.memory_space<hbm>>
      %dma_wait3A_35 = tpu.memref_squeeze %dma_wait3A : memref<1x640xf32, #tpu.memory_space<hbm>> -> memref<640xf32, #tpu.memory_space<hbm>>
      %dma_wait3A_36 = tpu.memref_slice %arg6[%mul3A_2] : memref<10240xf32, #tpu.memory_space<vmem_shared>> -> memref<640xf32, #tpu.memory_space<vmem_shared>>
      tpu.wait_dma2 semaphore(%run_scoped3A_32 : memref<!tpu.dma_semaphore, #tpu.memory_space<semaphore_mem>>) src(%dma_wait3A_36 : memref<640xf32, #tpu.memory_space<vmem_shared>>) dst(%dma_wait3A_35 : memref<640xf32, #tpu.memory_space<hbm>>)
      tpu.yield
    }) : () -> ()
    return
  }
}

#map = affine_map<(d0, d1) -> (0, 0)>
#map1 = affine_map<(d0, d1) -> (0, 0, 0)>
module attributes {stable_mosaic.version = 14 : i64} {
  func.func @_scatter_body(%arg0: i32, %arg1: i32, %arg2: memref<10240x128xf32, #tpu.memory_space<hbm>>, %arg3: memref<2x2560x125xi32, #tpu.memory_space<hbm>>, %arg4: memref<2x10240x128xf32, #tpu.memory_space<hbm>>, %arg5: memref<40x125xi32, #tpu.memory_space<vmem>>, %arg6: memref<40x125xi32, #tpu.memory_space<vmem>>, %arg7: memref<125x128xf32, #tpu.memory_space<vmem>>, %arg8: memref<125x128xf32, #tpu.memory_space<vmem>>, %arg9: memref<10240x128xf32, #tpu.memory_space<vmem_shared>>, %arg10: memref<!tpu.dma_semaphore, #tpu.memory_space<semaphore_mem>>, %arg11: memref<!tpu.dma_semaphore, #tpu.memory_space<semaphore_mem>>, %arg12: memref<!tpu.dma_semaphore, #tpu.memory_space<semaphore_mem>>, %arg13: memref<!tpu.dma_semaphore, #tpu.memory_space<semaphore_mem>>) attributes {dimension_semantics = [#tpu.dimension_semantics<core_parallel>, #tpu.dimension_semantics<subcore_parallel>], iteration_bounds = array<i64: 2, 16>, scalar_prefetch = 0 : i64, scratch_operands = 9 : i64, tpu.core_type = #tpu.core_type<sc_vector_subcore>, window_params = [{transform_indices = #map}, {transform_indices = #map1}, {transform_indices = #map1}]} {
    %mul3A = arith.constant 16 : i32
    %mul3A_0 = arith.muli %arg0, %mul3A : i32
    %add3A = arith.addi %mul3A_0, %arg1 : i32
    %mul3A_1 = arith.constant 640 : i32
    %mul3A_2 = arith.muli %arg1, %mul3A_1 : i32
    %broadcast_in_dim3A = arith.constant 0.000000e+00 : f32
    %broadcast_in_dim3A_3 = vector.broadcast %broadcast_in_dim3A : f32 to vector<16xf32>
    %scan3A = arith.constant 0 : i32
    %scan3A_4 = arith.constant 0 : i32
    %scan3A_5 = arith.constant 80 : i32
    %scan3A_6 = arith.addi %scan3A_4, %scan3A_5 : i32
    %scan3A_7 = arith.constant 1 : i32
    %scan3A_8 = scf.for %scan3A_65 = %scan3A_4 to %scan3A_6 step %scan3A_7 iter_args(%scan3A_66 = %scan3A) -> (i32)  : i32 {
      %swap3A = arith.index_cast %scan3A_65 : i32 to index
      %swap3A_67 = arith.constant 0 : index
      %swap3A_68 = tpu.vector_load %arg7[%swap3A, %swap3A_67] {strides = array<i32>} : memref<125x128xf32, #tpu.memory_space<vmem>>, vector<1x16xf32>,
      %swap3A_69 = vector.shape_cast %swap3A_68 : vector<1x16xf32> to vector<16xf32>
      %swap3A_70 = vector.shape_cast %broadcast_in_dim3A_3 : vector<16xf32> to vector<1x16xf32>
      tpu.vector_store %arg7[%swap3A, %swap3A_67], %swap3A_70 {strides = array<i32>} : memref<125x128xf32, #tpu.memory_space<vmem>>, vector<1x16xf32>,
      %swap3A_71 = arith.index_cast %scan3A_65 : i32 to index
      %swap3A_72 = arith.constant 16 : index
      %swap3A_73 = tpu.vector_load %arg7[%swap3A_71, %swap3A_72] {strides = array<i32>} : memref<125x128xf32, #tpu.memory_space<vmem>>, vector<1x16xf32>,
      %swap3A_74 = vector.shape_cast %swap3A_73 : vector<1x16xf32> to vector<16xf32>
      %swap3A_75 = vector.shape_cast %broadcast_in_dim3A_3 : vector<16xf32> to vector<1x16xf32>
      tpu.vector_store %arg7[%swap3A_71, %swap3A_72], %swap3A_75 {strides = array<i32>} : memref<125x128xf32, #tpu.memory_space<vmem>>, vector<1x16xf32>,
      %swap3A_76 = arith.index_cast %scan3A_65 : i32 to index
      %swap3A_77 = arith.constant 32 : index
      %swap3A_78 = tpu.vector_load %arg7[%swap3A_76, %swap3A_77] {strides = array<i32>} : memref<125x128xf32, #tpu.memory_space<vmem>>, vector<1x16xf32>,
      %swap3A_79 = vector.shape_cast %swap3A_78 : vector<1x16xf32> to vector<16xf32>
      %swap3A_80 = vector.shape_cast %broadcast_in_dim3A_3 : vector<16xf32> to vector<1x16xf32>
      tpu.vector_store %arg7[%swap3A_76, %swap3A_77], %swap3A_80 {strides = array<i32>} : memref<125x128xf32, #tpu.memory_space<vmem>>, vector<1x16xf32>,
      %swap3A_81 = arith.index_cast %scan3A_65 : i32 to index
      %swap3A_82 = arith.constant 48 : index
      %swap3A_83 = tpu.vector_load %arg7[%swap3A_81, %swap3A_82] {strides = array<i32>} : memref<125x128xf32, #tpu.memory_space<vmem>>, vector<1x16xf32>,
      %swap3A_84 = vector.shape_cast %swap3A_83 : vector<1x16xf32> to vector<16xf32>
      %swap3A_85 = vector.shape_cast %broadcast_in_dim3A_3 : vector<16xf32> to vector<1x16xf32>
      tpu.vector_store %arg7[%swap3A_81, %swap3A_82], %swap3A_85 {strides = array<i32>} : memref<125x128xf32, #tpu.memory_space<vmem>>, vector<1x16xf32>,
      %swap3A_86 = arith.index_cast %scan3A_65 : i32 to index
      %swap3A_87 = arith.constant 64 : index
      %swap3A_88 = tpu.vector_load %arg7[%swap3A_86, %swap3A_87] {strides = array<i32>} : memref<125x128xf32, #tpu.memory_space<vmem>>, vector<1x16xf32>,
      %swap3A_89 = vector.shape_cast %swap3A_88 : vector<1x16xf32> to vector<16xf32>
      %swap3A_90 = vector.shape_cast %broadcast_in_dim3A_3 : vector<16xf32> to vector<1x16xf32>
      tpu.vector_store %arg7[%swap3A_86, %swap3A_87], %swap3A_90 {strides = array<i32>} : memref<125x128xf32, #tpu.memory_space<vmem>>, vector<1x16xf32>,
      %swap3A_91 = arith.index_cast %scan3A_65 : i32 to index
      %swap3A_92 = arith.constant 80 : index
      %swap3A_93 = tpu.vector_load %arg7[%swap3A_91, %swap3A_92] {strides = array<i32>} : memref<125x128xf32, #tpu.memory_space<vmem>>, vector<1x16xf32>,
      %swap3A_94 = vector.shape_cast %swap3A_93 : vector<1x16xf32> to vector<16xf32>
      %swap3A_95 = vector.shape_cast %broadcast_in_dim3A_3 : vector<16xf32> to vector<1x16xf32>
      tpu.vector_store %arg7[%swap3A_91, %swap3A_92], %swap3A_95 {strides = array<i32>} : memref<125x128xf32, #tpu.memory_space<vmem>>, vector<1x16xf32>,
      %swap3A_96 = arith.index_cast %scan3A_65 : i32 to index
      %swap3A_97 = arith.constant 96 : index
      %swap3A_98 = tpu.vector_load %arg7[%swap3A_96, %swap3A_97] {strides = array<i32>} : memref<125x128xf32, #tpu.memory_space<vmem>>, vector<1x16xf32>,
      %swap3A_99 = vector.shape_cast %swap3A_98 : vector<1x16xf32> to vector<16xf32>
      %swap3A_100 = vector.shape_cast %broadcast_in_dim3A_3 : vector<16xf32> to vector<1x16xf32>
      tpu.vector_store %arg7[%swap3A_96, %swap3A_97], %swap3A_100 {strides = array<i32>} : memref<125x128xf32, #tpu.memory_space<vmem>>, vector<1x16xf32>,
      %swap3A_101 = arith.index_cast %scan3A_65 : i32 to index
      %swap3A_102 = arith.constant 112 : index
      %swap3A_103 = tpu.vector_load %arg7[%swap3A_101, %swap3A_102] {strides = array<i32>} : memref<125x128xf32, #tpu.memory_space<vmem>>, vector<1x16xf32>,
      %swap3A_104 = vector.shape_cast %swap3A_103 : vector<1x16xf32> to vector<16xf32>
      %swap3A_105 = vector.shape_cast %broadcast_in_dim3A_3 : vector<16xf32> to vector<1x16xf32>
      tpu.vector_store %arg7[%swap3A_101, %swap3A_102], %swap3A_105 {strides = array<i32>} : memref<125x128xf32, #tpu.memory_space<vmem>>, vector<1x16xf32>,
      %scan3A_106 = arith.constant 0 : i32
      scf.yield %scan3A_106 : i32
    }
    %scan3A_9 = arith.constant 80 : i32
    %add3A_10 = arith.constant 0 : i32
    %add3A_11 = arith.addi %mul3A_2, %add3A_10 : i32
    "tpu.region"() ({
      %run_scoped3A_65 = tpu.sem_alloc : memref<!tpu.dma_semaphore, #tpu.memory_space<semaphore_mem>>
      %dma_start3A_66 = arith.constant 0 : i32
      %dma_start3A_67 = arith.constant 0 : i32
      %dma_start3A_68 = tpu.memref_slice %arg7[%dma_start3A_66, %dma_start3A_67] : memref<125x128xf32, #tpu.memory_space<vmem>> -> memref<80x128xf32, #tpu.memory_space<vmem>>
      %dma_start3A_69 = arith.constant 0 : i32
      %dma_start3A_70 = tpu.memref_slice %arg9[%add3A_11, %dma_start3A_69] : memref<10240x128xf32, #tpu.memory_space<vmem_shared>> -> memref<80x128xf32, #tpu.memory_space<vmem_shared>>
      %dma_start3A_71 = arith.constant 0 : i32
      %dma_start3A_72 = tpu.memref_slice %arg9[%add3A_11, %dma_start3A_71] : memref<10240x128xf32, #tpu.memory_space<vmem_shared>> -> memref<80x128xf32, #tpu.memory_space<vmem_shared>>
      %dma_start3A_73 = arith.constant 0 : i32
      %dma_start3A_74 = arith.constant 0 : i32
      %dma_start3A_75 = tpu.memref_slice %arg7[%dma_start3A_73, %dma_start3A_74] : memref<125x128xf32, #tpu.memory_space<vmem>> -> memref<80x128xf32, #tpu.memory_space<vmem>>
      tpu.enqueue_dma source(%dma_start3A_75 : memref<80x128xf32, #tpu.memory_space<vmem>>) target(%dma_start3A_72 : memref<80x128xf32, #tpu.memory_space<vmem_shared>>) target_semaphore(%run_scoped3A_65 : memref<!tpu.dma_semaphore, #tpu.memory_space<semaphore_mem>>)
      %dma_wait3A = arith.constant 0 : i32
      %dma_wait3A_76 = arith.constant 0 : i32
      %dma_wait3A_77 = tpu.memref_slice %arg7[%dma_wait3A, %dma_wait3A_76] : memref<125x128xf32, #tpu.memory_space<vmem>> -> memref<80x128xf32, #tpu.memory_space<vmem>>
      %dma_wait3A_78 = arith.constant 0 : i32
      %dma_wait3A_79 = tpu.memref_slice %arg9[%add3A_11, %dma_wait3A_78] : memref<10240x128xf32, #tpu.memory_space<vmem_shared>> -> memref<80x128xf32, #tpu.memory_space<vmem_shared>>
      %dma_wait3A_80 = arith.constant 0 : i32
      %dma_wait3A_81 = tpu.memref_slice %arg9[%add3A_11, %dma_wait3A_80] : memref<10240x128xf32, #tpu.memory_space<vmem_shared>> -> memref<80x128xf32, #tpu.memory_space<vmem_shared>>
      %dma_wait3A_82 = arith.constant 0 : i32
      %dma_wait3A_83 = arith.constant 0 : i32
      %dma_wait3A_84 = tpu.memref_slice %arg7[%dma_wait3A_82, %dma_wait3A_83] : memref<125x128xf32, #tpu.memory_space<vmem>> -> memref<80x128xf32, #tpu.memory_space<vmem>>
      tpu.wait_dma2 semaphore(%run_scoped3A_65 : memref<!tpu.dma_semaphore, #tpu.memory_space<semaphore_mem>>) src(%dma_wait3A_84 : memref<80x128xf32, #tpu.memory_space<vmem>>) dst(%dma_wait3A_81 : memref<80x128xf32, #tpu.memory_space<vmem_shared>>)
      tpu.yield
    }) : () -> ()
    %add3A_12 = arith.constant 80 : i32
    %add3A_13 = arith.addi %mul3A_2, %add3A_12 : i32
    "tpu.region"() ({
      %run_scoped3A_65 = tpu.sem_alloc : memref<!tpu.dma_semaphore, #tpu.memory_space<semaphore_mem>>
      %dma_start3A_66 = arith.constant 0 : i32
      %dma_start3A_67 = arith.constant 0 : i32
      %dma_start3A_68 = tpu.memref_slice %arg7[%dma_start3A_66, %dma_start3A_67] : memref<125x128xf32, #tpu.memory_space<vmem>> -> memref<80x128xf32, #tpu.memory_space<vmem>>
      %dma_start3A_69 = arith.constant 0 : i32
      %dma_start3A_70 = tpu.memref_slice %arg9[%add3A_13, %dma_start3A_69] : memref<10240x128xf32, #tpu.memory_space<vmem_shared>> -> memref<80x128xf32, #tpu.memory_space<vmem_shared>>
      %dma_start3A_71 = arith.constant 0 : i32
      %dma_start3A_72 = tpu.memref_slice %arg9[%add3A_13, %dma_start3A_71] : memref<10240x128xf32, #tpu.memory_space<vmem_shared>> -> memref<80x128xf32, #tpu.memory_space<vmem_shared>>
      %dma_start3A_73 = arith.constant 0 : i32
      %dma_start3A_74 = arith.constant 0 : i32
      %dma_start3A_75 = tpu.memref_slice %arg7[%dma_start3A_73, %dma_start3A_74] : memref<125x128xf32, #tpu.memory_space<vmem>> -> memref<80x128xf32, #tpu.memory_space<vmem>>
      tpu.enqueue_dma source(%dma_start3A_75 : memref<80x128xf32, #tpu.memory_space<vmem>>) target(%dma_start3A_72 : memref<80x128xf32, #tpu.memory_space<vmem_shared>>) target_semaphore(%run_scoped3A_65 : memref<!tpu.dma_semaphore, #tpu.memory_space<semaphore_mem>>)
      %dma_wait3A = arith.constant 0 : i32
      %dma_wait3A_76 = arith.constant 0 : i32
      %dma_wait3A_77 = tpu.memref_slice %arg7[%dma_wait3A, %dma_wait3A_76] : memref<125x128xf32, #tpu.memory_space<vmem>> -> memref<80x128xf32, #tpu.memory_space<vmem>>
      %dma_wait3A_78 = arith.constant 0 : i32
      %dma_wait3A_79 = tpu.memref_slice %arg9[%add3A_13, %dma_wait3A_78] : memref<10240x128xf32, #tpu.memory_space<vmem_shared>> -> memref<80x128xf32, #tpu.memory_space<vmem_shared>>
      %dma_wait3A_80 = arith.constant 0 : i32
      %dma_wait3A_81 = tpu.memref_slice %arg9[%add3A_13, %dma_wait3A_80] : memref<10240x128xf32, #tpu.memory_space<vmem_shared>> -> memref<80x128xf32, #tpu.memory_space<vmem_shared>>
      %dma_wait3A_82 = arith.constant 0 : i32
      %dma_wait3A_83 = arith.constant 0 : i32
      %dma_wait3A_84 = tpu.memref_slice %arg7[%dma_wait3A_82, %dma_wait3A_83] : memref<125x128xf32, #tpu.memory_space<vmem>> -> memref<80x128xf32, #tpu.memory_space<vmem>>
      tpu.wait_dma2 semaphore(%run_scoped3A_65 : memref<!tpu.dma_semaphore, #tpu.memory_space<semaphore_mem>>) src(%dma_wait3A_84 : memref<80x128xf32, #tpu.memory_space<vmem>>) dst(%dma_wait3A_81 : memref<80x128xf32, #tpu.memory_space<vmem_shared>>)
      tpu.yield
    }) : () -> ()
    %add3A_14 = arith.constant 160 : i32
    %add3A_15 = arith.addi %mul3A_2, %add3A_14 : i32
    "tpu.region"() ({
      %run_scoped3A_65 = tpu.sem_alloc : memref<!tpu.dma_semaphore, #tpu.memory_space<semaphore_mem>>
      %dma_start3A_66 = arith.constant 0 : i32
      %dma_start3A_67 = arith.constant 0 : i32
      %dma_start3A_68 = tpu.memref_slice %arg7[%dma_start3A_66, %dma_start3A_67] : memref<125x128xf32, #tpu.memory_space<vmem>> -> memref<80x128xf32, #tpu.memory_space<vmem>>
      %dma_start3A_69 = arith.constant 0 : i32
      %dma_start3A_70 = tpu.memref_slice %arg9[%add3A_15, %dma_start3A_69] : memref<10240x128xf32, #tpu.memory_space<vmem_shared>> -> memref<80x128xf32, #tpu.memory_space<vmem_shared>>
      %dma_start3A_71 = arith.constant 0 : i32
      %dma_start3A_72 = tpu.memref_slice %arg9[%add3A_15, %dma_start3A_71] : memref<10240x128xf32, #tpu.memory_space<vmem_shared>> -> memref<80x128xf32, #tpu.memory_space<vmem_shared>>
      %dma_start3A_73 = arith.constant 0 : i32
      %dma_start3A_74 = arith.constant 0 : i32
      %dma_start3A_75 = tpu.memref_slice %arg7[%dma_start3A_73, %dma_start3A_74] : memref<125x128xf32, #tpu.memory_space<vmem>> -> memref<80x128xf32, #tpu.memory_space<vmem>>
      tpu.enqueue_dma source(%dma_start3A_75 : memref<80x128xf32, #tpu.memory_space<vmem>>) target(%dma_start3A_72 : memref<80x128xf32, #tpu.memory_space<vmem_shared>>) target_semaphore(%run_scoped3A_65 : memref<!tpu.dma_semaphore, #tpu.memory_space<semaphore_mem>>)
      %dma_wait3A = arith.constant 0 : i32
      %dma_wait3A_76 = arith.constant 0 : i32
      %dma_wait3A_77 = tpu.memref_slice %arg7[%dma_wait3A, %dma_wait3A_76] : memref<125x128xf32, #tpu.memory_space<vmem>> -> memref<80x128xf32, #tpu.memory_space<vmem>>
      %dma_wait3A_78 = arith.constant 0 : i32
      %dma_wait3A_79 = tpu.memref_slice %arg9[%add3A_15, %dma_wait3A_78] : memref<10240x128xf32, #tpu.memory_space<vmem_shared>> -> memref<80x128xf32, #tpu.memory_space<vmem_shared>>
      %dma_wait3A_80 = arith.constant 0 : i32
      %dma_wait3A_81 = tpu.memref_slice %arg9[%add3A_15, %dma_wait3A_80] : memref<10240x128xf32, #tpu.memory_space<vmem_shared>> -> memref<80x128xf32, #tpu.memory_space<vmem_shared>>
      %dma_wait3A_82 = arith.constant 0 : i32
      %dma_wait3A_83 = arith.constant 0 : i32
      %dma_wait3A_84 = tpu.memref_slice %arg7[%dma_wait3A_82, %dma_wait3A_83] : memref<125x128xf32, #tpu.memory_space<vmem>> -> memref<80x128xf32, #tpu.memory_space<vmem>>
      tpu.wait_dma2 semaphore(%run_scoped3A_65 : memref<!tpu.dma_semaphore, #tpu.memory_space<semaphore_mem>>) src(%dma_wait3A_84 : memref<80x128xf32, #tpu.memory_space<vmem>>) dst(%dma_wait3A_81 : memref<80x128xf32, #tpu.memory_space<vmem_shared>>)
      tpu.yield
    }) : () -> ()
    %add3A_16 = arith.constant 240 : i32
    %add3A_17 = arith.addi %mul3A_2, %add3A_16 : i32
    "tpu.region"() ({
      %run_scoped3A_65 = tpu.sem_alloc : memref<!tpu.dma_semaphore, #tpu.memory_space<semaphore_mem>>
      %dma_start3A_66 = arith.constant 0 : i32
      %dma_start3A_67 = arith.constant 0 : i32
      %dma_start3A_68 = tpu.memref_slice %arg7[%dma_start3A_66, %dma_start3A_67] : memref<125x128xf32, #tpu.memory_space<vmem>> -> memref<80x128xf32, #tpu.memory_space<vmem>>
      %dma_start3A_69 = arith.constant 0 : i32
      %dma_start3A_70 = tpu.memref_slice %arg9[%add3A_17, %dma_start3A_69] : memref<10240x128xf32, #tpu.memory_space<vmem_shared>> -> memref<80x128xf32, #tpu.memory_space<vmem_shared>>
      %dma_start3A_71 = arith.constant 0 : i32
      %dma_start3A_72 = tpu.memref_slice %arg9[%add3A_17, %dma_start3A_71] : memref<10240x128xf32, #tpu.memory_space<vmem_shared>> -> memref<80x128xf32, #tpu.memory_space<vmem_shared>>
      %dma_start3A_73 = arith.constant 0 : i32
      %dma_start3A_74 = arith.constant 0 : i32
      %dma_start3A_75 = tpu.memref_slice %arg7[%dma_start3A_73, %dma_start3A_74] : memref<125x128xf32, #tpu.memory_space<vmem>> -> memref<80x128xf32, #tpu.memory_space<vmem>>
      tpu.enqueue_dma source(%dma_start3A_75 : memref<80x128xf32, #tpu.memory_space<vmem>>) target(%dma_start3A_72 : memref<80x128xf32, #tpu.memory_space<vmem_shared>>) target_semaphore(%run_scoped3A_65 : memref<!tpu.dma_semaphore, #tpu.memory_space<semaphore_mem>>)
      %dma_wait3A = arith.constant 0 : i32
      %dma_wait3A_76 = arith.constant 0 : i32
      %dma_wait3A_77 = tpu.memref_slice %arg7[%dma_wait3A, %dma_wait3A_76] : memref<125x128xf32, #tpu.memory_space<vmem>> -> memref<80x128xf32, #tpu.memory_space<vmem>>
      %dma_wait3A_78 = arith.constant 0 : i32
      %dma_wait3A_79 = tpu.memref_slice %arg9[%add3A_17, %dma_wait3A_78] : memref<10240x128xf32, #tpu.memory_space<vmem_shared>> -> memref<80x128xf32, #tpu.memory_space<vmem_shared>>
      %dma_wait3A_80 = arith.constant 0 : i32
      %dma_wait3A_81 = tpu.memref_slice %arg9[%add3A_17, %dma_wait3A_80] : memref<10240x128xf32, #tpu.memory_space<vmem_shared>> -> memref<80x128xf32, #tpu.memory_space<vmem_shared>>
      %dma_wait3A_82 = arith.constant 0 : i32
      %dma_wait3A_83 = arith.constant 0 : i32
      %dma_wait3A_84 = tpu.memref_slice %arg7[%dma_wait3A_82, %dma_wait3A_83] : memref<125x128xf32, #tpu.memory_space<vmem>> -> memref<80x128xf32, #tpu.memory_space<vmem>>
      tpu.wait_dma2 semaphore(%run_scoped3A_65 : memref<!tpu.dma_semaphore, #tpu.memory_space<semaphore_mem>>) src(%dma_wait3A_84 : memref<80x128xf32, #tpu.memory_space<vmem>>) dst(%dma_wait3A_81 : memref<80x128xf32, #tpu.memory_space<vmem_shared>>)
      tpu.yield
    }) : () -> ()
    %add3A_18 = arith.constant 320 : i32
    %add3A_19 = arith.addi %mul3A_2, %add3A_18 : i32
    "tpu.region"() ({
      %run_scoped3A_65 = tpu.sem_alloc : memref<!tpu.dma_semaphore, #tpu.memory_space<semaphore_mem>>
      %dma_start3A_66 = arith.constant 0 : i32
      %dma_start3A_67 = arith.constant 0 : i32
      %dma_start3A_68 = tpu.memref_slice %arg7[%dma_start3A_66, %dma_start3A_67] : memref<125x128xf32, #tpu.memory_space<vmem>> -> memref<80x128xf32, #tpu.memory_space<vmem>>
      %dma_start3A_69 = arith.constant 0 : i32
      %dma_start3A_70 = tpu.memref_slice %arg9[%add3A_19, %dma_start3A_69] : memref<10240x128xf32, #tpu.memory_space<vmem_shared>> -> memref<80x128xf32, #tpu.memory_space<vmem_shared>>
      %dma_start3A_71 = arith.constant 0 : i32
      %dma_start3A_72 = tpu.memref_slice %arg9[%add3A_19, %dma_start3A_71] : memref<10240x128xf32, #tpu.memory_space<vmem_shared>> -> memref<80x128xf32, #tpu.memory_space<vmem_shared>>
      %dma_start3A_73 = arith.constant 0 : i32
      %dma_start3A_74 = arith.constant 0 : i32
      %dma_start3A_75 = tpu.memref_slice %arg7[%dma_start3A_73, %dma_start3A_74] : memref<125x128xf32, #tpu.memory_space<vmem>> -> memref<80x128xf32, #tpu.memory_space<vmem>>
      tpu.enqueue_dma source(%dma_start3A_75 : memref<80x128xf32, #tpu.memory_space<vmem>>) target(%dma_start3A_72 : memref<80x128xf32, #tpu.memory_space<vmem_shared>>) target_semaphore(%run_scoped3A_65 : memref<!tpu.dma_semaphore, #tpu.memory_space<semaphore_mem>>)
      %dma_wait3A = arith.constant 0 : i32
      %dma_wait3A_76 = arith.constant 0 : i32
      %dma_wait3A_77 = tpu.memref_slice %arg7[%dma_wait3A, %dma_wait3A_76] : memref<125x128xf32, #tpu.memory_space<vmem>> -> memref<80x128xf32, #tpu.memory_space<vmem>>
      %dma_wait3A_78 = arith.constant 0 : i32
      %dma_wait3A_79 = tpu.memref_slice %arg9[%add3A_19, %dma_wait3A_78] : memref<10240x128xf32, #tpu.memory_space<vmem_shared>> -> memref<80x128xf32, #tpu.memory_space<vmem_shared>>
      %dma_wait3A_80 = arith.constant 0 : i32
      %dma_wait3A_81 = tpu.memref_slice %arg9[%add3A_19, %dma_wait3A_80] : memref<10240x128xf32, #tpu.memory_space<vmem_shared>> -> memref<80x128xf32, #tpu.memory_space<vmem_shared>>
      %dma_wait3A_82 = arith.constant 0 : i32
      %dma_wait3A_83 = arith.constant 0 : i32
      %dma_wait3A_84 = tpu.memref_slice %arg7[%dma_wait3A_82, %dma_wait3A_83] : memref<125x128xf32, #tpu.memory_space<vmem>> -> memref<80x128xf32, #tpu.memory_space<vmem>>
      tpu.wait_dma2 semaphore(%run_scoped3A_65 : memref<!tpu.dma_semaphore, #tpu.memory_space<semaphore_mem>>) src(%dma_wait3A_84 : memref<80x128xf32, #tpu.memory_space<vmem>>) dst(%dma_wait3A_81 : memref<80x128xf32, #tpu.memory_space<vmem_shared>>)
      tpu.yield
    }) : () -> ()
    %add3A_20 = arith.constant 400 : i32
    %add3A_21 = arith.addi %mul3A_2, %add3A_20 : i32
    "tpu.region"() ({
      %run_scoped3A_65 = tpu.sem_alloc : memref<!tpu.dma_semaphore, #tpu.memory_space<semaphore_mem>>
      %dma_start3A_66 = arith.constant 0 : i32
      %dma_start3A_67 = arith.constant 0 : i32
      %dma_start3A_68 = tpu.memref_slice %arg7[%dma_start3A_66, %dma_start3A_67] : memref<125x128xf32, #tpu.memory_space<vmem>> -> memref<80x128xf32, #tpu.memory_space<vmem>>
      %dma_start3A_69 = arith.constant 0 : i32
      %dma_start3A_70 = tpu.memref_slice %arg9[%add3A_21, %dma_start3A_69] : memref<10240x128xf32, #tpu.memory_space<vmem_shared>> -> memref<80x128xf32, #tpu.memory_space<vmem_shared>>
      %dma_start3A_71 = arith.constant 0 : i32
      %dma_start3A_72 = tpu.memref_slice %arg9[%add3A_21, %dma_start3A_71] : memref<10240x128xf32, #tpu.memory_space<vmem_shared>> -> memref<80x128xf32, #tpu.memory_space<vmem_shared>>
      %dma_start3A_73 = arith.constant 0 : i32
      %dma_start3A_74 = arith.constant 0 : i32
      %dma_start3A_75 = tpu.memref_slice %arg7[%dma_start3A_73, %dma_start3A_74] : memref<125x128xf32, #tpu.memory_space<vmem>> -> memref<80x128xf32, #tpu.memory_space<vmem>>
      tpu.enqueue_dma source(%dma_start3A_75 : memref<80x128xf32, #tpu.memory_space<vmem>>) target(%dma_start3A_72 : memref<80x128xf32, #tpu.memory_space<vmem_shared>>) target_semaphore(%run_scoped3A_65 : memref<!tpu.dma_semaphore, #tpu.memory_space<semaphore_mem>>)
      %dma_wait3A = arith.constant 0 : i32
      %dma_wait3A_76 = arith.constant 0 : i32
      %dma_wait3A_77 = tpu.memref_slice %arg7[%dma_wait3A, %dma_wait3A_76] : memref<125x128xf32, #tpu.memory_space<vmem>> -> memref<80x128xf32, #tpu.memory_space<vmem>>
      %dma_wait3A_78 = arith.constant 0 : i32
      %dma_wait3A_79 = tpu.memref_slice %arg9[%add3A_21, %dma_wait3A_78] : memref<10240x128xf32, #tpu.memory_space<vmem_shared>> -> memref<80x128xf32, #tpu.memory_space<vmem_shared>>
      %dma_wait3A_80 = arith.constant 0 : i32
      %dma_wait3A_81 = tpu.memref_slice %arg9[%add3A_21, %dma_wait3A_80] : memref<10240x128xf32, #tpu.memory_space<vmem_shared>> -> memref<80x128xf32, #tpu.memory_space<vmem_shared>>
      %dma_wait3A_82 = arith.constant 0 : i32
      %dma_wait3A_83 = arith.constant 0 : i32
      %dma_wait3A_84 = tpu.memref_slice %arg7[%dma_wait3A_82, %dma_wait3A_83] : memref<125x128xf32, #tpu.memory_space<vmem>> -> memref<80x128xf32, #tpu.memory_space<vmem>>
      tpu.wait_dma2 semaphore(%run_scoped3A_65 : memref<!tpu.dma_semaphore, #tpu.memory_space<semaphore_mem>>) src(%dma_wait3A_84 : memref<80x128xf32, #tpu.memory_space<vmem>>) dst(%dma_wait3A_81 : memref<80x128xf32, #tpu.memory_space<vmem_shared>>)
      tpu.yield
    }) : () -> ()
    %add3A_22 = arith.constant 480 : i32
    %add3A_23 = arith.addi %mul3A_2, %add3A_22 : i32
    "tpu.region"() ({
      %run_scoped3A_65 = tpu.sem_alloc : memref<!tpu.dma_semaphore, #tpu.memory_space<semaphore_mem>>
      %dma_start3A_66 = arith.constant 0 : i32
      %dma_start3A_67 = arith.constant 0 : i32
      %dma_start3A_68 = tpu.memref_slice %arg7[%dma_start3A_66, %dma_start3A_67] : memref<125x128xf32, #tpu.memory_space<vmem>> -> memref<80x128xf32, #tpu.memory_space<vmem>>
      %dma_start3A_69 = arith.constant 0 : i32
      %dma_start3A_70 = tpu.memref_slice %arg9[%add3A_23, %dma_start3A_69] : memref<10240x128xf32, #tpu.memory_space<vmem_shared>> -> memref<80x128xf32, #tpu.memory_space<vmem_shared>>
      %dma_start3A_71 = arith.constant 0 : i32
      %dma_start3A_72 = tpu.memref_slice %arg9[%add3A_23, %dma_start3A_71] : memref<10240x128xf32, #tpu.memory_space<vmem_shared>> -> memref<80x128xf32, #tpu.memory_space<vmem_shared>>
      %dma_start3A_73 = arith.constant 0 : i32
      %dma_start3A_74 = arith.constant 0 : i32
      %dma_start3A_75 = tpu.memref_slice %arg7[%dma_start3A_73, %dma_start3A_74] : memref<125x128xf32, #tpu.memory_space<vmem>> -> memref<80x128xf32, #tpu.memory_space<vmem>>
      tpu.enqueue_dma source(%dma_start3A_75 : memref<80x128xf32, #tpu.memory_space<vmem>>) target(%dma_start3A_72 : memref<80x128xf32, #tpu.memory_space<vmem_shared>>) target_semaphore(%run_scoped3A_65 : memref<!tpu.dma_semaphore, #tpu.memory_space<semaphore_mem>>)
      %dma_wait3A = arith.constant 0 : i32
      %dma_wait3A_76 = arith.constant 0 : i32
      %dma_wait3A_77 = tpu.memref_slice %arg7[%dma_wait3A, %dma_wait3A_76] : memref<125x128xf32, #tpu.memory_space<vmem>> -> memref<80x128xf32, #tpu.memory_space<vmem>>
      %dma_wait3A_78 = arith.constant 0 : i32
      %dma_wait3A_79 = tpu.memref_slice %arg9[%add3A_23, %dma_wait3A_78] : memref<10240x128xf32, #tpu.memory_space<vmem_shared>> -> memref<80x128xf32, #tpu.memory_space<vmem_shared>>
      %dma_wait3A_80 = arith.constant 0 : i32
      %dma_wait3A_81 = tpu.memref_slice %arg9[%add3A_23, %dma_wait3A_80] : memref<10240x128xf32, #tpu.memory_space<vmem_shared>> -> memref<80x128xf32, #tpu.memory_space<vmem_shared>>
      %dma_wait3A_82 = arith.constant 0 : i32
      %dma_wait3A_83 = arith.constant 0 : i32
      %dma_wait3A_84 = tpu.memref_slice %arg7[%dma_wait3A_82, %dma_wait3A_83] : memref<125x128xf32, #tpu.memory_space<vmem>> -> memref<80x128xf32, #tpu.memory_space<vmem>>
      tpu.wait_dma2 semaphore(%run_scoped3A_65 : memref<!tpu.dma_semaphore, #tpu.memory_space<semaphore_mem>>) src(%dma_wait3A_84 : memref<80x128xf32, #tpu.memory_space<vmem>>) dst(%dma_wait3A_81 : memref<80x128xf32, #tpu.memory_space<vmem_shared>>)
      tpu.yield
    }) : () -> ()
    %add3A_24 = arith.constant 560 : i32
    %add3A_25 = arith.addi %mul3A_2, %add3A_24 : i32
    "tpu.region"() ({
      %run_scoped3A_65 = tpu.sem_alloc : memref<!tpu.dma_semaphore, #tpu.memory_space<semaphore_mem>>
      %dma_start3A_66 = arith.constant 0 : i32
      %dma_start3A_67 = arith.constant 0 : i32
      %dma_start3A_68 = tpu.memref_slice %arg7[%dma_start3A_66, %dma_start3A_67] : memref<125x128xf32, #tpu.memory_space<vmem>> -> memref<80x128xf32, #tpu.memory_space<vmem>>
      %dma_start3A_69 = arith.constant 0 : i32
      %dma_start3A_70 = tpu.memref_slice %arg9[%add3A_25, %dma_start3A_69] : memref<10240x128xf32, #tpu.memory_space<vmem_shared>> -> memref<80x128xf32, #tpu.memory_space<vmem_shared>>
      %dma_start3A_71 = arith.constant 0 : i32
      %dma_start3A_72 = tpu.memref_slice %arg9[%add3A_25, %dma_start3A_71] : memref<10240x128xf32, #tpu.memory_space<vmem_shared>> -> memref<80x128xf32, #tpu.memory_space<vmem_shared>>
      %dma_start3A_73 = arith.constant 0 : i32
      %dma_start3A_74 = arith.constant 0 : i32
      %dma_start3A_75 = tpu.memref_slice %arg7[%dma_start3A_73, %dma_start3A_74] : memref<125x128xf32, #tpu.memory_space<vmem>> -> memref<80x128xf32, #tpu.memory_space<vmem>>
      tpu.enqueue_dma source(%dma_start3A_75 : memref<80x128xf32, #tpu.memory_space<vmem>>) target(%dma_start3A_72 : memref<80x128xf32, #tpu.memory_space<vmem_shared>>) target_semaphore(%run_scoped3A_65 : memref<!tpu.dma_semaphore, #tpu.memory_space<semaphore_mem>>)
      %dma_wait3A = arith.constant 0 : i32
      %dma_wait3A_76 = arith.constant 0 : i32
      %dma_wait3A_77 = tpu.memref_slice %arg7[%dma_wait3A, %dma_wait3A_76] : memref<125x128xf32, #tpu.memory_space<vmem>> -> memref<80x128xf32, #tpu.memory_space<vmem>>
      %dma_wait3A_78 = arith.constant 0 : i32
      %dma_wait3A_79 = tpu.memref_slice %arg9[%add3A_25, %dma_wait3A_78] : memref<10240x128xf32, #tpu.memory_space<vmem_shared>> -> memref<80x128xf32, #tpu.memory_space<vmem_shared>>
      %dma_wait3A_80 = arith.constant 0 : i32
      %dma_wait3A_81 = tpu.memref_slice %arg9[%add3A_25, %dma_wait3A_80] : memref<10240x128xf32, #tpu.memory_space<vmem_shared>> -> memref<80x128xf32, #tpu.memory_space<vmem_shared>>
      %dma_wait3A_82 = arith.constant 0 : i32
      %dma_wait3A_83 = arith.constant 0 : i32
      %dma_wait3A_84 = tpu.memref_slice %arg7[%dma_wait3A_82, %dma_wait3A_83] : memref<125x128xf32, #tpu.memory_space<vmem>> -> memref<80x128xf32, #tpu.memory_space<vmem>>
      tpu.wait_dma2 semaphore(%run_scoped3A_65 : memref<!tpu.dma_semaphore, #tpu.memory_space<semaphore_mem>>) src(%dma_wait3A_84 : memref<80x128xf32, #tpu.memory_space<vmem>>) dst(%dma_wait3A_81 : memref<80x128xf32, #tpu.memory_space<vmem_shared>>)
      tpu.yield
    }) : () -> ()
    %barrier3A = arith.constant 0 : index
    tpu.barrier barrier_id(%barrier3A)
    %mul3A_26 = arith.constant 80 : i32
    %mul3A_27 = arith.muli %add3A, %mul3A_26 : i32
    %add3A_28 = arith.constant 0 : i32
    %add3A_29 = arith.addi %mul3A_27, %add3A_28 : i32
    %run_scoped3A = arith.constant 0 : i32
    "tpu.region"() ({
      %run_scoped3A_65 = tpu.sem_alloc : memref<!tpu.dma_semaphore, #tpu.memory_space<semaphore_mem>>
      %dma_start3A_66 = arith.constant 0 : i32
      %dma_start3A_67 = tpu.memref_slice %arg3[%run_scoped3A, %add3A_29, %dma_start3A_66] : memref<2x2560x125xi32, #tpu.memory_space<hbm>> -> memref<1x40x125xi32, #tpu.memory_space<hbm>>
      %dma_start3A_68 = tpu.memref_squeeze %dma_start3A_67 : memref<1x40x125xi32, #tpu.memory_space<hbm>> -> memref<40x125xi32, #tpu.memory_space<hbm>>
      %dma_start3A_69 = arith.constant 0 : i32
      %dma_start3A_70 = tpu.memref_slice %arg3[%run_scoped3A, %add3A_29, %dma_start3A_69] : memref<2x2560x125xi32, #tpu.memory_space<hbm>> -> memref<1x40x125xi32, #tpu.memory_space<hbm>>
      %dma_start3A_71 = tpu.memref_squeeze %dma_start3A_70 : memref<1x40x125xi32, #tpu.memory_space<hbm>> -> memref<40x125xi32, #tpu.memory_space<hbm>>
      tpu.enqueue_dma source(%dma_start3A_71 : memref<40x125xi32, #tpu.memory_space<hbm>>) target(%arg5 : memref<40x125xi32, #tpu.memory_space<vmem>>) target_semaphore(%run_scoped3A_65 : memref<!tpu.dma_semaphore, #tpu.memory_space<semaphore_mem>>)
      %dma_wait3A = arith.constant 0 : i32
      %dma_wait3A_72 = tpu.memref_slice %arg3[%run_scoped3A, %add3A_29, %dma_wait3A] : memref<2x2560x125xi32, #tpu.memory_space<hbm>> -> memref<1x40x125xi32, #tpu.memory_space<hbm>>
      %dma_wait3A_73 = tpu.memref_squeeze %dma_wait3A_72 : memref<1x40x125xi32, #tpu.memory_space<hbm>> -> memref<40x125xi32, #tpu.memory_space<hbm>>
      %dma_wait3A_74 = arith.constant 0 : i32
      %dma_wait3A_75 = tpu.memref_slice %arg3[%run_scoped3A, %add3A_29, %dma_wait3A_74] : memref<2x2560x125xi32, #tpu.memory_space<hbm>> -> memref<1x40x125xi32, #tpu.memory_space<hbm>>
      %dma_wait3A_76 = tpu.memref_squeeze %dma_wait3A_75 : memref<1x40x125xi32, #tpu.memory_space<hbm>> -> memref<40x125xi32, #tpu.memory_space<hbm>>
      tpu.wait_dma2 semaphore(%run_scoped3A_65 : memref<!tpu.dma_semaphore, #tpu.memory_space<semaphore_mem>>) src(%dma_wait3A_76 : memref<40x125xi32, #tpu.memory_space<hbm>>) dst(%arg5 : memref<40x125xi32, #tpu.memory_space<vmem>>)
      tpu.yield
    }) : () -> ()
    %run_scoped3A_30 = arith.constant 1 : i32
    "tpu.region"() ({
      %run_scoped3A_65 = tpu.sem_alloc : memref<!tpu.dma_semaphore, #tpu.memory_space<semaphore_mem>>
      %dma_start3A_66 = arith.constant 0 : i32
      %dma_start3A_67 = tpu.memref_slice %arg3[%run_scoped3A_30, %add3A_29, %dma_start3A_66] : memref<2x2560x125xi32, #tpu.memory_space<hbm>> -> memref<1x40x125xi32, #tpu.memory_space<hbm>>
      %dma_start3A_68 = tpu.memref_squeeze %dma_start3A_67 : memref<1x40x125xi32, #tpu.memory_space<hbm>> -> memref<40x125xi32, #tpu.memory_space<hbm>>
      %dma_start3A_69 = arith.constant 0 : i32
      %dma_start3A_70 = tpu.memref_slice %arg3[%run_scoped3A_30, %add3A_29, %dma_start3A_69] : memref<2x2560x125xi32, #tpu.memory_space<hbm>> -> memref<1x40x125xi32, #tpu.memory_space<hbm>>
      %dma_start3A_71 = tpu.memref_squeeze %dma_start3A_70 : memref<1x40x125xi32, #tpu.memory_space<hbm>> -> memref<40x125xi32, #tpu.memory_space<hbm>>
      tpu.enqueue_dma source(%dma_start3A_71 : memref<40x125xi32, #tpu.memory_space<hbm>>) target(%arg6 : memref<40x125xi32, #tpu.memory_space<vmem>>) target_semaphore(%run_scoped3A_65 : memref<!tpu.dma_semaphore, #tpu.memory_space<semaphore_mem>>)
      %dma_wait3A = arith.constant 0 : i32
      %dma_wait3A_72 = tpu.memref_slice %arg3[%run_scoped3A_30, %add3A_29, %dma_wait3A] : memref<2x2560x125xi32, #tpu.memory_space<hbm>> -> memref<1x40x125xi32, #tpu.memory_space<hbm>>
      %dma_wait3A_73 = tpu.memref_squeeze %dma_wait3A_72 : memref<1x40x125xi32, #tpu.memory_space<hbm>> -> memref<40x125xi32, #tpu.memory_space<hbm>>
      %dma_wait3A_74 = arith.constant 0 : i32
      %dma_wait3A_75 = tpu.memref_slice %arg3[%run_scoped3A_30, %add3A_29, %dma_wait3A_74] : memref<2x2560x125xi32, #tpu.memory_space<hbm>> -> memref<1x40x125xi32, #tpu.memory_space<hbm>>
      %dma_wait3A_76 = tpu.memref_squeeze %dma_wait3A_75 : memref<1x40x125xi32, #tpu.memory_space<hbm>> -> memref<40x125xi32, #tpu.memory_space<hbm>>
      tpu.wait_dma2 semaphore(%run_scoped3A_65 : memref<!tpu.dma_semaphore, #tpu.memory_space<semaphore_mem>>) src(%dma_wait3A_76 : memref<40x125xi32, #tpu.memory_space<hbm>>) dst(%arg6 : memref<40x125xi32, #tpu.memory_space<vmem>>)
      tpu.yield
    }) : () -> ()
    %dma_start3A = arith.constant 0 : i32
    %dma_start3A_31 = arith.constant 0 : i32
    %dma_start3A_32 = tpu.memref_slice %arg5[%dma_start3A, %dma_start3A_31] : memref<40x125xi32, #tpu.memory_space<vmem>> -> memref<1x125xi32, #tpu.memory_space<vmem>>
    %dma_start3A_33 = tpu.memref_squeeze %dma_start3A_32 : memref<1x125xi32, #tpu.memory_space<vmem>> -> memref<125xi32, #tpu.memory_space<vmem>>
    %dma_start3A_34 = arith.constant 0 : i32
    %dma_start3A_35 = arith.constant 0 : i32
    %dma_start3A_36 = tpu.memref_slice %arg2[%dma_start3A_34, %dma_start3A_35] : memref<10240x128xf32, #tpu.memory_space<hbm>> -> memref<10240x128xf32, #tpu.memory_space<hbm>>
    tpu.enqueue_indirect_dma source(%dma_start3A_36 : memref<10240x128xf32, #tpu.memory_space<hbm>>) target(%arg7 : memref<125x128xf32, #tpu.memory_space<vmem>>) offsets(%dma_start3A_33 : memref<125xi32, #tpu.memory_space<vmem>>) semaphore(%arg10 : memref<!tpu.dma_semaphore, #tpu.memory_space<semaphore_mem>>)
    %scan3A_37 = arith.constant 0 : i32
    %scan3A_38 = arith.constant 0 : i32
    %scan3A_39 = arith.constant 20 : i32
    %scan3A_40 = arith.addi %scan3A_38, %scan3A_39 : i32
    %scan3A_41 = arith.constant 1 : i32
    %scan3A_42 = scf.for %scan3A_65 = %scan3A_38 to %scan3A_40 step %scan3A_41 iter_args(%scan3A_66 = %scan3A_37) -> (i32)  : i32 {
      %mul3A_67 = arith.constant 2 : i32
      %mul3A_68 = arith.muli %mul3A_67, %scan3A_65 : i32
      %add3A_69 = arith.constant 1 : i32
      %add3A_70 = arith.addi %mul3A_68, %add3A_69 : i32
      %dma_start3A_71 = arith.constant 0 : i32
      %dma_start3A_72 = tpu.memref_slice %arg5[%add3A_70, %dma_start3A_71] : memref<40x125xi32, #tpu.memory_space<vmem>> -> memref<1x125xi32, #tpu.memory_space<vmem>>
      %dma_start3A_73 = tpu.memref_squeeze %dma_start3A_72 : memref<1x125xi32, #tpu.memory_space<vmem>> -> memref<125xi32, #tpu.memory_space<vmem>>
      %dma_start3A_74 = arith.constant 0 : i32
      %dma_start3A_75 = arith.constant 0 : i32
      %dma_start3A_76 = tpu.memref_slice %arg2[%dma_start3A_74, %dma_start3A_75] : memref<10240x128xf32, #tpu.memory_space<hbm>> -> memref<10240x128xf32, #tpu.memory_space<hbm>>
      tpu.enqueue_indirect_dma source(%dma_start3A_76 : memref<10240x128xf32, #tpu.memory_space<hbm>>) target(%arg8 : memref<125x128xf32, #tpu.memory_space<vmem>>) offsets(%dma_start3A_73 : memref<125xi32, #tpu.memory_space<vmem>>) semaphore(%arg11 : memref<!tpu.dma_semaphore, #tpu.memory_space<semaphore_mem>>)
      %dma_wait3A = arith.constant 0 : i32
      %dma_wait3A_77 = tpu.memref_slice %arg5[%mul3A_68, %dma_wait3A] : memref<40x125xi32, #tpu.memory_space<vmem>> -> memref<1x125xi32, #tpu.memory_space<vmem>>
      %dma_wait3A_78 = tpu.memref_squeeze %dma_wait3A_77 : memref<1x125xi32, #tpu.memory_space<vmem>> -> memref<125xi32, #tpu.memory_space<vmem>>
      %dma_wait3A_79 = arith.constant 0 : i32
      %dma_wait3A_80 = arith.constant 0 : i32
      %dma_wait3A_81 = tpu.memref_slice %arg2[%dma_wait3A_79, %dma_wait3A_80] : memref<10240x128xf32, #tpu.memory_space<hbm>> -> memref<10240x128xf32, #tpu.memory_space<hbm>>
      tpu.wait_indirect_dma semaphore(%arg10 : memref<!tpu.dma_semaphore, #tpu.memory_space<semaphore_mem>>) src(%dma_wait3A_81 : memref<10240x128xf32, #tpu.memory_space<hbm>>) dst(%arg7 : memref<125x128xf32, #tpu.memory_space<vmem>>)
      "tpu.region"() ({
        %run_scoped3A_97 = tpu.sem_alloc : memref<!tpu.dma_semaphore, #tpu.memory_space<semaphore_mem>>
        %dma_start3A_98 = arith.constant 0 : i32
        %dma_start3A_99 = tpu.memref_slice %arg6[%mul3A_68, %dma_start3A_98] : memref<40x125xi32, #tpu.memory_space<vmem>> -> memref<1x125xi32, #tpu.memory_space<vmem>>
        %dma_start3A_100 = tpu.memref_squeeze %dma_start3A_99 : memref<1x125xi32, #tpu.memory_space<vmem>> -> memref<125xi32, #tpu.memory_space<vmem>>
        %dma_start3A_101 = arith.constant 0 : i32
        %dma_start3A_102 = arith.constant 0 : i32
        %dma_start3A_103 = tpu.memref_slice %arg9[%dma_start3A_101, %dma_start3A_102] : memref<10240x128xf32, #tpu.memory_space<vmem_shared>> -> memref<10240x128xf32, #tpu.memory_space<vmem_shared>>
        tpu.enqueue_indirect_dma source(%arg7 : memref<125x128xf32, #tpu.memory_space<vmem>>) target(%dma_start3A_103 : memref<10240x128xf32, #tpu.memory_space<vmem_shared>>) offsets(%dma_start3A_100 : memref<125xi32, #tpu.memory_space<vmem>>) semaphore(%run_scoped3A_97 : memref<!tpu.dma_semaphore, #tpu.memory_space<semaphore_mem>>) {add = true}
        %dma_wait3A_104 = arith.constant 0 : i32
        %dma_wait3A_105 = tpu.memref_slice %arg6[%mul3A_68, %dma_wait3A_104] : memref<40x125xi32, #tpu.memory_space<vmem>> -> memref<1x125xi32, #tpu.memory_space<vmem>>
        %dma_wait3A_106 = tpu.memref_squeeze %dma_wait3A_105 : memref<1x125xi32, #tpu.memory_space<vmem>> -> memref<125xi32, #tpu.memory_space<vmem>>
        %dma_wait3A_107 = arith.constant 0 : i32
        %dma_wait3A_108 = arith.constant 0 : i32
        %dma_wait3A_109 = tpu.memref_slice %arg9[%dma_wait3A_107, %dma_wait3A_108] : memref<10240x128xf32, #tpu.memory_space<vmem_shared>> -> memref<10240x128xf32, #tpu.memory_space<vmem_shared>>
        tpu.wait_indirect_dma semaphore(%run_scoped3A_97 : memref<!tpu.dma_semaphore, #tpu.memory_space<semaphore_mem>>) src(%arg7 : memref<125x128xf32, #tpu.memory_space<vmem>>) dst(%dma_wait3A_109 : memref<10240x128xf32, #tpu.memory_space<vmem_shared>>)
        tpu.yield
      }) : () -> ()
      %add3A_82 = arith.constant 1 : i32
      %add3A_83 = arith.addi %scan3A_65, %add3A_82 : i32
      %lt3A = arith.constant 20 : i32
      %lt3A_84 = arith.cmpi slt, %add3A_83, %lt3A : i32
      %convert_element_type3A = arith.extui %lt3A_84 : i1 to i32
      %cond3A = arith.constant 0 : i32
      %cond3A_85 = arith.cmpi ne, %convert_element_type3A, %cond3A : i32
      scf.if %cond3A_85 {
        %add3A_97 = arith.constant 2 : i32
        %add3A_98 = arith.addi %mul3A_68, %add3A_97 : i32
        %dma_start3A_99 = arith.constant 0 : i32
        %dma_start3A_100 = tpu.memref_slice %arg5[%add3A_98, %dma_start3A_99] : memref<40x125xi32, #tpu.memory_space<vmem>> -> memref<1x125xi32, #tpu.memory_space<vmem>>
        %dma_start3A_101 = tpu.memref_squeeze %dma_start3A_100 : memref<1x125xi32, #tpu.memory_space<vmem>> -> memref<125xi32, #tpu.memory_space<vmem>>
        %dma_start3A_102 = arith.constant 0 : i32
        %dma_start3A_103 = arith.constant 0 : i32
        %dma_start3A_104 = tpu.memref_slice %arg2[%dma_start3A_102, %dma_start3A_103] : memref<10240x128xf32, #tpu.memory_space<hbm>> -> memref<10240x128xf32, #tpu.memory_space<hbm>>
        tpu.enqueue_indirect_dma source(%dma_start3A_104 : memref<10240x128xf32, #tpu.memory_space<hbm>>) target(%arg7 : memref<125x128xf32, #tpu.memory_space<vmem>>) offsets(%dma_start3A_101 : memref<125xi32, #tpu.memory_space<vmem>>) semaphore(%arg10 : memref<!tpu.dma_semaphore, #tpu.memory_space<semaphore_mem>>)
      } else {
      }
      %add3A_86 = arith.constant 1 : i32
      %add3A_87 = arith.addi %mul3A_68, %add3A_86 : i32
      %dma_wait3A_88 = arith.constant 0 : i32
      %dma_wait3A_89 = tpu.memref_slice %arg5[%add3A_87, %dma_wait3A_88] : memref<40x125xi32, #tpu.memory_space<vmem>> -> memref<1x125xi32, #tpu.memory_space<vmem>>
      %dma_wait3A_90 = tpu.memref_squeeze %dma_wait3A_89 : memref<1x125xi32, #tpu.memory_space<vmem>> -> memref<125xi32, #tpu.memory_space<vmem>>
      %dma_wait3A_91 = arith.constant 0 : i32
      %dma_wait3A_92 = arith.constant 0 : i32
      %dma_wait3A_93 = tpu.memref_slice %arg2[%dma_wait3A_91, %dma_wait3A_92] : memref<10240x128xf32, #tpu.memory_space<hbm>> -> memref<10240x128xf32, #tpu.memory_space<hbm>>
      tpu.wait_indirect_dma semaphore(%arg11 : memref<!tpu.dma_semaphore, #tpu.memory_space<semaphore_mem>>) src(%dma_wait3A_93 : memref<10240x128xf32, #tpu.memory_space<hbm>>) dst(%arg8 : memref<125x128xf32, #tpu.memory_space<vmem>>)
      %add3A_94 = arith.constant 1 : i32
      %add3A_95 = arith.addi %mul3A_68, %add3A_94 : i32
      "tpu.region"() ({
        %run_scoped3A_97 = tpu.sem_alloc : memref<!tpu.dma_semaphore, #tpu.memory_space<semaphore_mem>>
        %dma_start3A_98 = arith.constant 0 : i32
        %dma_start3A_99 = tpu.memref_slice %arg6[%add3A_95, %dma_start3A_98] : memref<40x125xi32, #tpu.memory_space<vmem>> -> memref<1x125xi32, #tpu.memory_space<vmem>>
        %dma_start3A_100 = tpu.memref_squeeze %dma_start3A_99 : memref<1x125xi32, #tpu.memory_space<vmem>> -> memref<125xi32, #tpu.memory_space<vmem>>
        %dma_start3A_101 = arith.constant 0 : i32
        %dma_start3A_102 = arith.constant 0 : i32
        %dma_start3A_103 = tpu.memref_slice %arg9[%dma_start3A_101, %dma_start3A_102] : memref<10240x128xf32, #tpu.memory_space<vmem_shared>> -> memref<10240x128xf32, #tpu.memory_space<vmem_shared>>
        tpu.enqueue_indirect_dma source(%arg8 : memref<125x128xf32, #tpu.memory_space<vmem>>) target(%dma_start3A_103 : memref<10240x128xf32, #tpu.memory_space<vmem_shared>>) offsets(%dma_start3A_100 : memref<125xi32, #tpu.memory_space<vmem>>) semaphore(%run_scoped3A_97 : memref<!tpu.dma_semaphore, #tpu.memory_space<semaphore_mem>>) {add = true}
        %dma_wait3A_104 = arith.constant 0 : i32
        %dma_wait3A_105 = tpu.memref_slice %arg6[%add3A_95, %dma_wait3A_104] : memref<40x125xi32, #tpu.memory_space<vmem>> -> memref<1x125xi32, #tpu.memory_space<vmem>>
        %dma_wait3A_106 = tpu.memref_squeeze %dma_wait3A_105 : memref<1x125xi32, #tpu.memory_space<vmem>> -> memref<125xi32, #tpu.memory_space<vmem>>
        %dma_wait3A_107 = arith.constant 0 : i32
        %dma_wait3A_108 = arith.constant 0 : i32
        %dma_wait3A_109 = tpu.memref_slice %arg9[%dma_wait3A_107, %dma_wait3A_108] : memref<10240x128xf32, #tpu.memory_space<vmem_shared>> -> memref<10240x128xf32, #tpu.memory_space<vmem_shared>>
        tpu.wait_indirect_dma semaphore(%run_scoped3A_97 : memref<!tpu.dma_semaphore, #tpu.memory_space<semaphore_mem>>) src(%arg8 : memref<125x128xf32, #tpu.memory_space<vmem>>) dst(%dma_wait3A_109 : memref<10240x128xf32, #tpu.memory_space<vmem_shared>>)
        tpu.yield
      }) : () -> ()
      %scan3A_96 = arith.constant 0 : i32
      scf.yield %scan3A_96 : i32
    }
    %scan3A_43 = arith.constant 20 : i32
    %mul3A_44 = arith.constant 80 : i32
    %mul3A_45 = arith.muli %add3A, %mul3A_44 : i32
    %add3A_46 = arith.constant 40 : i32
    %add3A_47 = arith.addi %mul3A_45, %add3A_46 : i32
    %run_scoped3A_48 = arith.constant 0 : i32
    "tpu.region"() ({
      %run_scoped3A_65 = tpu.sem_alloc : memref<!tpu.dma_semaphore, #tpu.memory_space<semaphore_mem>>
      %dma_start3A_66 = arith.constant 0 : i32
      %dma_start3A_67 = tpu.memref_slice %arg3[%run_scoped3A_48, %add3A_47, %dma_start3A_66] : memref<2x2560x125xi32, #tpu.memory_space<hbm>> -> memref<1x40x125xi32, #tpu.memory_space<hbm>>
      %dma_start3A_68 = tpu.memref_squeeze %dma_start3A_67 : memref<1x40x125xi32, #tpu.memory_space<hbm>> -> memref<40x125xi32, #tpu.memory_space<hbm>>
      %dma_start3A_69 = arith.constant 0 : i32
      %dma_start3A_70 = tpu.memref_slice %arg3[%run_scoped3A_48, %add3A_47, %dma_start3A_69] : memref<2x2560x125xi32, #tpu.memory_space<hbm>> -> memref<1x40x125xi32, #tpu.memory_space<hbm>>
      %dma_start3A_71 = tpu.memref_squeeze %dma_start3A_70 : memref<1x40x125xi32, #tpu.memory_space<hbm>> -> memref<40x125xi32, #tpu.memory_space<hbm>>
      tpu.enqueue_dma source(%dma_start3A_71 : memref<40x125xi32, #tpu.memory_space<hbm>>) target(%arg5 : memref<40x125xi32, #tpu.memory_space<vmem>>) target_semaphore(%run_scoped3A_65 : memref<!tpu.dma_semaphore, #tpu.memory_space<semaphore_mem>>)
      %dma_wait3A = arith.constant 0 : i32
      %dma_wait3A_72 = tpu.memref_slice %arg3[%run_scoped3A_48, %add3A_47, %dma_wait3A] : memref<2x2560x125xi32, #tpu.memory_space<hbm>> -> memref<1x40x125xi32, #tpu.memory_space<hbm>>
      %dma_wait3A_73 = tpu.memref_squeeze %dma_wait3A_72 : memref<1x40x125xi32, #tpu.memory_space<hbm>> -> memref<40x125xi32, #tpu.memory_space<hbm>>
      %dma_wait3A_74 = arith.constant 0 : i32
      %dma_wait3A_75 = tpu.memref_slice %arg3[%run_scoped3A_48, %add3A_47, %dma_wait3A_74] : memref<2x2560x125xi32, #tpu.memory_space<hbm>> -> memref<1x40x125xi32, #tpu.memory_space<hbm>>
      %dma_wait3A_76 = tpu.memref_squeeze %dma_wait3A_75 : memref<1x40x125xi32, #tpu.memory_space<hbm>> -> memref<40x125xi32, #tpu.memory_space<hbm>>
      tpu.wait_dma2 semaphore(%run_scoped3A_65 : memref<!tpu.dma_semaphore, #tpu.memory_space<semaphore_mem>>) src(%dma_wait3A_76 : memref<40x125xi32, #tpu.memory_space<hbm>>) dst(%arg5 : memref<40x125xi32, #tpu.memory_space<vmem>>)
      tpu.yield
    }) : () -> ()
    %run_scoped3A_49 = arith.constant 1 : i32
    "tpu.region"() ({
      %run_scoped3A_65 = tpu.sem_alloc : memref<!tpu.dma_semaphore, #tpu.memory_space<semaphore_mem>>
      %dma_start3A_66 = arith.constant 0 : i32
      %dma_start3A_67 = tpu.memref_slice %arg3[%run_scoped3A_49, %add3A_47, %dma_start3A_66] : memref<2x2560x125xi32, #tpu.memory_space<hbm>> -> memref<1x40x125xi32, #tpu.memory_space<hbm>>
      %dma_start3A_68 = tpu.memref_squeeze %dma_start3A_67 : memref<1x40x125xi32, #tpu.memory_space<hbm>> -> memref<40x125xi32, #tpu.memory_space<hbm>>
      %dma_start3A_69 = arith.constant 0 : i32
      %dma_start3A_70 = tpu.memref_slice %arg3[%run_scoped3A_49, %add3A_47, %dma_start3A_69] : memref<2x2560x125xi32, #tpu.memory_space<hbm>> -> memref<1x40x125xi32, #tpu.memory_space<hbm>>
      %dma_start3A_71 = tpu.memref_squeeze %dma_start3A_70 : memref<1x40x125xi32, #tpu.memory_space<hbm>> -> memref<40x125xi32, #tpu.memory_space<hbm>>
      tpu.enqueue_dma source(%dma_start3A_71 : memref<40x125xi32, #tpu.memory_space<hbm>>) target(%arg6 : memref<40x125xi32, #tpu.memory_space<vmem>>) target_semaphore(%run_scoped3A_65 : memref<!tpu.dma_semaphore, #tpu.memory_space<semaphore_mem>>)
      %dma_wait3A = arith.constant 0 : i32
      %dma_wait3A_72 = tpu.memref_slice %arg3[%run_scoped3A_49, %add3A_47, %dma_wait3A] : memref<2x2560x125xi32, #tpu.memory_space<hbm>> -> memref<1x40x125xi32, #tpu.memory_space<hbm>>
      %dma_wait3A_73 = tpu.memref_squeeze %dma_wait3A_72 : memref<1x40x125xi32, #tpu.memory_space<hbm>> -> memref<40x125xi32, #tpu.memory_space<hbm>>
      %dma_wait3A_74 = arith.constant 0 : i32
      %dma_wait3A_75 = tpu.memref_slice %arg3[%run_scoped3A_49, %add3A_47, %dma_wait3A_74] : memref<2x2560x125xi32, #tpu.memory_space<hbm>> -> memref<1x40x125xi32, #tpu.memory_space<hbm>>
      %dma_wait3A_76 = tpu.memref_squeeze %dma_wait3A_75 : memref<1x40x125xi32, #tpu.memory_space<hbm>> -> memref<40x125xi32, #tpu.memory_space<hbm>>
      tpu.wait_dma2 semaphore(%run_scoped3A_65 : memref<!tpu.dma_semaphore, #tpu.memory_space<semaphore_mem>>) src(%dma_wait3A_76 : memref<40x125xi32, #tpu.memory_space<hbm>>) dst(%arg6 : memref<40x125xi32, #tpu.memory_space<vmem>>)
      tpu.yield
    }) : () -> ()
    %dma_start3A_50 = arith.constant 0 : i32
    %dma_start3A_51 = arith.constant 0 : i32
    %dma_start3A_52 = tpu.memref_slice %arg5[%dma_start3A_50, %dma_start3A_51] : memref<40x125xi32, #tpu.memory_space<vmem>> -> memref<1x125xi32, #tpu.memory_space<vmem>>
    %dma_start3A_53 = tpu.memref_squeeze %dma_start3A_52 : memref<1x125xi32, #tpu.memory_space<vmem>> -> memref<125xi32, #tpu.memory_space<vmem>>
    %dma_start3A_54 = arith.constant 0 : i32
    %dma_start3A_55 = arith.constant 0 : i32
    %dma_start3A_56 = tpu.memref_slice %arg2[%dma_start3A_54, %dma_start3A_55] : memref<10240x128xf32, #tpu.memory_space<hbm>> -> memref<10240x128xf32, #tpu.memory_space<hbm>>
    tpu.enqueue_indirect_dma source(%dma_start3A_56 : memref<10240x128xf32, #tpu.memory_space<hbm>>) target(%arg7 : memref<125x128xf32, #tpu.memory_space<vmem>>) offsets(%dma_start3A_53 : memref<125xi32, #tpu.memory_space<vmem>>) semaphore(%arg10 : memref<!tpu.dma_semaphore, #tpu.memory_space<semaphore_mem>>)
    %scan3A_57 = arith.constant 0 : i32
    %scan3A_58 = arith.constant 0 : i32
    %scan3A_59 = arith.constant 20 : i32
    %scan3A_60 = arith.addi %scan3A_58, %scan3A_59 : i32
    %scan3A_61 = arith.constant 1 : i32
    %scan3A_62 = scf.for %scan3A_65 = %scan3A_58 to %scan3A_60 step %scan3A_61 iter_args(%scan3A_66 = %scan3A_57) -> (i32)  : i32 {
      %mul3A_67 = arith.constant 2 : i32
      %mul3A_68 = arith.muli %mul3A_67, %scan3A_65 : i32
      %add3A_69 = arith.constant 1 : i32
      %add3A_70 = arith.addi %mul3A_68, %add3A_69 : i32
      %dma_start3A_71 = arith.constant 0 : i32
      %dma_start3A_72 = tpu.memref_slice %arg5[%add3A_70, %dma_start3A_71] : memref<40x125xi32, #tpu.memory_space<vmem>> -> memref<1x125xi32, #tpu.memory_space<vmem>>
      %dma_start3A_73 = tpu.memref_squeeze %dma_start3A_72 : memref<1x125xi32, #tpu.memory_space<vmem>> -> memref<125xi32, #tpu.memory_space<vmem>>
      %dma_start3A_74 = arith.constant 0 : i32
      %dma_start3A_75 = arith.constant 0 : i32
      %dma_start3A_76 = tpu.memref_slice %arg2[%dma_start3A_74, %dma_start3A_75] : memref<10240x128xf32, #tpu.memory_space<hbm>> -> memref<10240x128xf32, #tpu.memory_space<hbm>>
      tpu.enqueue_indirect_dma source(%dma_start3A_76 : memref<10240x128xf32, #tpu.memory_space<hbm>>) target(%arg8 : memref<125x128xf32, #tpu.memory_space<vmem>>) offsets(%dma_start3A_73 : memref<125xi32, #tpu.memory_space<vmem>>) semaphore(%arg11 : memref<!tpu.dma_semaphore, #tpu.memory_space<semaphore_mem>>)
      %dma_wait3A = arith.constant 0 : i32
      %dma_wait3A_77 = tpu.memref_slice %arg5[%mul3A_68, %dma_wait3A] : memref<40x125xi32, #tpu.memory_space<vmem>> -> memref<1x125xi32, #tpu.memory_space<vmem>>
      %dma_wait3A_78 = tpu.memref_squeeze %dma_wait3A_77 : memref<1x125xi32, #tpu.memory_space<vmem>> -> memref<125xi32, #tpu.memory_space<vmem>>
      %dma_wait3A_79 = arith.constant 0 : i32
      %dma_wait3A_80 = arith.constant 0 : i32
      %dma_wait3A_81 = tpu.memref_slice %arg2[%dma_wait3A_79, %dma_wait3A_80] : memref<10240x128xf32, #tpu.memory_space<hbm>> -> memref<10240x128xf32, #tpu.memory_space<hbm>>
      tpu.wait_indirect_dma semaphore(%arg10 : memref<!tpu.dma_semaphore, #tpu.memory_space<semaphore_mem>>) src(%dma_wait3A_81 : memref<10240x128xf32, #tpu.memory_space<hbm>>) dst(%arg7 : memref<125x128xf32, #tpu.memory_space<vmem>>)
      "tpu.region"() ({
        %run_scoped3A_97 = tpu.sem_alloc : memref<!tpu.dma_semaphore, #tpu.memory_space<semaphore_mem>>
        %dma_start3A_98 = arith.constant 0 : i32
        %dma_start3A_99 = tpu.memref_slice %arg6[%mul3A_68, %dma_start3A_98] : memref<40x125xi32, #tpu.memory_space<vmem>> -> memref<1x125xi32, #tpu.memory_space<vmem>>
        %dma_start3A_100 = tpu.memref_squeeze %dma_start3A_99 : memref<1x125xi32, #tpu.memory_space<vmem>> -> memref<125xi32, #tpu.memory_space<vmem>>
        %dma_start3A_101 = arith.constant 0 : i32
        %dma_start3A_102 = arith.constant 0 : i32
        %dma_start3A_103 = tpu.memref_slice %arg9[%dma_start3A_101, %dma_start3A_102] : memref<10240x128xf32, #tpu.memory_space<vmem_shared>> -> memref<10240x128xf32, #tpu.memory_space<vmem_shared>>
        tpu.enqueue_indirect_dma source(%arg7 : memref<125x128xf32, #tpu.memory_space<vmem>>) target(%dma_start3A_103 : memref<10240x128xf32, #tpu.memory_space<vmem_shared>>) offsets(%dma_start3A_100 : memref<125xi32, #tpu.memory_space<vmem>>) semaphore(%run_scoped3A_97 : memref<!tpu.dma_semaphore, #tpu.memory_space<semaphore_mem>>) {add = true}
        %dma_wait3A_104 = arith.constant 0 : i32
        %dma_wait3A_105 = tpu.memref_slice %arg6[%mul3A_68, %dma_wait3A_104] : memref<40x125xi32, #tpu.memory_space<vmem>> -> memref<1x125xi32, #tpu.memory_space<vmem>>
        %dma_wait3A_106 = tpu.memref_squeeze %dma_wait3A_105 : memref<1x125xi32, #tpu.memory_space<vmem>> -> memref<125xi32, #tpu.memory_space<vmem>>
        %dma_wait3A_107 = arith.constant 0 : i32
        %dma_wait3A_108 = arith.constant 0 : i32
        %dma_wait3A_109 = tpu.memref_slice %arg9[%dma_wait3A_107, %dma_wait3A_108] : memref<10240x128xf32, #tpu.memory_space<vmem_shared>> -> memref<10240x128xf32, #tpu.memory_space<vmem_shared>>
        tpu.wait_indirect_dma semaphore(%run_scoped3A_97 : memref<!tpu.dma_semaphore, #tpu.memory_space<semaphore_mem>>) src(%arg7 : memref<125x128xf32, #tpu.memory_space<vmem>>) dst(%dma_wait3A_109 : memref<10240x128xf32, #tpu.memory_space<vmem_shared>>)
        tpu.yield
      }) : () -> ()
      %add3A_82 = arith.constant 1 : i32
      %add3A_83 = arith.addi %scan3A_65, %add3A_82 : i32
      %lt3A = arith.constant 20 : i32
      %lt3A_84 = arith.cmpi slt, %add3A_83, %lt3A : i32
      %convert_element_type3A = arith.extui %lt3A_84 : i1 to i32
      %cond3A = arith.constant 0 : i32
      %cond3A_85 = arith.cmpi ne, %convert_element_type3A, %cond3A : i32
      scf.if %cond3A_85 {
        %add3A_97 = arith.constant 2 : i32
        %add3A_98 = arith.addi %mul3A_68, %add3A_97 : i32
        %dma_start3A_99 = arith.constant 0 : i32
        %dma_start3A_100 = tpu.memref_slice %arg5[%add3A_98, %dma_start3A_99] : memref<40x125xi32, #tpu.memory_space<vmem>> -> memref<1x125xi32, #tpu.memory_space<vmem>>
        %dma_start3A_101 = tpu.memref_squeeze %dma_start3A_100 : memref<1x125xi32, #tpu.memory_space<vmem>> -> memref<125xi32, #tpu.memory_space<vmem>>
        %dma_start3A_102 = arith.constant 0 : i32
        %dma_start3A_103 = arith.constant 0 : i32
        %dma_start3A_104 = tpu.memref_slice %arg2[%dma_start3A_102, %dma_start3A_103] : memref<10240x128xf32, #tpu.memory_space<hbm>> -> memref<10240x128xf32, #tpu.memory_space<hbm>>
        tpu.enqueue_indirect_dma source(%dma_start3A_104 : memref<10240x128xf32, #tpu.memory_space<hbm>>) target(%arg7 : memref<125x128xf32, #tpu.memory_space<vmem>>) offsets(%dma_start3A_101 : memref<125xi32, #tpu.memory_space<vmem>>) semaphore(%arg10 : memref<!tpu.dma_semaphore, #tpu.memory_space<semaphore_mem>>)
      } else {
      }
      %add3A_86 = arith.constant 1 : i32
      %add3A_87 = arith.addi %mul3A_68, %add3A_86 : i32
      %dma_wait3A_88 = arith.constant 0 : i32
      %dma_wait3A_89 = tpu.memref_slice %arg5[%add3A_87, %dma_wait3A_88] : memref<40x125xi32, #tpu.memory_space<vmem>> -> memref<1x125xi32, #tpu.memory_space<vmem>>
      %dma_wait3A_90 = tpu.memref_squeeze %dma_wait3A_89 : memref<1x125xi32, #tpu.memory_space<vmem>> -> memref<125xi32, #tpu.memory_space<vmem>>
      %dma_wait3A_91 = arith.constant 0 : i32
      %dma_wait3A_92 = arith.constant 0 : i32
      %dma_wait3A_93 = tpu.memref_slice %arg2[%dma_wait3A_91, %dma_wait3A_92] : memref<10240x128xf32, #tpu.memory_space<hbm>> -> memref<10240x128xf32, #tpu.memory_space<hbm>>
      tpu.wait_indirect_dma semaphore(%arg11 : memref<!tpu.dma_semaphore, #tpu.memory_space<semaphore_mem>>) src(%dma_wait3A_93 : memref<10240x128xf32, #tpu.memory_space<hbm>>) dst(%arg8 : memref<125x128xf32, #tpu.memory_space<vmem>>)
      %add3A_94 = arith.constant 1 : i32
      %add3A_95 = arith.addi %mul3A_68, %add3A_94 : i32
      "tpu.region"() ({
        %run_scoped3A_97 = tpu.sem_alloc : memref<!tpu.dma_semaphore, #tpu.memory_space<semaphore_mem>>
        %dma_start3A_98 = arith.constant 0 : i32
        %dma_start3A_99 = tpu.memref_slice %arg6[%add3A_95, %dma_start3A_98] : memref<40x125xi32, #tpu.memory_space<vmem>> -> memref<1x125xi32, #tpu.memory_space<vmem>>
        %dma_start3A_100 = tpu.memref_squeeze %dma_start3A_99 : memref<1x125xi32, #tpu.memory_space<vmem>> -> memref<125xi32, #tpu.memory_space<vmem>>
        %dma_start3A_101 = arith.constant 0 : i32
        %dma_start3A_102 = arith.constant 0 : i32
        %dma_start3A_103 = tpu.memref_slice %arg9[%dma_start3A_101, %dma_start3A_102] : memref<10240x128xf32, #tpu.memory_space<vmem_shared>> -> memref<10240x128xf32, #tpu.memory_space<vmem_shared>>
        tpu.enqueue_indirect_dma source(%arg8 : memref<125x128xf32, #tpu.memory_space<vmem>>) target(%dma_start3A_103 : memref<10240x128xf32, #tpu.memory_space<vmem_shared>>) offsets(%dma_start3A_100 : memref<125xi32, #tpu.memory_space<vmem>>) semaphore(%run_scoped3A_97 : memref<!tpu.dma_semaphore, #tpu.memory_space<semaphore_mem>>) {add = true}
        %dma_wait3A_104 = arith.constant 0 : i32
        %dma_wait3A_105 = tpu.memref_slice %arg6[%add3A_95, %dma_wait3A_104] : memref<40x125xi32, #tpu.memory_space<vmem>> -> memref<1x125xi32, #tpu.memory_space<vmem>>
        %dma_wait3A_106 = tpu.memref_squeeze %dma_wait3A_105 : memref<1x125xi32, #tpu.memory_space<vmem>> -> memref<125xi32, #tpu.memory_space<vmem>>
        %dma_wait3A_107 = arith.constant 0 : i32
        %dma_wait3A_108 = arith.constant 0 : i32
        %dma_wait3A_109 = tpu.memref_slice %arg9[%dma_wait3A_107, %dma_wait3A_108] : memref<10240x128xf32, #tpu.memory_space<vmem_shared>> -> memref<10240x128xf32, #tpu.memory_space<vmem_shared>>
        tpu.wait_indirect_dma semaphore(%run_scoped3A_97 : memref<!tpu.dma_semaphore, #tpu.memory_space<semaphore_mem>>) src(%arg8 : memref<125x128xf32, #tpu.memory_space<vmem>>) dst(%dma_wait3A_109 : memref<10240x128xf32, #tpu.memory_space<vmem_shared>>)
        tpu.yield
      }) : () -> ()
      %scan3A_96 = arith.constant 0 : i32
      scf.yield %scan3A_96 : i32
    }
    %scan3A_63 = arith.constant 20 : i32
    %barrier3A_64 = arith.constant 0 : index
    tpu.barrier barrier_id(%barrier3A_64)
    "tpu.region"() ({
      %run_scoped3A_65 = tpu.sem_alloc : memref<!tpu.dma_semaphore, #tpu.memory_space<semaphore_mem>>
      %dma_start3A_66 = arith.constant 0 : i32
      %dma_start3A_67 = tpu.memref_slice %arg4[%arg0, %mul3A_2, %dma_start3A_66] : memref<2x10240x128xf32, #tpu.memory_space<hbm>> -> memref<1x640x128xf32, #tpu.memory_space<hbm>>
      %dma_start3A_68 = tpu.memref_squeeze %dma_start3A_67 : memref<1x640x128xf32, #tpu.memory_space<hbm>> -> memref<640x128xf32, #tpu.memory_space<hbm>>
      %dma_start3A_69 = arith.constant 0 : i32
      %dma_start3A_70 = tpu.memref_slice %arg9[%mul3A_2, %dma_start3A_69] : memref<10240x128xf32, #tpu.memory_space<vmem_shared>> -> memref<640x128xf32, #tpu.memory_space<vmem_shared>>
      tpu.enqueue_dma source(%dma_start3A_70 : memref<640x128xf32, #tpu.memory_space<vmem_shared>>) target(%dma_start3A_68 : memref<640x128xf32, #tpu.memory_space<hbm>>) target_semaphore(%run_scoped3A_65 : memref<!tpu.dma_semaphore, #tpu.memory_space<semaphore_mem>>)
      %dma_wait3A = arith.constant 0 : i32
      %dma_wait3A_71 = tpu.memref_slice %arg4[%arg0, %mul3A_2, %dma_wait3A] : memref<2x10240x128xf32, #tpu.memory_space<hbm>> -> memref<1x640x128xf32, #tpu.memory_space<hbm>>
      %dma_wait3A_72 = tpu.memref_squeeze %dma_wait3A_71 : memref<1x640x128xf32, #tpu.memory_space<hbm>> -> memref<640x128xf32, #tpu.memory_space<hbm>>
      %dma_wait3A_73 = arith.constant 0 : i32
      %dma_wait3A_74 = tpu.memref_slice %arg9[%mul3A_2, %dma_wait3A_73] : memref<10240x128xf32, #tpu.memory_space<vmem_shared>> -> memref<640x128xf32, #tpu.memory_space<vmem_shared>>
      tpu.wait_dma2 semaphore(%run_scoped3A_65 : memref<!tpu.dma_semaphore, #tpu.memory_space<semaphore_mem>>) src(%dma_wait3A_74 : memref<640x128xf32, #tpu.memory_space<vmem_shared>>) dst(%dma_wait3A_72 : memref<640x128xf32, #tpu.memory_space<hbm>>)
      tpu.yield
    }) : () -> ()
    return
  }
}

module attributes {stable_mosaic.version = 14 : i64} {
  func.func @_tc3_body(%arg0: i32, %arg1: memref<2x1024x128xf32, #tpu.memory_space<vmem>>, %arg2: memref<1024x128xf32, #tpu.memory_space<vmem>>, %arg3: memref<2x1024xf32, #tpu.memory_space<vmem>>, %arg4: memref<1x128xf32, #tpu.memory_space<vmem>>, %arg5: memref<1024x128xf32, #tpu.memory_space<vmem>>) attributes {dimension_semantics = [#tpu.dimension_semantics<arbitrary>], iteration_bounds = array<i64: 10>, scalar_prefetch = 0 : i64, scratch_operands = 0 : i64, tpu.core_type = #tpu.core_type<tc>, window_params = [{transform_indices = @transform_0, window_bounds = array<i64: 2, 1024, 128>}, {transform_indices = @transform_1, window_bounds = array<i64: 1024, 128>}, {transform_indices = @transform_2, window_bounds = array<i64: 2, 1024>}, {pipeline_mode = #tpu.pipeline_mode<synchronous>, transform_indices = @transform_3, window_bounds = array<i64: 1, 128>}, {transform_indices = @transform_4, window_bounds = array<i64: 1024, 128>}]} {
    %get3A = arith.constant 0 : index
    %get3A_0 = arith.constant 0 : index
    %get3A_1 = arith.constant 0 : index
    %get3A_2 = vector.load %arg1[%get3A, %get3A_0, %get3A_1] : memref<2x1024x128xf32, #tpu.memory_space<vmem>>, vector<1x1024x128xf32>
    %get3A_3 = vector.shape_cast %get3A_2 : vector<1x1024x128xf32> to vector<1024x128xf32>
    %get3A_4 = arith.constant 1 : index
    %get3A_5 = arith.constant 0 : index
    %get3A_6 = arith.constant 0 : index
    %get3A_7 = vector.load %arg1[%get3A_4, %get3A_5, %get3A_6] : memref<2x1024x128xf32, #tpu.memory_space<vmem>>, vector<1x1024x128xf32>
    %get3A_8 = vector.shape_cast %get3A_7 : vector<1x1024x128xf32> to vector<1024x128xf32>
    %add3A = arith.addf %get3A_3, %get3A_8 : vector<1024x128xf32>
    %get3A_9 = arith.constant 0 : index
    %get3A_10 = arith.constant 0 : index
    %get3A_11 = vector.load %arg2[%get3A_9, %get3A_10] : memref<1024x128xf32, #tpu.memory_space<vmem>>, vector<1024x128xf32>
    %add3A_12 = arith.addf %add3A, %get3A_11 : vector<1024x128xf32>
    %get3A_13 = arith.constant 0 : index
    %get3A_14 = arith.constant 0 : index
    %get3A_15 = vector.load %arg3[%get3A_13, %get3A_14] : memref<2x1024xf32, #tpu.memory_space<vmem>>, vector<1x1024xf32>
    %get3A_16 = vector.shape_cast %get3A_15 : vector<1x1024xf32> to vector<1024xf32>
    %get3A_17 = arith.constant 1 : index
    %get3A_18 = arith.constant 0 : index
    %get3A_19 = vector.load %arg3[%get3A_17, %get3A_18] : memref<2x1024xf32, #tpu.memory_space<vmem>>, vector<1x1024xf32>
    %get3A_20 = vector.shape_cast %get3A_19 : vector<1x1024xf32> to vector<1024xf32>
    %add3A_21 = arith.addf %get3A_16, %get3A_20 : vector<1024xf32>
    %add3A_22 = arith.constant 1.000000e+00 : f32
    %add3A_23 = vector.broadcast %add3A_22 : f32 to vector<1024xf32>
    %add3A_24 = arith.addf %add3A_21, %add3A_23 : vector<1024xf32>
    %rsqrt3A = math.rsqrt %add3A_24 : vector<1024xf32>
    %reshape3A = vector.shape_cast %rsqrt3A : vector<1024xf32> to vector<1024x1xf32>
    %mul3A = vector.broadcast %reshape3A : vector<1024x1xf32> to vector<1024x128xf32>
    %mul3A_25 = arith.mulf %add3A_12, %mul3A : vector<1024x128xf32>
    %get3A_26 = arith.constant 0 : index
    %get3A_27 = arith.constant 0 : index
    %get3A_28 = vector.load %arg4[%get3A_26, %get3A_27] : memref<1x128xf32, #tpu.memory_space<vmem>>, vector<1x128xf32>
    %add3A_29 = vector.broadcast %get3A_28 : vector<1x128xf32> to vector<1024x128xf32>
    %add3A_30 = arith.addf %mul3A_25, %add3A_29 : vector<1024x128xf32>
    %max3A = arith.constant 0.000000e+00 : f32
    %max3A_31 = vector.broadcast %max3A : f32 to vector<1024x128xf32>
    %max3A_32 = arith.maximumf %add3A_30, %max3A_31 : vector<1024x128xf32>
    %swap3A = arith.constant 0 : index
    %swap3A_33 = arith.constant 0 : index
    %swap3A_34 = vector.load %arg5[%swap3A, %swap3A_33] : memref<1024x128xf32, #tpu.memory_space<vmem>>, vector<1024x128xf32>
    tpu.vector_store %arg5[%swap3A, %swap3A_33], %max3A_32 {strides = array<i32>} : memref<1024x128xf32, #tpu.memory_space<vmem>>, vector<1024x128xf32>,
    return
  }
  func.func @transform_0(%arg0: i32) -> (i32, i32, i32) {
    %c0_i32 = arith.constant 0 : i32
    %c0_i32_0 = arith.constant 0 : i32
    %c0_i32_1 = arith.constant 0 : i32
    return %c0_i32, %arg0, %c0_i32_0 : i32, i32, i32
  }
  func.func @transform_1(%arg0: i32) -> (i32, i32) {
    %c0_i32 = arith.constant 0 : i32
    %c0_i32_0 = arith.constant 0 : i32
    return %arg0, %c0_i32 : i32, i32
  }
  func.func @transform_2(%arg0: i32) -> (i32, i32) {
    %c0_i32 = arith.constant 0 : i32
    %c0_i32_0 = arith.constant 0 : i32
    return %c0_i32, %arg0 : i32, i32
  }
  func.func @transform_3(%arg0: i32) -> (i32, i32) {
    %c0_i32 = arith.constant 0 : i32
    %c0_i32_0 = arith.constant 0 : i32
    %c0_i32_1 = arith.constant 0 : i32
    return %c0_i32, %c0_i32_0 : i32, i32
  }
  func.func @transform_4(%arg0: i32) -> (i32, i32) {
    %c0_i32 = arith.constant 0 : i32
    %c0_i32_0 = arith.constant 0 : i32
    return %arg0, %c0_i32 : i32, i32
  }
}

module attributes {stable_mosaic.version = 14 : i64} {
  func.func @_tc2_body(%arg0: i32, %arg1: memref<2x1024x128xf32, #tpu.memory_space<vmem>>, %arg2: memref<1024x128xf32, #tpu.memory_space<vmem>>, %arg3: memref<2x1024xf32, #tpu.memory_space<vmem>>, %arg4: memref<1x128xf32, #tpu.memory_space<vmem>>, %arg5: memref<128x128xf32, #tpu.memory_space<vmem>>, %arg6: memref<1024x128xf32, #tpu.memory_space<vmem>>) attributes {dimension_semantics = [#tpu.dimension_semantics<arbitrary>], iteration_bounds = array<i64: 10>, scalar_prefetch = 0 : i64, scratch_operands = 0 : i64, tpu.core_type = #tpu.core_type<tc>, window_params = [{transform_indices = @transform_0, window_bounds = array<i64: 2, 1024, 128>}, {transform_indices = @transform_1, window_bounds = array<i64: 1024, 128>}, {transform_indices = @transform_2, window_bounds = array<i64: 2, 1024>}, {pipeline_mode = #tpu.pipeline_mode<synchronous>, transform_indices = @transform_3, window_bounds = array<i64: 1, 128>}, {pipeline_mode = #tpu.pipeline_mode<synchronous>, transform_indices = @transform_4, window_bounds = array<i64: 128, 128>}, {transform_indices = @transform_5, window_bounds = array<i64: 1024, 128>}]} {
    %get3A = arith.constant 0 : index
    %get3A_0 = arith.constant 0 : index
    %get3A_1 = vector.load %arg3[%get3A, %get3A_0] : memref<2x1024xf32, #tpu.memory_space<vmem>>, vector<1x1024xf32>
    %get3A_2 = vector.shape_cast %get3A_1 : vector<1x1024xf32> to vector<1024xf32>
    %get3A_3 = arith.constant 1 : index
    %get3A_4 = arith.constant 0 : index
    %get3A_5 = vector.load %arg3[%get3A_3, %get3A_4] : memref<2x1024xf32, #tpu.memory_space<vmem>>, vector<1x1024xf32>
    %get3A_6 = vector.shape_cast %get3A_5 : vector<1x1024xf32> to vector<1024xf32>
    %add3A = arith.addf %get3A_2, %get3A_6 : vector<1024xf32>
    %add3A_7 = arith.constant 1.000000e+00 : f32
    %add3A_8 = vector.broadcast %add3A_7 : f32 to vector<1024xf32>
    %add3A_9 = arith.addf %add3A, %add3A_8 : vector<1024xf32>
    %rsqrt3A = math.rsqrt %add3A_9 : vector<1024xf32>
    %reshape3A = vector.shape_cast %rsqrt3A : vector<1024xf32> to vector<1024x1xf32>
    %get3A_10 = arith.constant 0 : index
    %get3A_11 = arith.constant 0 : index
    %get3A_12 = arith.constant 0 : index
    %get3A_13 = vector.load %arg1[%get3A_10, %get3A_11, %get3A_12] : memref<2x1024x128xf32, #tpu.memory_space<vmem>>, vector<1x1024x128xf32>
    %get3A_14 = vector.shape_cast %get3A_13 : vector<1x1024x128xf32> to vector<1024x128xf32>
    %get3A_15 = arith.constant 1 : index
    %get3A_16 = arith.constant 0 : index
    %get3A_17 = arith.constant 0 : index
    %get3A_18 = vector.load %arg1[%get3A_15, %get3A_16, %get3A_17] : memref<2x1024x128xf32, #tpu.memory_space<vmem>>, vector<1x1024x128xf32>
    %get3A_19 = vector.shape_cast %get3A_18 : vector<1x1024x128xf32> to vector<1024x128xf32>
    %add3A_20 = arith.addf %get3A_14, %get3A_19 : vector<1024x128xf32>
    %get3A_21 = arith.constant 0 : index
    %get3A_22 = arith.constant 0 : index
    %get3A_23 = vector.load %arg2[%get3A_21, %get3A_22] : memref<1024x128xf32, #tpu.memory_space<vmem>>, vector<1024x128xf32>
    %add3A_24 = arith.addf %add3A_20, %get3A_23 : vector<1024x128xf32>
    %mul3A = vector.broadcast %reshape3A : vector<1024x1xf32> to vector<1024x128xf32>
    %mul3A_25 = arith.mulf %add3A_24, %mul3A : vector<1024x128xf32>
    %get3A_26 = arith.constant 0 : index
    %get3A_27 = arith.constant 0 : index
    %get3A_28 = vector.load %arg4[%get3A_26, %get3A_27] : memref<1x128xf32, #tpu.memory_space<vmem>>, vector<1x128xf32>
    %add3A_29 = vector.broadcast %get3A_28 : vector<1x128xf32> to vector<1024x128xf32>
    %add3A_30 = arith.addf %mul3A_25, %add3A_29 : vector<1024x128xf32>
    %max3A = arith.constant 0.000000e+00 : f32
    %max3A_31 = vector.broadcast %max3A : f32 to vector<1024x128xf32>
    %max3A_32 = arith.maximumf %add3A_30, %max3A_31 : vector<1024x128xf32>
    %get3A_33 = arith.constant 0 : index
    %get3A_34 = arith.constant 0 : index
    %get3A_35 = vector.load %arg5[%get3A_33, %get3A_34] : memref<128x128xf32, #tpu.memory_space<vmem>>, vector<128x128xf32>
    %dot_general3A = arith.constant dense<0.000000e+00> : vector<1024x128xf32>
    %dot_general3A_36 = tpu.matmul %max3A_32, %get3A_35, %dot_general3A {dimension_numbers = #tpu.dot_dimension_numbers<[1], [0], [0], [1], [0, 0, 1, 1], [], []>, transpose_lhs_hint = false} : vector<1024x128xf32>, vector<128x128xf32>, vector<1024x128xf32> -> vector<1024x128xf32>
    %mul3A_37 = vector.broadcast %reshape3A : vector<1024x1xf32> to vector<1024x128xf32>
    %mul3A_38 = arith.mulf %dot_general3A_36, %mul3A_37 : vector<1024x128xf32>
    %swap3A = arith.constant 0 : index
    %swap3A_39 = arith.constant 0 : index
    %swap3A_40 = vector.load %arg6[%swap3A, %swap3A_39] : memref<1024x128xf32, #tpu.memory_space<vmem>>, vector<1024x128xf32>
    tpu.vector_store %arg6[%swap3A, %swap3A_39], %mul3A_38 {strides = array<i32>} : memref<1024x128xf32, #tpu.memory_space<vmem>>, vector<1024x128xf32>,
    return
  }
  func.func @transform_0(%arg0: i32) -> (i32, i32, i32) {
    %c0_i32 = arith.constant 0 : i32
    %c0_i32_0 = arith.constant 0 : i32
    %c0_i32_1 = arith.constant 0 : i32
    return %c0_i32, %arg0, %c0_i32_0 : i32, i32, i32
  }
  func.func @transform_1(%arg0: i32) -> (i32, i32) {
    %c0_i32 = arith.constant 0 : i32
    %c0_i32_0 = arith.constant 0 : i32
    return %arg0, %c0_i32 : i32, i32
  }
  func.func @transform_2(%arg0: i32) -> (i32, i32) {
    %c0_i32 = arith.constant 0 : i32
    %c0_i32_0 = arith.constant 0 : i32
    return %c0_i32, %arg0 : i32, i32
  }
  func.func @transform_3(%arg0: i32) -> (i32, i32) {
    %c0_i32 = arith.constant 0 : i32
    %c0_i32_0 = arith.constant 0 : i32
    %c0_i32_1 = arith.constant 0 : i32
    return %c0_i32, %c0_i32_0 : i32, i32
  }
  func.func @transform_4(%arg0: i32) -> (i32, i32) {
    %c0_i32 = arith.constant 0 : i32
    %c0_i32_0 = arith.constant 0 : i32
    %c0_i32_1 = arith.constant 0 : i32
    return %c0_i32, %c0_i32_0 : i32, i32
  }
  func.func @transform_5(%arg0: i32) -> (i32, i32) {
    %c0_i32 = arith.constant 0 : i32
    %c0_i32_0 = arith.constant 0 : i32
    return %arg0, %c0_i32 : i32, i32
  }
}

module attributes {stable_mosaic.version = 14 : i64} {
  func.func @_tc1_body(%arg0: i32, %arg1: memref<1024x128xf32, #tpu.memory_space<vmem>>, %arg2: memref<128x128xf32, #tpu.memory_space<vmem>>, %arg3: memref<2x1024xf32, #tpu.memory_space<vmem>>, %arg4: memref<1024x128xf32, #tpu.memory_space<vmem>>) attributes {dimension_semantics = [#tpu.dimension_semantics<arbitrary>], iteration_bounds = array<i64: 10>, scalar_prefetch = 0 : i64, scratch_operands = 0 : i64, tpu.core_type = #tpu.core_type<tc>, window_params = [{transform_indices = @transform_0, window_bounds = array<i64: 1024, 128>}, {pipeline_mode = #tpu.pipeline_mode<synchronous>, transform_indices = @transform_1, window_bounds = array<i64: 128, 128>}, {transform_indices = @transform_2, window_bounds = array<i64: 2, 1024>}, {transform_indices = @transform_3, window_bounds = array<i64: 1024, 128>}]} {
    %get3A = arith.constant 0 : index
    %get3A_0 = arith.constant 0 : index
    %get3A_1 = vector.load %arg1[%get3A, %get3A_0] : memref<1024x128xf32, #tpu.memory_space<vmem>>, vector<1024x128xf32>
    %get3A_2 = arith.constant 0 : index
    %get3A_3 = arith.constant 0 : index
    %get3A_4 = vector.load %arg2[%get3A_2, %get3A_3] : memref<128x128xf32, #tpu.memory_space<vmem>>, vector<128x128xf32>
    %dot_general3A = arith.constant dense<0.000000e+00> : vector<1024x128xf32>
    %dot_general3A_5 = tpu.matmul %get3A_1, %get3A_4, %dot_general3A {dimension_numbers = #tpu.dot_dimension_numbers<[1], [0], [0], [1], [0, 0, 1, 1], [], []>, transpose_lhs_hint = false} : vector<1024x128xf32>, vector<128x128xf32>, vector<1024x128xf32> -> vector<1024x128xf32>
    %get3A_6 = arith.constant 0 : index
    %get3A_7 = arith.constant 0 : index
    %get3A_8 = vector.load %arg3[%get3A_6, %get3A_7] : memref<2x1024xf32, #tpu.memory_space<vmem>>, vector<1x1024xf32>
    %get3A_9 = vector.shape_cast %get3A_8 : vector<1x1024xf32> to vector<1024xf32>
    %get3A_10 = arith.constant 1 : index
    %get3A_11 = arith.constant 0 : index
    %get3A_12 = vector.load %arg3[%get3A_10, %get3A_11] : memref<2x1024xf32, #tpu.memory_space<vmem>>, vector<1x1024xf32>
    %get3A_13 = vector.shape_cast %get3A_12 : vector<1x1024xf32> to vector<1024xf32>
    %add3A = arith.addf %get3A_9, %get3A_13 : vector<1024xf32>
    %add3A_14 = arith.constant 1.000000e+00 : f32
    %add3A_15 = vector.broadcast %add3A_14 : f32 to vector<1024xf32>
    %add3A_16 = arith.addf %add3A, %add3A_15 : vector<1024xf32>
    %rsqrt3A = math.rsqrt %add3A_16 : vector<1024xf32>
    %reshape3A = vector.shape_cast %rsqrt3A : vector<1024xf32> to vector<1024x1xf32>
    %mul3A = vector.broadcast %reshape3A : vector<1024x1xf32> to vector<1024x128xf32>
    %mul3A_17 = arith.mulf %dot_general3A_5, %mul3A : vector<1024x128xf32>
    %swap3A = arith.constant 0 : index
    %swap3A_18 = arith.constant 0 : index
    %swap3A_19 = vector.load %arg4[%swap3A, %swap3A_18] : memref<1024x128xf32, #tpu.memory_space<vmem>>, vector<1024x128xf32>
    tpu.vector_store %arg4[%swap3A, %swap3A_18], %mul3A_17 {strides = array<i32>} : memref<1024x128xf32, #tpu.memory_space<vmem>>, vector<1024x128xf32>,
    return
  }
  func.func @transform_0(%arg0: i32) -> (i32, i32) {
    %c0_i32 = arith.constant 0 : i32
    %c0_i32_0 = arith.constant 0 : i32
    return %arg0, %c0_i32 : i32, i32
  }
  func.func @transform_1(%arg0: i32) -> (i32, i32) {
    %c0_i32 = arith.constant 0 : i32
    %c0_i32_0 = arith.constant 0 : i32
    %c0_i32_1 = arith.constant 0 : i32
    return %c0_i32, %c0_i32_0 : i32, i32
  }
  func.func @transform_2(%arg0: i32) -> (i32, i32) {
    %c0_i32 = arith.constant 0 : i32
    %c0_i32_0 = arith.constant 0 : i32
    return %c0_i32, %arg0 : i32, i32
  }
  func.func @transform_3(%arg0: i32) -> (i32, i32) {
    %c0_i32 = arith.constant 0 : i32
    %c0_i32_0 = arith.constant 0 : i32
    return %arg0, %c0_i32 : i32, i32
  }
}

</mosaic_0001>

<sc_bundles>
// kernel: kernel.11.cloned.1.call-start
scs
__scs_entry_jumppad:
0x0: {  	(pc) =	sbr.rel $0x88, $3  }
0x1: {  	(tag) =	ssettag $0x0;
	lr =	simm.s32 $0x1  }
0x2: {  	[smem:$0x3F9B] =	sst lr;
	_ =	strace $0xD0000000  }
0x3: {  	_ = 	snop  }
0x4: {  	_ = 	snop  }
0x5: {  	_ = 	snop  }
0x6: {  	_ = 	snop  }
0x7: {  	_ = 	snop  }
__scs_overlays_trampoline_lowered:
0x8: {  	[smem:$0x3FAA] =	sst s0  }
0x9: {  	[smem:$0x3FAB] =	sst s1  }
0xa: {  	[smem:$0x3FAC] =	sst s2  }
0xb: {  	[smem:$0x3FAD] =	sst s3  }
0xc: {  	[smem:$0x3FAE] =	sst s4  }
0xd: {  	[smem:$0x3FAF] =	sst s5  }
0xe: {  	[smem:$0x3FB0] =	sst s6  }
0xf: {  	[smem:$0x3FB1] =	sst s7  }
0x10: {  	[smem:$0x3FB2] =	sst s8  }
0x11: {  	[smem:$0x3FB3] =	sst s9;
	s0 =	simm.s32 @!p0 $0x0  }
0x12: {  	s1 =	sld [smem:$0x3F99];
	s0 =	simm.s32 @p0 $0x1  }
0x13: {  	[smem:$0x3FB4] =	sst s0;
	s0 =	simm.s32 @!p1 $0x0  }
0x14: {  	s2 =	sld [smem:$0x3F98];
	s0 =	simm.s32 @p1 $0x1  }
0x15: {  	[smem:$0x3FB5] =	sst s0;
	s0 =	simm.s32 @!p2 $0x0  }
0x16: {  	s3 =	sld [smem:$0x3FDB];
	s0 =	simm.s32 @p2 $0x1  }
0x17: {  	s4 =	simm.s32 $0x1BF5;
	[smem:$0x3FB7] =	sst s0  }
0x18: {  	s0 =	sld [smem:$0x3F9A];
	_ =	swait.ge [sflag:s4], $0x0  }
0x19: {  	s7 =	sld [smem:$0x3F9B]  }
0x1a: {  	s8 =	sadd.s32 $0xFFFFE003, lr  }
0x1b: {  	s9 =	sadd.s32 $0xFFFFFEF7, lr;
	s5 =	simm.s32 $0xFFFFFFFF;
	p2 =	slt.u32 s8, $0xFFFFF086  }
0x1c: {  	p1 =	slt.u32 s9, $0xF7A;
	s5 =	simm.s32 @!p2 $0x0  }
0x1d: {  	s5 =	simm.s32 @p1 $0x1;
	p0 =	seq.s32 s7, s2  }
0x1e: {  	s7 =	smul.u32 @!p0 $0xF7A, s2;
	p2 =	seq.s32 @!p0 s5, $0x0  }
0x1f: {  	s9 =	smul.u32 $0xF7A, s1;
	s8 =	simm.s32 @!p0 $0x1BF5;
	p2 =	por !p2, p0  }
0x20: {  	[sflag:s8] =	ssyncset.s32 @!p0 $0xFFFFF086;
	s6 =	sadd.s32 @!p0 s3, s7;
	s7 =	simm.s32 @!p0 $0x108  }
0x21: {  	s3 =	sadd.s32 s3, s9;
	s6 =	sadd.s32 @!p0 $0x88, s6;
	s7 =	simm.s32 @p2 $0x1082  }
0x22: {  	[simem:s7], [sflag:s8] =	dma.local @!p0 [hbm:s6], $0xF7A  }
0x23: {  	s9 =	sor.u32 $0xD0000000, s2;
	s6 =	simm.s32 $0x108;
	_ =	swait.ge @!p0 [sflag:s8], $0x0  }
0x24: {  	s3 =	sadd.s32 $0x88, s3;
	s6 =	simm.s32 @!p1 $0x1082;
	[sflag:s4] =	ssyncset.s32 $0xFFFFF086  }
0x25: {  	[simem:s6], [sflag:s4] =	dma.local [hbm:s3], $0xF7A  }
0x26: {  	[smem:$0x3F9B] =	sst s1;
	(tag) =	ssettag s2;
	_ =	strace s9  }
0x27: {  	s1 =	sld [smem:$0x3FAB]  }
0x28: {  	s2 =	sld [smem:$0x3FAC]  }
0x29: {  	s4 =	sld [smem:$0x3FAE]  }
0x2a: {  	p0 =	seq.s32 s5, $0x0;
	s5 =	sld [smem:$0x3FAF]  }
0x2b: {  	s6 =	sld [smem:$0x3FB0]  }
0x2c: {  	s7 =	sld [smem:$0x3FB1]  }
0x2d: {  	s3 =	simm.s32 $0x108;
	s8 =	sld [smem:$0x3FB2]  }
0x2e: {  	s3 =	simm.s32 @!p0 $0x1082;
	s9 =	sld [smem:$0x3FB3]  }
0x2f: {  	lr =	sadd.s32 s0, s3;
	s0 =	sld [smem:$0x3FAA]  }
0x30: {  	s3 =	sld [smem:$0x3FAD]  }
0x31: {  	[smem:$0x3FB6] =	sst s10  }
0x32: {  	s10 =	sld [smem:$0x3FB4];
	_ =	sdelay $0x3  }
0x33: {  	p0 =	seq.s32 s10, $0x1;
	s10 =	sld [smem:$0x3FB6];
	_ =	sdelay $0x3  }
0x34: {  	[smem:$0x3FB6] =	sst s10  }
0x35: {  	s10 =	sld [smem:$0x3FB5];
	_ =	sdelay $0x3  }
0x36: {  	p1 =	seq.s32 s10, $0x1;
	s10 =	sld [smem:$0x3FB6];
	_ =	sdelay $0x3  }
0x37: {  	[smem:$0x3FB6] =	sst s10  }
0x38: {  	s10 =	sld [smem:$0x3FB7]  }
0x39: {  	_ = 	snop;
	(pc) =	sbr.ind lr, $3  }
0x3a: {  	_ = 	snop  }
0x3b: {  	_ = 	snop  }
0x3c: {  	p2 =	seq.s32 s10, $0x1;
	s10 =	sld [smem:$0x3FB6]  }
0x3d: {  	_ =	shalt  }
0x3e: {  	_ =	shalt  }
0x3f: {  	_ =	shalt  }
0x40: {  	_ =	shalt  }
0x41: {  	_ =	shalt  }
0x42: {  	_ =	shalt  }
0x43: {  	_ =	shalt  }
0x44: {  	_ =	shalt  }
0x45: {  	_ =	shalt  }
0x46: {  	_ =	shalt  }
0x47: {  	_ =	shalt  }
0x48: {  	_ =	shalt  }
0x49: {  	_ =	shalt  }
0x4a: {  	_ =	shalt  }
0x4b: {  	_ =	shalt  }
0x4c: {  	_ =	shalt  }
0x4d: {  	_ =	shalt  }
0x4e: {  	_ =	shalt  }
0x4f: {  	_ =	shalt  }
0x50: {  	_ =	shalt  }
0x51: {  	_ =	shalt  }
0x52: {  	_ =	shalt  }
0x53: {  	_ =	shalt  }
0x54: {  	_ =	shalt  }
0x55: {  	_ =	shalt  }
0x56: {  	_ =	shalt  }
0x57: {  	_ =	shalt  }
0x58: {  	_ =	shalt  }
0x59: {  	_ =	shalt  }
0x5a: {  	_ =	shalt  }
0x5b: {  	_ =	shalt  }
0x5c: {  	_ =	shalt  }
0x5d: {  	_ =	shalt  }
0x5e: {  	_ =	shalt  }
0x5f: {  	_ =	shalt  }
0x60: {  	_ =	shalt  }
0x61: {  	_ =	shalt  }
0x62: {  	_ =	shalt  }
0x63: {  	_ =	shalt  }
0x64: {  	_ =	shalt  }
0x65: {  	_ =	shalt  }
0x66: {  	_ =	shalt  }
0x67: {  	_ =	shalt  }
0x68: {  	_ =	shalt  }
0x69: {  	_ =	shalt  }
0x6a: {  	_ =	shalt  }
0x6b: {  	_ =	shalt  }
0x6c: {  	_ =	shalt  }
0x6d: {  	_ =	shalt  }
0x6e: {  	_ =	shalt  }
0x6f: {  	_ =	shalt  }
0x70: {  	_ =	shalt  }
0x71: {  	_ =	shalt  }
0x72: {  	_ =	shalt  }
0x73: {  	_ =	shalt  }
0x74: {  	_ =	shalt  }
0x75: {  	_ =	shalt  }
0x76: {  	_ =	shalt  }
0x77: {  	_ =	shalt  }
0x78: {  	_ =	shalt  }
0x79: {  	_ =	shalt  }
0x7a: {  	_ =	shalt  }
0x7b: {  	_ =	shalt  }
0x7c: {  	_ =	shalt  }
0x7d: {  	_ =	shalt  }
0x7e: {  	_ =	shalt  }
0x7f: {  	_ =	shalt  }
0x80: {  	_ =	shalt  }
0x81: {  	_ =	shalt  }
0x82: {  	_ =	shalt  }
0x83: {  	_ =	shalt  }
0x84: {  	_ =	shalt  }
0x85: {  	_ =	shalt  }
0x86: {  	_ =	shalt  }
0x87: {  	_ =	shalt  }
.Lfunc_end0:
.L_simem_size_0:
called_computation.1_lowered:
.L_overlay_start_0:
0x88: {  	s2 =	sld [smem:$0x3FD9]  }
0x89: {  	s3 =	sld [smem:$0x3FFE];
	_ =	sdelay $0x1  }
0x8a: {  	s1 =	srdreg.scid  }
0x8b: {  	s0 =	sand.u32 $0x1, s1  }
0x8c: {  	s17 =	sshll.u32 s0, $0xA;
	s2 =	sadd.s32 s3, s2  }
0x8d: {  	s2 =	sadd.s32 s2, s17  }
0x8e: {  	[smem:$0x3FC2] =	sst s2  }
0x8f: {  	_ = 	snop  }
0x90: {  	s2 =	sld [smem:$0x3FD0];
	(tm) =	ssettm $0x1  }
0x91: {  	s18 =	sld [smem:$0x3FFB];
	_ =	sdelay $0x3  }
0x92: {  	_ =	strace s18  }
0x93: {  	s3 =	sld [smem:$0x3FFC];
	_ =	sdelay $0x3  }
0x94: {  	_ =	strace s3  }
0x95: {  	s3 =	sld [smem:$0x3FFD];
	_ =	sdelay $0x3  }
0x96: {  	_ =	strace s3  }
0x97: {  	_ =	strace $0x8FFFFFFF  }
0x98: {  	s19 =	sld [smem:$0x3FDB];
	_ =	sdelay $0x1  }
0x99: {  	s4 =	simm.s32 $_scs_section_size  }
0x9a: {  	s5 =	simm.s32 $_size__tile_overlayer_lowered;
	s6 =	simm.s32 $_tile_overlayer_lowered  }
0x9b: {  	s22 =	simm.s32 $0x1BFF;
	s21 =	sshll.u32 s6, $0x1;
	s3 =	sadd.s32 s4, s19  }
0x9c: {  	s7 =	simm.s32 $0x0;
	s20 =	sshll.u32 s5, $0x1;
	s5 =	sadd.s32 s21, s3  }
0x9d: {  	[timem:s7], [sflag:s22] =	dma.local [hbm:s5], s20  }
0x9e: {  	_ =	swait.ge [sflag:s22], s20  }
0x9f: {  	s4 =	ssub.s32 $0x0, s20;
	[sflag:s22] =	ssyncset.done $0x0  }
0xa0: {  	[sflag:s22] =	ssyncadd.s32 s4;
	_ =	sdelay $0x1  }
0xa1: {  	s23 =	simm.s32 $0x1B8B  }
0xa2: {  	_ =	swait.ge [sflag:s23], $0x1  }
0xa3: {  	[sflag:s23] =	ssyncset.done $0x0  }
0xa4: {  	s25 =	simm.s32 $0x1B8E;
	s24 =	sld [smem:$0x3FFE];
	[sflag:s23] =	ssyncadd.s32 $0xFFFFFFFF  }
0xa5: {  	s26 =	simm.s32 $execute0_lowered;
	[smem:$0x3FD2] =	sst s25  }
0xa6: {  	s5 =	sshll.u32 s26, $0x1;
	_ =	strace $0x80000049;
	[dreg:$0x1] =	wrdreg $0xFFFFFFFF  }
0xa7: {  	s28 =	simm.s32 $_size_execute0_lowered;
	s3 =	sadd.s32 s3, s5;
	[dreg:$0x0] =	wrdreg $0x0  }
0xa8: {  	s5 =	sshll.u32 s28, $0x1;
	[dreg:$0x2] =	wrdreg s3  }
0xa9: {  	[dreg:$0x3] =	wrdreg s5  }
0xaa: {  	[dreg:$0x4] =	wrdreg $0xC0  }
0xab: {  	_ =	task [dreg:s7], $0x5FFFF  }
0xac: {  	[dreg:$0x1] =	wrdreg $0xFFFFFFFF  }
0xad: {  	[dreg:$0x0] =	wrdreg $0x60  }
0xae: {  	[dreg:$0x2] =	wrdreg s24  }
0xaf: {  	[dreg:$0x3] =	wrdreg s2  }
0xb0: {  	[dreg:$0x4] =	wrdreg $0xA8000  }
0xb1: {  	[dreg:$0x5] =	wrdreg $0x9  }
0xb2: {  	_ =	task.clear_ibuf [dreg:s7], $0x6FFFF;
	_ =	strace $0x90000049  }
0xb3: {  	s29 =	simm.s32 $0x9;
	_ =	strace $0x8000004B  }
0xb4: {  	_ =	swait.ge [sflag:s29], $0x1  }
0xb5: {  	[sflag:s29] =	ssyncadd.s32 $0xFFFFFFFF  }
0xb6: {  	_ =	strace $0x9000004B  }
0xb7: {  	_ =	sfence  }
0xb8: {  	s30 =	sld [smem:$0x0];
	_ =	sdelay $0x2  }
0xb9: {  	s31 =	sshll.u32 s1, $0xD;
	s1 =	sshrl.u32 s1, $0x2  }
0xba: {  	s3 =	sand.u32 $0x4000, s31;
	s1 =	sadd.s32 s1, s30  }
0xbb: {  	s0 =	sor.u32 s3, s0;
	s1 =	sshll.u32 s1, $0x11  }
0xbc: {  	s0 =	sor.u32 s1, s0  }
0xbd: {  	s0 =	sadd.s32 $0x8F2B, s0  }
0xbe: {  	[sflag:s0] =	ssyncadd.remote.s32 $0x1  }
0xbf: {  	_ =	sfence.sel $0xFFFF  }
0xc0: {  	[dreg:$0x0] =	wrdreg $0xFFFFFFFF;
	(pc) =	sbr.abs _section_cstart, $3  }
0xc1: {  	[dreg:$0x1] =	wrdreg $0xFFFFFFFF  }
0xc2: {  	_ =	task.clear_ibuf [dreg:s7], $0x2FFFF;
	_ =	strace $0x9FFFFFFF  }
0xc3: {  	(tm) =	ssettm $0x7FFFFFFF  }
tec
execute0_lowered:
.L_overlay_start_1:
0x0: {  	(tag) =	ssettag $0x1  }
0x1: {  	s5 =	rddreg [dreg:$0x0]  }
0x2: {  	s13 =	rddreg [dreg:$0x1]  }
0x3: {  	s0 =	srdreg.scid;
	s2 =	rddreg [dreg:$0x2]  }
0x4: {  	s25 =	stileid.u32;
	s3 =	simm.s32 $0x0;
	s19 =	simm.s32 $0x2800  }
0x5: {  	s20 =	simm.s32 $0x3;
	s21 =	simm.s32 $0x1400;
	s22 =	simm.s32 $0x7D  }
0x6: {  	s23 =	simm.s32 $0x6800;
	s24 =	simm.s32 $0x1;
	s7 =	smul.u32 $0x14000, s25  }
0x7: {  	s28 =	simm.s32 $0x2700;
	s6 =	sand.u32 $0x1, s0;
	s8 =	smul.u32 $0x50000, s25  }
0x8: {  	s29 =	simm.s32 $0x2780;
	[smem:$0x7FF] =	sst s3;
	s4 =	smul.u32 $0x140000, s6  }
0x9: {  	_ =	strace $0x8000004A;
	s26 =	ssub.s32 $0x2, s6;
	s6 =	sshll.u32 s6, $0x4  }
0xa: {  	s30 =	sshrl.u32 s26, $0x1;
	s6 =	sor.u32 s25, s6;
	s8 =	sshrl.u32 s8, $0x2  }
0xb: {  	s25 =	simm.s32 $0x2;
	s7 =	sadd.s32 s7, s4;
	s4 =	sadd.s32 $0x2A00, s5  }
0xc: {  	s18 =	ssub.s32 s26, s30;
	s11 =	smul.u32 $0x2800, s6;
	s7 =	sshrl.u32 s7, $0x3  }
0xd: {  	s26 =	simm.s32 $0x1380;
	s17 =	sadd.s32 s7, s5;
	s5 =	sadd.s32 s8, s2  }
0xe: {  	s18 =	smax.u32 s18, $0x1;
	s14 =	sshrl.u32 s11, $0x3;
	s31 =	sadd.s32 $0x2800, s5  }
0xf: {  	s7 =	sadd.s32 $0x5000, s5;
	s8 =	sadd.s32 $0x7800, s5;
	s9 =	sadd.s32 $0xA000, s5  }
0x10: {  	s10 =	sadd.s32 $0xC800, s5;
	s11 =	sadd.s32 $0xF000, s5;
	s12 =	sadd.s32 $0x11800, s5  }
0x11: {  	s13 =	sadd.s32 s13, s14;
	s17 =	sadd.s32 $0x2AA00, s17;
	[dreg:$0x4] =	wrdreg s31  }
0x12: {  	v0 =	vimm.f32 $0.0e+00;
	s14 =	sadd.s32 $0xA000, s13;
	s15 =	sadd.s32 $0x280, s13;
	s16 =	sadd.s32 $0xA280, s13  }
.LBB2_1:
0x13: {  	s30 =	simm.s32 $0x0;
	s31 =	simm.s32 $0x200  }
.LBB2_2:
0x14: {  	p0 =	sne.s32 s31, $0x9E00;
	[tilespmem:s30+$0x2870] =	vst v0  }
0x15: {  	[tilespmem:s30+$0x2800] =	vst v0  }
0x16: {  	[tilespmem:s30+$0x2810] =	vst v0  }
.Ltmp0:
0x17: {  	[tilespmem:s30+$0x2820] =	vst v0;
	(pc) =	sbr.rel @p0 .LBB2_2-.Ltmp0, $4  }
0x18: {  	[tilespmem:s30+$0x2830] =	vst v0  }
0x19: {  	[tilespmem:s30+$0x2840] =	vst v0  }
0x1a: {  	[tilespmem:s30+$0x2850] =	vst v0  }
0x1b: {  	[tilespmem:s30+$0x2860] =	vst v0;
	s30 =	sshra.s32 s31, $0x2;
	s31 =	sadd.s32 $0x200, s31  }
0x1c: {  	[tilespmem:s30+$0x2870] =	vst v0  }
0x1d: {  	[tilespmem:s30+$0x2800] =	vst v0  }
0x1e: {  	[tilespmem:s30+$0x2810] =	vst v0  }
0x1f: {  	[tilespmem:s30+$0x2820] =	vst v0  }
0x20: {  	[tilespmem:s30+$0x2830] =	vst v0  }
0x21: {  	[tilespmem:s30+$0x2840] =	vst v0  }
0x22: {  	[tilespmem:s30+$0x2850] =	vst v0  }
0x23: {  	[tilespmem:s30+$0x2860] =	vst v0  }
0x24: {  	[spmem:s5] =	stream.linear.scatter [tilespmem:s19], [sflag:$0x3], $0x2800, $0x38;
	[tilespmem:$0x1E800] =	vst v63  }
0x25: {  	_ =	swait.ge [sflag:s20], $0x2800  }
0x26: {  	[sflag:s20] =	ssyncset.done $0x0  }
0x27: {  	s0 =	rddreg [dreg:$0x4];
	[sflag:s20] =	ssyncadd.s32 $0xFFFFD800  }
0x28: {  	[spmem:s0] =	stream.linear.scatter [tilespmem:s19], [sflag:$0x3], $0x2800, $0x38;
	[tilespmem:$0x1E800] =	vst v63  }
0x29: {  	_ =	swait.ge [sflag:s20], $0x2800  }
0x2a: {  	[sflag:s20] =	ssyncset.done $0x0  }
0x2b: {  	[sflag:s20] =	ssyncadd.s32 $0xFFFFD800  }
0x2c: {  	[spmem:s7] =	stream.linear.scatter [tilespmem:s19], [sflag:$0x3], $0x2800, $0x38;
	[tilespmem:$0x1E800] =	vst v63  }
0x2d: {  	_ =	swait.ge [sflag:s20], $0x2800  }
0x2e: {  	[sflag:s20] =	ssyncset.done $0x0  }
0x2f: {  	[sflag:s20] =	ssyncadd.s32 $0xFFFFD800  }
0x30: {  	[spmem:s8] =	stream.linear.scatter [tilespmem:s19], [sflag:$0x3], $0x2800, $0x38;
	[tilespmem:$0x1E800] =	vst v63  }
0x31: {  	_ =	swait.ge [sflag:s20], $0x2800  }
0x32: {  	[sflag:s20] =	ssyncset.done $0x0  }
0x33: {  	[sflag:s20] =	ssyncadd.s32 $0xFFFFD800  }
0x34: {  	[spmem:s9] =	stream.linear.scatter [tilespmem:s19], [sflag:$0x3], $0x2800, $0x38;
	[tilespmem:$0x1E800] =	vst v63  }
0x35: {  	_ =	swait.ge [sflag:s20], $0x2800  }
0x36: {  	[sflag:s20] =	ssyncset.done $0x0  }
0x37: {  	[sflag:s20] =	ssyncadd.s32 $0xFFFFD800  }
0x38: {  	[spmem:s10] =	stream.linear.scatter [tilespmem:s19], [sflag:$0x3], $0x2800, $0x38;
	[tilespmem:$0x1E800] =	vst v63  }
0x39: {  	_ =	swait.ge [sflag:s20], $0x2800  }
0x3a: {  	[sflag:s20] =	ssyncset.done $0x0  }
0x3b: {  	[sflag:s20] =	ssyncadd.s32 $0xFFFFD800  }
0x3c: {  	[spmem:s11] =	stream.linear.scatter [tilespmem:s19], [sflag:$0x3], $0x2800, $0x38;
	[tilespmem:$0x1E800] =	vst v63  }
0x3d: {  	_ =	swait.ge [sflag:s20], $0x2800  }
0x3e: {  	[sflag:s20] =	ssyncset.done $0x0  }
0x3f: {  	[sflag:s20] =	ssyncadd.s32 $0xFFFFD800  }
0x40: {  	[spmem:s12] =	stream.linear.scatter [tilespmem:s19], [sflag:$0x3], $0x2800, $0x38;
	[tilespmem:$0x1E800] =	vst v63  }
0x41: {  	_ =	swait.ge [sflag:s20], $0x2800  }
0x42: {  	[sflag:s20] =	ssyncset.done $0x0  }
0x43: {  	[sflag:s20] =	ssyncadd.s32 $0xFFFFD800  }
0x44: {  	s30 =	simm.s32 $0x0;
	[bflag:$0x0] =	sbarrier.arrive $0xFFFF  }
0x45: {  	[tilespmem:s30], [sflag:$0x3] =	stream.linear.gather [hbm4b:s13+s30], $0x1400, $0x38;
	[tilespmem:$0x1E800] =	vst v63  }
0x46: {  	_ =	swait.ge [sflag:s20], $0x1400  }
0x47: {  	[sflag:s20] =	ssyncset.done $0x0  }
0x48: {  	[sflag:s20] =	ssyncadd.s32 $0xFFFFEC00  }
0x49: {  	[tilespmem:s21], [sflag:$0x3] =	stream.linear.gather [hbm4b:s14+s30], $0x1400, $0x38;
	[tilespmem:$0x1E800] =	vst v63  }
0x4a: {  	_ =	swait.ge [sflag:s20], $0x1400  }
0x4b: {  	[sflag:s20] =	ssyncset.done $0x0  }
0x4c: {  	[sflag:s20] =	ssyncadd.s32 $0xFFFFEC00  }
0x4d: {  	[tilespmem:s19], [sflag:$0x1] =	stream.indirect.gather [hbm4b:s4+s22], $0x80, s30, s22, $0xb8;
	[tilespmem:$0x1E800] =	vst v63  }
0x4e: {  	s30 =	simm.s32 $0x80  }
0x4f: {  	[tilespmem:s23], [sflag:$0x2] =	stream.indirect.gather [hbm4b:s4+s22], $0x80, s30, s22, $0xb8;
	[tilespmem:$0x1E800] =	vst v63  }
0x50: {  	_ =	swait.ge [sflag:s24], $0x3E80  }
0x51: {  	[sflag:s24] =	ssyncset.done $0x0  }
0x52: {  	s30 =	simm.s32 $0x1400;
	[sflag:s24] =	ssyncadd.s32 $0xFFFFC180  }
0x53: {  	[spmem:s2] =	stream.indirect.scatter.add.f32 [tilespmem:s19], [sflag:$0x3], $0x80, s30, s22, $0xb8;
	[tilespmem:$0x1E800] =	vst v63  }
0x54: {  	_ =	swait.ge [sflag:s20], $0x3E80  }
0x55: {  	[sflag:s20] =	ssyncset.done $0x0  }
0x56: {  	s30 =	simm.s32 $0x100;
	[sflag:s20] =	ssyncadd.s32 $0xFFFFC180  }
0x57: {  	[tilespmem:s19], [sflag:$0x1] =	stream.indirect.gather [hbm4b:s4+s22], $0x80, s30, s22, $0xb8;
	[tilespmem:$0x1E800] =	vst v63  }
0x58: {  	_ =	swait.ge [sflag:s25], $0x3E80  }
0x59: {  	[sflag:s25] =	ssyncset.done $0x0  }
0x5a: {  	s30 =	simm.s32 $0x1480;
	[sflag:s25] =	ssyncadd.s32 $0xFFFFC180  }
0x5b: {  	[spmem:s2] =	stream.indirect.scatter.add.f32 [tilespmem:s23], [sflag:$0x3], $0x80, s30, s22, $0xb8;
	[tilespmem:$0x1E800] =	vst v63  }
0x5c: {  	_ =	swait.ge [sflag:s20], $0x3E80  }
0x5d: {  	s31 =	simm.s32 $0x800;
	s30 =	simm.s32 $0x100;
	[sflag:s20] =	ssyncset.done $0x0  }
.LBB2_4:
0x5e: {  	s0 =	sadd.s32 $0x80, s30  }
0x5f: {  	[sflag:s20] =	ssyncadd.s32 $0xFFFFC180;
	s1 =	smov.u32 s31;
	s6 =	sadd.s32 $0x400, s31  }
0x60: {  	[tilespmem:s23], [sflag:$0x2] =	stream.indirect.gather [hbm4b:s4+s22], $0x80, s0, s22, $0xb8;
	[tilespmem:$0x1E800] =	vst v63  }
0x61: {  	p0 =	sne.s32 s31, $0x4800;
	_ =	swait.ge [sflag:s24], $0x3E80  }
0x62: {  	[sflag:s24] =	ssyncset.done $0x0  }
0x63: {  	s0 =	sadd.s32 $0x1400, s30;
	[sflag:s24] =	ssyncadd.s32 $0xFFFFC180  }
0x64: {  	[spmem:s2] =	stream.indirect.scatter.add.f32 [tilespmem:s19], [sflag:$0x3], $0x80, s0, s22, $0xb8;
	[tilespmem:$0x1E800] =	vst v63  }
0x65: {  	_ =	swait.ge [sflag:s20], $0x3E80  }
0x66: {  	[sflag:s20] =	ssyncset.done $0x0  }
0x67: {  	s0 =	sadd.s32 $0x100, s30;
	[sflag:s20] =	ssyncadd.s32 $0xFFFFC180  }
0x68: {  	[tilespmem:s19], [sflag:$0x1] =	stream.indirect.gather [hbm4b:s4+s22], $0x80, s0, s22, $0xb8;
	[tilespmem:$0x1E800] =	vst v63  }
0x69: {  	_ =	swait.ge [sflag:s25], $0x3E80  }
.Ltmp1:
0x6a: {  	[sflag:s25] =	ssyncset.done $0x0;
	(pc) =	sbr.rel @p0 .LBB2_4-.Ltmp1, $4  }
0x6b: {  	s0 =	sadd.s32 $0x1480, s30;
	[sflag:s25] =	ssyncadd.s32 $0xFFFFC180  }
0x6c: {  	[spmem:s2] =	stream.indirect.scatter.add.f32 [tilespmem:s23], [sflag:$0x3], $0x80, s0, s22, $0xb8;
	[tilespmem:$0x1E800] =	vst v63  }
0x6d: {  	_ =	swait.ge [sflag:s20], $0x3E80  }
0x6e: {  	s31 =	smov.u32 s6;
	s30 =	sshra.s32 s1, $0x2;
	[sflag:s20] =	ssyncset.done $0x0  }
0x6f: {  	s0 =	sadd.s32 $0x80, s30;
	[sflag:s20] =	ssyncadd.s32 $0xFFFFC180  }
0x70: {  	[tilespmem:s23], [sflag:$0x2] =	stream.indirect.gather [hbm4b:s4+s22], $0x80, s0, s22, $0xb8;
	[tilespmem:$0x1E800] =	vst v63  }
0x71: {  	_ =	swait.ge [sflag:s24], $0x3E80  }
0x72: {  	[sflag:s24] =	ssyncset.done $0x0  }
0x73: {  	s1 =	sadd.s32 $0x1400, s30;
	[sflag:s24] =	ssyncadd.s32 $0xFFFFC180  }
0x74: {  	[spmem:s2] =	stream.indirect.scatter.add.f32 [tilespmem:s19], [sflag:$0x3], $0x80, s1, s22, $0xb8;
	[tilespmem:$0x1E800] =	vst v63  }
0x75: {  	_ =	swait.ge [sflag:s20], $0x3E80  }
0x76: {  	[sflag:s20] =	ssyncset.done $0x0  }
0x77: {  	s6 =	sadd.s32 $0x100, s30;
	[sflag:s20] =	ssyncadd.s32 $0xFFFFC180  }
0x78: {  	[tilespmem:s19], [sflag:$0x1] =	stream.indirect.gather [hbm4b:s4+s22], $0x80, s6, s22, $0xb8;
	[tilespmem:$0x1E800] =	vst v63  }
0x79: {  	_ =	swait.ge [sflag:s25], $0x3E80  }
0x7a: {  	[sflag:s25] =	ssyncset.done $0x0  }
0x7b: {  	s1 =	sadd.s32 $0x1480, s30;
	[sflag:s25] =	ssyncadd.s32 $0xFFFFC180  }
0x7c: {  	[spmem:s2] =	stream.indirect.scatter.add.f32 [tilespmem:s23], [sflag:$0x3], $0x80, s1, s22, $0xb8;
	[tilespmem:$0x1E800] =	vst v63  }
0x7d: {  	_ =	swait.ge [sflag:s20], $0x3E80  }
0x7e: {  	[sflag:s20] =	ssyncset.done $0x0  }
0x7f: {  	[sflag:s20] =	ssyncadd.s32 $0xFFFFC180  }
0x80: {  	[tilespmem:s23], [sflag:$0x2] =	stream.indirect.gather [hbm4b:s4+s22], $0x80, s26, s22, $0xb8;
	[tilespmem:$0x1E800] =	vst v63  }
0x81: {  	_ =	swait.ge [sflag:s24], $0x3E80  }
0x82: {  	[sflag:s24] =	ssyncset.done $0x0  }
0x83: {  	[sflag:s24] =	ssyncadd.s32 $0xFFFFC180  }
0x84: {  	[spmem:s2] =	stream.indirect.scatter.add.f32 [tilespmem:s19], [sflag:$0x3], $0x80, s28, s22, $0xb8;
	[tilespmem:$0x1E800] =	vst v63  }
0x85: {  	_ =	swait.ge [sflag:s20], $0x3E80  }
0x86: {  	[sflag:s20] =	ssyncset.done $0x0  }
0x87: {  	[sflag:s20] =	ssyncadd.s32 $0xFFFFC180  }
0x88: {  	_ =	swait.ge [sflag:s25], $0x3E80  }
0x89: {  	[sflag:s25] =	ssyncset.done $0x0  }
0x8a: {  	[sflag:s25] =	ssyncadd.s32 $0xFFFFC180  }
0x8b: {  	[spmem:s2] =	stream.indirect.scatter.add.f32 [tilespmem:s23], [sflag:$0x3], $0x80, s29, s22, $0xb8;
	[tilespmem:$0x1E800] =	vst v63  }
0x8c: {  	_ =	swait.ge [sflag:s20], $0x3E80  }
0x8d: {  	[sflag:s20] =	ssyncset.done $0x0  }
0x8e: {  	s6 =	simm.s32 $0x0;
	[sflag:s20] =	ssyncadd.s32 $0xFFFFC180  }
0x8f: {  	[tilespmem:s6], [sflag:$0x3] =	stream.linear.gather [hbm4b:s15+s6], $0x1400, $0x38;
	[tilespmem:$0x1E800] =	vst v63  }
0x90: {  	_ =	swait.ge [sflag:s20], $0x1400  }
0x91: {  	[sflag:s20] =	ssyncset.done $0x0  }
0x92: {  	[sflag:s20] =	ssyncadd.s32 $0xFFFFEC00  }
0x93: {  	[tilespmem:s21], [sflag:$0x3] =	stream.linear.gather [hbm4b:s16+s6], $0x1400, $0x38;
	[tilespmem:$0x1E800] =	vst v63  }
0x94: {  	_ =	swait.ge [sflag:s20], $0x1400  }
0x95: {  	[sflag:s20] =	ssyncset.done $0x0  }
0x96: {  	[sflag:s20] =	ssyncadd.s32 $0xFFFFEC00  }
0x97: {  	[tilespmem:s19], [sflag:$0x1] =	stream.indirect.gather [hbm4b:s4+s22], $0x80, s6, s22, $0xb8;
	[tilespmem:$0x1E800] =	vst v63  }
0x98: {  	s1 =	simm.s32 $0x80  }
0x99: {  	[tilespmem:s23], [sflag:$0x2] =	stream.indirect.gather [hbm4b:s4+s22], $0x80, s1, s22, $0xb8;
	[tilespmem:$0x1E800] =	vst v63  }
0x9a: {  	_ =	swait.ge [sflag:s24], $0x3E80  }
0x9b: {  	[sflag:s24] =	ssyncset.done $0x0  }
0x9c: {  	s6 =	simm.s32 $0x1400;
	[sflag:s24] =	ssyncadd.s32 $0xFFFFC180  }
0x9d: {  	[spmem:s2] =	stream.indirect.scatter.add.f32 [tilespmem:s19], [sflag:$0x3], $0x80, s6, s22, $0xb8;
	[tilespmem:$0x1E800] =	vst v63  }
0x9e: {  	_ =	swait.ge [sflag:s20], $0x3E80  }
0x9f: {  	[sflag:s20] =	ssyncset.done $0x0  }
0xa0: {  	s1 =	simm.s32 $0x100;
	[sflag:s20] =	ssyncadd.s32 $0xFFFFC180  }
0xa1: {  	[tilespmem:s19], [sflag:$0x1] =	stream.indirect.gather [hbm4b:s4+s22], $0x80, s1, s22, $0xb8;
	[tilespmem:$0x1E800] =	vst v63  }
0xa2: {  	_ =	swait.ge [sflag:s25], $0x3E80  }
0xa3: {  	[sflag:s25] =	ssyncset.done $0x0  }
0xa4: {  	s6 =	simm.s32 $0x1480;
	[sflag:s25] =	ssyncadd.s32 $0xFFFFC180  }
0xa5: {  	[spmem:s2] =	stream.indirect.scatter.add.f32 [tilespmem:s23], [sflag:$0x3], $0x80, s6, s22, $0xb8;
	[tilespmem:$0x1E800] =	vst v63  }
0xa6: {  	_ =	swait.ge [sflag:s20], $0x3E80  }
0xa7: {  	s31 =	simm.s32 $0x800;
	s30 =	simm.s32 $0x100;
	[sflag:s20] =	ssyncset.done $0x0  }
.LBB2_6:
0xa8: {  	s0 =	sadd.s32 $0x80, s30  }
0xa9: {  	[sflag:s20] =	ssyncadd.s32 $0xFFFFC180;
	s1 =	smov.u32 s31;
	s6 =	sadd.s32 $0x400, s31  }
0xaa: {  	[tilespmem:s23], [sflag:$0x2] =	stream.indirect.gather [hbm4b:s4+s22], $0x80, s0, s22, $0xb8;
	[tilespmem:$0x1E800] =	vst v63  }
0xab: {  	p0 =	sne.s32 s31, $0x4800;
	_ =	swait.ge [sflag:s24], $0x3E80  }
0xac: {  	[sflag:s24] =	ssyncset.done $0x0  }
0xad: {  	s0 =	sadd.s32 $0x1400, s30;
	[sflag:s24] =	ssyncadd.s32 $0xFFFFC180  }
0xae: {  	[spmem:s2] =	stream.indirect.scatter.add.f32 [tilespmem:s19], [sflag:$0x3], $0x80, s0, s22, $0xb8;
	[tilespmem:$0x1E800] =	vst v63  }
0xaf: {  	_ =	swait.ge [sflag:s20], $0x3E80  }
0xb0: {  	[sflag:s20] =	ssyncset.done $0x0  }
0xb1: {  	s0 =	sadd.s32 $0x100, s30;
	[sflag:s20] =	ssyncadd.s32 $0xFFFFC180  }
0xb2: {  	[tilespmem:s19], [sflag:$0x1] =	stream.indirect.gather [hbm4b:s4+s22], $0x80, s0, s22, $0xb8;
	[tilespmem:$0x1E800] =	vst v63  }
0xb3: {  	_ =	swait.ge [sflag:s25], $0x3E80  }
.Ltmp2:
0xb4: {  	[sflag:s25] =	ssyncset.done $0x0;
	(pc) =	sbr.rel @p0 .LBB2_6-.Ltmp2, $4  }
0xb5: {  	s0 =	sadd.s32 $0x1480, s30;
	[sflag:s25] =	ssyncadd.s32 $0xFFFFC180  }
0xb6: {  	[spmem:s2] =	stream.indirect.scatter.add.f32 [tilespmem:s23], [sflag:$0x3], $0x80, s0, s22, $0xb8;
	[tilespmem:$0x1E800] =	vst v63  }
0xb7: {  	_ =	swait.ge [sflag:s20], $0x3E80  }
0xb8: {  	s31 =	smov.u32 s6;
	s30 =	sshra.s32 s1, $0x2;
	[sflag:s20] =	ssyncset.done $0x0  }
0xb9: {  	s0 =	sadd.s32 $0x80, s30;
	[sflag:s20] =	ssyncadd.s32 $0xFFFFC180  }
0xba: {  	[tilespmem:s23], [sflag:$0x2] =	stream.indirect.gather [hbm4b:s4+s22], $0x80, s0, s22, $0xb8;
	[tilespmem:$0x1E800] =	vst v63  }
0xbb: {  	_ =	swait.ge [sflag:s24], $0x3E80  }
0xbc: {  	[sflag:s24] =	ssyncset.done $0x0  }
0xbd: {  	s1 =	sadd.s32 $0x1400, s30;
	[sflag:s24] =	ssyncadd.s32 $0xFFFFC180  }
0xbe: {  	[spmem:s2] =	stream.indirect.scatter.add.f32 [tilespmem:s19], [sflag:$0x3], $0x80, s1, s22, $0xb8;
	[tilespmem:$0x1E800] =	vst v63  }
0xbf: {  	_ =	swait.ge [sflag:s20], $0x3E80  }
0xc0: {  	[sflag:s20] =	ssyncset.done $0x0  }
0xc1: {  	s6 =	sadd.s32 $0x100, s30;
	[sflag:s20] =	ssyncadd.s32 $0xFFFFC180  }
0xc2: {  	[tilespmem:s19], [sflag:$0x1] =	stream.indirect.gather [hbm4b:s4+s22], $0x80, s6, s22, $0xb8;
	[tilespmem:$0x1E800] =	vst v63  }
0xc3: {  	_ =	swait.ge [sflag:s25], $0x3E80  }
0xc4: {  	[sflag:s25] =	ssyncset.done $0x0  }
0xc5: {  	s30 =	sadd.s32 $0x1480, s30;
	[sflag:s25] =	ssyncadd.s32 $0xFFFFC180  }
0xc6: {  	[spmem:s2] =	stream.indirect.scatter.add.f32 [tilespmem:s23], [sflag:$0x3], $0x80, s30, s22, $0xb8;
	[tilespmem:$0x1E800] =	vst v63  }
0xc7: {  	_ =	swait.ge [sflag:s20], $0x3E80  }
0xc8: {  	[sflag:s20] =	ssyncset.done $0x0  }
0xc9: {  	[sflag:s20] =	ssyncadd.s32 $0xFFFFC180  }
0xca: {  	[tilespmem:s23], [sflag:$0x2] =	stream.indirect.gather [hbm4b:s4+s22], $0x80, s26, s22, $0xb8;
	[tilespmem:$0x1E800] =	vst v63  }
0xcb: {  	_ =	swait.ge [sflag:s24], $0x3E80  }
0xcc: {  	[sflag:s24] =	ssyncset.done $0x0  }
0xcd: {  	[sflag:s24] =	ssyncadd.s32 $0xFFFFC180  }
0xce: {  	[spmem:s2] =	stream.indirect.scatter.add.f32 [tilespmem:s19], [sflag:$0x3], $0x80, s28, s22, $0xb8;
	[tilespmem:$0x1E800] =	vst v63  }
0xcf: {  	_ =	swait.ge [sflag:s20], $0x3E80  }
0xd0: {  	[sflag:s20] =	ssyncset.done $0x0  }
0xd1: {  	[sflag:s20] =	ssyncadd.s32 $0xFFFFC180  }
0xd2: {  	_ =	swait.ge [sflag:s25], $0x3E80  }
0xd3: {  	[sflag:s25] =	ssyncset.done $0x0  }
0xd4: {  	[sflag:s25] =	ssyncadd.s32 $0xFFFFC180  }
0xd5: {  	[spmem:s2] =	stream.indirect.scatter.add.f32 [tilespmem:s23], [sflag:$0x3], $0x80, s29, s22, $0xb8;
	[tilespmem:$0x1E800] =	vst v63  }
0xd6: {  	s31 =	stileid.u32;
	_ =	swait.ge [sflag:s20], $0x3E80  }
0xd7: {  	s3 =	sadd.s32 $0x1, s3;
	s0 =	sshll.u32 s31, $0x6;
	[sflag:s20] =	ssyncset.done $0x0  }
0xd8: {  	p0 =	sne.s32 s3, s18;
	s0 =	sor.u32 $0x1C03, s0;
	[sflag:s20] =	ssyncadd.s32 $0xFFFFC180  }
.Ltmp3:
0xd9: {  	s1 =	sshrl.u32 s5, $0x3;
	[bflag:$0x0] =	sbarrier.arrive $0xFFFF;
	(pc) =	sbr.rel @p0 .LBB2_1-.Ltmp3, $4  }
0xda: {  	[hbm:s17], [sflag:s0] =	dma.local [spmem:s1], $0x2800  }
0xdb: {  	_ =	swait.ge [sflag:s20], $0x2800  }
0xdc: {  	[sflag:s20] =	ssyncset.done $0x0  }
0xdd: {  	[sflag:s20] =	ssyncadd.s32 $0xFFFFD800  }
0xde: {  	_ =	sfence.sel $0x180000  }
0xdf: {  	[bflag:$0x0] =	sbarrier.arrive $0xFFFF  }
0xe0: {  	_ =	strace $0x9000004A  }
0xe1: {  	s0 =	stileid.u32;
	[bflag:$0x2] =	sbarrier.arrive $0xFFFF  }
0xe2: {  	p0 =	sne.s32 s0, $0x0;
	s0 =	rddreg [dreg:$0x3]  }
0xe3: {  	s0 =	sadd.s32 @!p0 $0x100000, s0  }
0xe4: {  	[sflag:s0] =	ssyncadd.tile.s32 @!p0 $0x1;
	_ =	shalt  }
.Lfunc_end2:
_tile_overlayer_lowered:
.L_overlay_start_2:
0xe5: {  	(tag) =	ssettag $0x2  }
0xe6: {  	s0 =	rddreg [dreg:$0x0];
	s2 =	stileid.u32  }
0xe7: {  	s1 =	rddreg [dreg:$0x1];
	p0 =	sne.s32 s2, $0x0  }
0xe8: {  	s3 =	rddreg [dreg:$0x2];
	[bflag:$0x3] =	sbarrier.arrive $0xFFFF;
	s2 =	simm.s32 @!p0 $0x1C03  }
0xe9: {  	[timem:s3], [sflag:s2] =	dma.local @!p0 [hbm:s0], s1  }
0xea: {  	s0 =	simm.s32 @!p0 $0x3  }
0xeb: {  	_ =	swait.ge @!p0 [sflag:s0], s1  }
0xec: {  	s1 =	ssub.s32 @!p0 $0x0, s1;
	[sflag:s0] =	ssyncset.done @!p0 $0x0  }
0xed: {  	[sflag:s0] =	ssyncadd.s32 @!p0 s1  }
0xee: {  	[bflag:$0x3] =	sbarrier.arrive $0xFFFF  }
0xef: {  	_ =	shalt  }

// kernel: kernel.14.cloned.1.call-start
scs
__scs_entry_jumppad:
0x0: {  	(pc) =	sbr.rel $0x88, $3  }
0x1: {  	(tag) =	ssettag $0x0;
	lr =	simm.s32 $0x1  }
0x2: {  	[smem:$0x3F9B] =	sst lr;
	_ =	strace $0xD0000000  }
0x3: {  	_ = 	snop  }
0x4: {  	_ = 	snop  }
0x5: {  	_ = 	snop  }
0x6: {  	_ = 	snop  }
0x7: {  	_ = 	snop  }
__scs_overlays_trampoline_lowered:
0x8: {  	[smem:$0x3FAA] =	sst s0  }
0x9: {  	[smem:$0x3FAB] =	sst s1  }
0xa: {  	[smem:$0x3FAC] =	sst s2  }
0xb: {  	[smem:$0x3FAD] =	sst s3  }
0xc: {  	[smem:$0x3FAE] =	sst s4  }
0xd: {  	[smem:$0x3FAF] =	sst s5  }
0xe: {  	[smem:$0x3FB0] =	sst s6  }
0xf: {  	[smem:$0x3FB1] =	sst s7  }
0x10: {  	[smem:$0x3FB2] =	sst s8  }
0x11: {  	[smem:$0x3FB3] =	sst s9;
	s0 =	simm.s32 @!p0 $0x0  }
0x12: {  	s1 =	sld [smem:$0x3F99];
	s0 =	simm.s32 @p0 $0x1  }
0x13: {  	[smem:$0x3FB4] =	sst s0;
	s0 =	simm.s32 @!p1 $0x0  }
0x14: {  	s2 =	sld [smem:$0x3F98];
	s0 =	simm.s32 @p1 $0x1  }
0x15: {  	[smem:$0x3FB5] =	sst s0;
	s0 =	simm.s32 @!p2 $0x0  }
0x16: {  	s3 =	sld [smem:$0x3FDB];
	s0 =	simm.s32 @p2 $0x1  }
0x17: {  	s4 =	simm.s32 $0x1BF5;
	[smem:$0x3FB7] =	sst s0  }
0x18: {  	s0 =	sld [smem:$0x3F9A];
	_ =	swait.ge [sflag:s4], $0x0  }
0x19: {  	s7 =	sld [smem:$0x3F9B]  }
0x1a: {  	s8 =	sadd.s32 $0xFFFFE003, lr  }
0x1b: {  	s9 =	sadd.s32 $0xFFFFFEF7, lr;
	s5 =	simm.s32 $0xFFFFFFFF;
	p2 =	slt.u32 s8, $0xFFFFF086  }
0x1c: {  	p1 =	slt.u32 s9, $0xF7A;
	s5 =	simm.s32 @!p2 $0x0  }
0x1d: {  	s5 =	simm.s32 @p1 $0x1;
	p0 =	seq.s32 s7, s2  }
0x1e: {  	s7 =	smul.u32 @!p0 $0xF7A, s2;
	p2 =	seq.s32 @!p0 s5, $0x0  }
0x1f: {  	s9 =	smul.u32 $0xF7A, s1;
	s8 =	simm.s32 @!p0 $0x1BF5;
	p2 =	por !p2, p0  }
0x20: {  	[sflag:s8] =	ssyncset.s32 @!p0 $0xFFFFF086;
	s6 =	sadd.s32 @!p0 s3, s7;
	s7 =	simm.s32 @!p0 $0x108  }
0x21: {  	s3 =	sadd.s32 s3, s9;
	s6 =	sadd.s32 @!p0 $0x88, s6;
	s7 =	simm.s32 @p2 $0x1082  }
0x22: {  	[simem:s7], [sflag:s8] =	dma.local @!p0 [hbm:s6], $0xF7A  }
0x23: {  	s9 =	sor.u32 $0xD0000000, s2;
	s6 =	simm.s32 $0x108;
	_ =	swait.ge @!p0 [sflag:s8], $0x0  }
0x24: {  	s3 =	sadd.s32 $0x88, s3;
	s6 =	simm.s32 @!p1 $0x1082;
	[sflag:s4] =	ssyncset.s32 $0xFFFFF086  }
0x25: {  	[simem:s6], [sflag:s4] =	dma.local [hbm:s3], $0xF7A  }
0x26: {  	[smem:$0x3F9B] =	sst s1;
	(tag) =	ssettag s2;
	_ =	strace s9  }
0x27: {  	s1 =	sld [smem:$0x3FAB]  }
0x28: {  	s2 =	sld [smem:$0x3FAC]  }
0x29: {  	s4 =	sld [smem:$0x3FAE]  }
0x2a: {  	p0 =	seq.s32 s5, $0x0;
	s5 =	sld [smem:$0x3FAF]  }
0x2b: {  	s6 =	sld [smem:$0x3FB0]  }
0x2c: {  	s7 =	sld [smem:$0x3FB1]  }
0x2d: {  	s3 =	simm.s32 $0x108;
	s8 =	sld [smem:$0x3FB2]  }
0x2e: {  	s3 =	simm.s32 @!p0 $0x1082;
	s9 =	sld [smem:$0x3FB3]  }
0x2f: {  	lr =	sadd.s32 s0, s3;
	s0 =	sld [smem:$0x3FAA]  }
0x30: {  	s3 =	sld [smem:$0x3FAD]  }
0x31: {  	[smem:$0x3FB6] =	sst s10  }
0x32: {  	s10 =	sld [smem:$0x3FB4];
	_ =	sdelay $0x3  }
0x33: {  	p0 =	seq.s32 s10, $0x1;
	s10 =	sld [smem:$0x3FB6];
	_ =	sdelay $0x3  }
0x34: {  	[smem:$0x3FB6] =	sst s10  }
0x35: {  	s10 =	sld [smem:$0x3FB5];
	_ =	sdelay $0x3  }
0x36: {  	p1 =	seq.s32 s10, $0x1;
	s10 =	sld [smem:$0x3FB6];
	_ =	sdelay $0x3  }
0x37: {  	[smem:$0x3FB6] =	sst s10  }
0x38: {  	s10 =	sld [smem:$0x3FB7]  }
0x39: {  	_ = 	snop;
	(pc) =	sbr.ind lr, $3  }
0x3a: {  	_ = 	snop  }
0x3b: {  	_ = 	snop  }
0x3c: {  	p2 =	seq.s32 s10, $0x1;
	s10 =	sld [smem:$0x3FB6]  }
0x3d: {  	_ =	shalt  }
0x3e: {  	_ =	shalt  }
0x3f: {  	_ =	shalt  }
0x40: {  	_ =	shalt  }
0x41: {  	_ =	shalt  }
0x42: {  	_ =	shalt  }
0x43: {  	_ =	shalt  }
0x44: {  	_ =	shalt  }
0x45: {  	_ =	shalt  }
0x46: {  	_ =	shalt  }
0x47: {  	_ =	shalt  }
0x48: {  	_ =	shalt  }
0x49: {  	_ =	shalt  }
0x4a: {  	_ =	shalt  }
0x4b: {  	_ =	shalt  }
0x4c: {  	_ =	shalt  }
0x4d: {  	_ =	shalt  }
0x4e: {  	_ =	shalt  }
0x4f: {  	_ =	shalt  }
0x50: {  	_ =	shalt  }
0x51: {  	_ =	shalt  }
0x52: {  	_ =	shalt  }
0x53: {  	_ =	shalt  }
0x54: {  	_ =	shalt  }
0x55: {  	_ =	shalt  }
0x56: {  	_ =	shalt  }
0x57: {  	_ =	shalt  }
0x58: {  	_ =	shalt  }
0x59: {  	_ =	shalt  }
0x5a: {  	_ =	shalt  }
0x5b: {  	_ =	shalt  }
0x5c: {  	_ =	shalt  }
0x5d: {  	_ =	shalt  }
0x5e: {  	_ =	shalt  }
0x5f: {  	_ =	shalt  }
0x60: {  	_ =	shalt  }
0x61: {  	_ =	shalt  }
0x62: {  	_ =	shalt  }
0x63: {  	_ =	shalt  }
0x64: {  	_ =	shalt  }
0x65: {  	_ =	shalt  }
0x66: {  	_ =	shalt  }
0x67: {  	_ =	shalt  }
0x68: {  	_ =	shalt  }
0x69: {  	_ =	shalt  }
0x6a: {  	_ =	shalt  }
0x6b: {  	_ =	shalt  }
0x6c: {  	_ =	shalt  }
0x6d: {  	_ =	shalt  }
0x6e: {  	_ =	shalt  }
0x6f: {  	_ =	shalt  }
0x70: {  	_ =	shalt  }
0x71: {  	_ =	shalt  }
0x72: {  	_ =	shalt  }
0x73: {  	_ =	shalt  }
0x74: {  	_ =	shalt  }
0x75: {  	_ =	shalt  }
0x76: {  	_ =	shalt  }
0x77: {  	_ =	shalt  }
0x78: {  	_ =	shalt  }
0x79: {  	_ =	shalt  }
0x7a: {  	_ =	shalt  }
0x7b: {  	_ =	shalt  }
0x7c: {  	_ =	shalt  }
0x7d: {  	_ =	shalt  }
0x7e: {  	_ =	shalt  }
0x7f: {  	_ =	shalt  }
0x80: {  	_ =	shalt  }
0x81: {  	_ =	shalt  }
0x82: {  	_ =	shalt  }
0x83: {  	_ =	shalt  }
0x84: {  	_ =	shalt  }
0x85: {  	_ =	shalt  }
0x86: {  	_ =	shalt  }
0x87: {  	_ =	shalt  }
.Lfunc_end0:
.L_simem_size_0:
called_computation.2_lowered:
.L_overlay_start_0:
0x88: {  	s2 =	sld [smem:$0x3FD9]  }
0x89: {  	s3 =	sld [smem:$0x3FFE];
	_ =	sdelay $0x1  }
0x8a: {  	s1 =	srdreg.scid  }
0x8b: {  	s0 =	sand.u32 $0x1, s1  }
0x8c: {  	s17 =	sshll.u32 s0, $0xA;
	s2 =	sadd.s32 s3, s2  }
0x8d: {  	s2 =	sadd.s32 s2, s17  }
0x8e: {  	[smem:$0x3FC2] =	sst s2  }
0x8f: {  	_ = 	snop  }
0x90: {  	s2 =	sld [smem:$0x3FD0];
	(tm) =	ssettm $0x1  }
0x91: {  	s18 =	sld [smem:$0x3FFB];
	_ =	sdelay $0x3  }
0x92: {  	_ =	strace s18  }
0x93: {  	s3 =	sld [smem:$0x3FFC];
	_ =	sdelay $0x3  }
0x94: {  	_ =	strace s3  }
0x95: {  	s3 =	sld [smem:$0x3FFD];
	_ =	sdelay $0x3  }
0x96: {  	_ =	strace s3  }
0x97: {  	_ =	strace $0x8FFFFFFF  }
0x98: {  	s19 =	sld [smem:$0x3FDB];
	_ =	sdelay $0x1  }
0x99: {  	s4 =	simm.s32 $_scs_section_size  }
0x9a: {  	s5 =	simm.s32 $_size__tile_overlayer_lowered;
	s6 =	simm.s32 $_tile_overlayer_lowered  }
0x9b: {  	s22 =	simm.s32 $0x1BFF;
	s21 =	sshll.u32 s6, $0x1;
	s3 =	sadd.s32 s4, s19  }
0x9c: {  	s7 =	simm.s32 $0x0;
	s20 =	sshll.u32 s5, $0x1;
	s5 =	sadd.s32 s21, s3  }
0x9d: {  	[timem:s7], [sflag:s22] =	dma.local [hbm:s5], s20  }
0x9e: {  	_ =	swait.ge [sflag:s22], s20  }
0x9f: {  	s4 =	ssub.s32 $0x0, s20;
	[sflag:s22] =	ssyncset.done $0x0  }
0xa0: {  	[sflag:s22] =	ssyncadd.s32 s4;
	_ =	sdelay $0x1  }
0xa1: {  	s23 =	simm.s32 $0x1B8B  }
0xa2: {  	_ =	swait.ge [sflag:s23], $0x1  }
0xa3: {  	[sflag:s23] =	ssyncset.done $0x0  }
0xa4: {  	s25 =	simm.s32 $0x1B8E;
	s24 =	sld [smem:$0x3FFE];
	[sflag:s23] =	ssyncadd.s32 $0xFFFFFFFF  }
0xa5: {  	s26 =	simm.s32 $execute0_lowered;
	[smem:$0x3FD2] =	sst s25  }
0xa6: {  	s5 =	sshll.u32 s26, $0x1;
	_ =	strace $0x8000004C;
	[dreg:$0x1] =	wrdreg $0xFFFFFFFF  }
0xa7: {  	s28 =	simm.s32 $_size_execute0_lowered;
	s3 =	sadd.s32 s3, s5;
	[dreg:$0x0] =	wrdreg $0x0  }
0xa8: {  	s5 =	sshll.u32 s28, $0x1;
	[dreg:$0x2] =	wrdreg s3  }
0xa9: {  	[dreg:$0x3] =	wrdreg s5  }
0xaa: {  	[dreg:$0x4] =	wrdreg $0xC0  }
0xab: {  	_ =	task [dreg:s7], $0x5FFFF  }
0xac: {  	[dreg:$0x1] =	wrdreg $0xFFFFFFFF  }
0xad: {  	[dreg:$0x0] =	wrdreg $0x60  }
0xae: {  	[dreg:$0x2] =	wrdreg s24  }
0xaf: {  	[dreg:$0x3] =	wrdreg s2  }
0xb0: {  	[dreg:$0x4] =	wrdreg $0xA8000  }
0xb1: {  	[dreg:$0x5] =	wrdreg $0x9  }
0xb2: {  	_ =	task.clear_ibuf [dreg:s7], $0x6FFFF;
	_ =	strace $0x9000004C  }
0xb3: {  	s29 =	simm.s32 $0x9;
	_ =	strace $0x8000004E  }
0xb4: {  	_ =	swait.ge [sflag:s29], $0x1  }
0xb5: {  	[sflag:s29] =	ssyncadd.s32 $0xFFFFFFFF  }
0xb6: {  	_ =	strace $0x9000004E  }
0xb7: {  	_ =	sfence  }
0xb8: {  	s30 =	sld [smem:$0x0];
	_ =	sdelay $0x2  }
0xb9: {  	s31 =	sshll.u32 s1, $0xD;
	s1 =	sshrl.u32 s1, $0x2  }
0xba: {  	s3 =	sand.u32 $0x4000, s31;
	s1 =	sadd.s32 s1, s30  }
0xbb: {  	s0 =	sor.u32 s3, s0;
	s1 =	sshll.u32 s1, $0x11  }
0xbc: {  	s0 =	sor.u32 s1, s0  }
0xbd: {  	s0 =	sadd.s32 $0x8F2B, s0  }
0xbe: {  	[sflag:s0] =	ssyncadd.remote.s32 $0x1  }
0xbf: {  	_ =	sfence.sel $0xFFFF  }
0xc0: {  	[dreg:$0x0] =	wrdreg $0xFFFFFFFF;
	(pc) =	sbr.abs _section_cstart, $3  }
0xc1: {  	[dreg:$0x1] =	wrdreg $0xFFFFFFFF  }
0xc2: {  	_ =	task.clear_ibuf [dreg:s7], $0x2FFFF;
	_ =	strace $0x9FFFFFFF  }
0xc3: {  	(tm) =	ssettm $0x7FFFFFFF  }
tec
execute0_lowered:
.L_overlay_start_1:
0x0: {  	(tag) =	ssettag $0x1  }
0x1: {  	s5 =	rddreg [dreg:$0x0]  }
0x2: {  	s13 =	rddreg [dreg:$0x1]  }
0x3: {  	s0 =	srdreg.scid;
	s2 =	rddreg [dreg:$0x2]  }
0x4: {  	s25 =	stileid.u32;
	s3 =	simm.s32 $0x0;
	s19 =	simm.s32 $0x2800  }
0x5: {  	s20 =	simm.s32 $0x3;
	s21 =	simm.s32 $0x1400;
	s22 =	simm.s32 $0x7D  }
0x6: {  	s23 =	simm.s32 $0x6800;
	s24 =	simm.s32 $0x1;
	s7 =	smul.u32 $0x14000, s25  }
0x7: {  	s28 =	simm.s32 $0x2700;
	s6 =	sand.u32 $0x1, s0;
	s8 =	smul.u32 $0x50000, s25  }
0x8: {  	s29 =	simm.s32 $0x2780;
	[smem:$0x7FF] =	sst s3;
	s4 =	smul.u32 $0x140000, s6  }
0x9: {  	_ =	strace $0x8000004D;
	s26 =	ssub.s32 $0x2, s6;
	s6 =	sshll.u32 s6, $0x4  }
0xa: {  	s30 =	sshrl.u32 s26, $0x1;
	s6 =	sor.u32 s25, s6;
	s8 =	sshrl.u32 s8, $0x2  }
0xb: {  	s25 =	simm.s32 $0x2;
	s7 =	sadd.s32 s7, s4;
	s4 =	sadd.s32 $0x2A00, s5  }
0xc: {  	s18 =	ssub.s32 s26, s30;
	s11 =	smul.u32 $0x2800, s6;
	s7 =	sshrl.u32 s7, $0x3  }
0xd: {  	s26 =	simm.s32 $0x1380;
	s17 =	sadd.s32 s7, s5;
	s5 =	sadd.s32 s8, s2  }
0xe: {  	s18 =	smax.u32 s18, $0x1;
	s14 =	sshrl.u32 s11, $0x3;
	s31 =	sadd.s32 $0x2800, s5  }
0xf: {  	s7 =	sadd.s32 $0x5000, s5;
	s8 =	sadd.s32 $0x7800, s5;
	s9 =	sadd.s32 $0xA000, s5  }
0x10: {  	s10 =	sadd.s32 $0xC800, s5;
	s11 =	sadd.s32 $0xF000, s5;
	s12 =	sadd.s32 $0x11800, s5  }
0x11: {  	s13 =	sadd.s32 s13, s14;
	s17 =	sadd.s32 $0x2AA00, s17;
	[dreg:$0x4] =	wrdreg s31  }
0x12: {  	v0 =	vimm.f32 $0.0e+00;
	s14 =	sadd.s32 $0xA000, s13;
	s15 =	sadd.s32 $0x280, s13;
	s16 =	sadd.s32 $0xA280, s13  }
.LBB2_1:
0x13: {  	s30 =	simm.s32 $0x0;
	s31 =	simm.s32 $0x200  }
.LBB2_2:
0x14: {  	p0 =	sne.s32 s31, $0x9E00;
	[tilespmem:s30+$0x2870] =	vst v0  }
0x15: {  	[tilespmem:s30+$0x2800] =	vst v0  }
0x16: {  	[tilespmem:s30+$0x2810] =	vst v0  }
.Ltmp0:
0x17: {  	[tilespmem:s30+$0x2820] =	vst v0;
	(pc) =	sbr.rel @p0 .LBB2_2-.Ltmp0, $4  }
0x18: {  	[tilespmem:s30+$0x2830] =	vst v0  }
0x19: {  	[tilespmem:s30+$0x2840] =	vst v0  }
0x1a: {  	[tilespmem:s30+$0x2850] =	vst v0  }
0x1b: {  	[tilespmem:s30+$0x2860] =	vst v0;
	s30 =	sshra.s32 s31, $0x2;
	s31 =	sadd.s32 $0x200, s31  }
0x1c: {  	[tilespmem:s30+$0x2870] =	vst v0  }
0x1d: {  	[tilespmem:s30+$0x2800] =	vst v0  }
0x1e: {  	[tilespmem:s30+$0x2810] =	vst v0  }
0x1f: {  	[tilespmem:s30+$0x2820] =	vst v0  }
0x20: {  	[tilespmem:s30+$0x2830] =	vst v0  }
0x21: {  	[tilespmem:s30+$0x2840] =	vst v0  }
0x22: {  	[tilespmem:s30+$0x2850] =	vst v0  }
0x23: {  	[tilespmem:s30+$0x2860] =	vst v0  }
0x24: {  	[spmem:s5] =	stream.linear.scatter [tilespmem:s19], [sflag:$0x3], $0x2800, $0x38;
	[tilespmem:$0x1E800] =	vst v63  }
0x25: {  	_ =	swait.ge [sflag:s20], $0x2800  }
0x26: {  	[sflag:s20] =	ssyncset.done $0x0  }
0x27: {  	s0 =	rddreg [dreg:$0x4];
	[sflag:s20] =	ssyncadd.s32 $0xFFFFD800  }
0x28: {  	[spmem:s0] =	stream.linear.scatter [tilespmem:s19], [sflag:$0x3], $0x2800, $0x38;
	[tilespmem:$0x1E800] =	vst v63  }
0x29: {  	_ =	swait.ge [sflag:s20], $0x2800  }
0x2a: {  	[sflag:s20] =	ssyncset.done $0x0  }
0x2b: {  	[sflag:s20] =	ssyncadd.s32 $0xFFFFD800  }
0x2c: {  	[spmem:s7] =	stream.linear.scatter [tilespmem:s19], [sflag:$0x3], $0x2800, $0x38;
	[tilespmem:$0x1E800] =	vst v63  }
0x2d: {  	_ =	swait.ge [sflag:s20], $0x2800  }
0x2e: {  	[sflag:s20] =	ssyncset.done $0x0  }
0x2f: {  	[sflag:s20] =	ssyncadd.s32 $0xFFFFD800  }
0x30: {  	[spmem:s8] =	stream.linear.scatter [tilespmem:s19], [sflag:$0x3], $0x2800, $0x38;
	[tilespmem:$0x1E800] =	vst v63  }
0x31: {  	_ =	swait.ge [sflag:s20], $0x2800  }
0x32: {  	[sflag:s20] =	ssyncset.done $0x0  }
0x33: {  	[sflag:s20] =	ssyncadd.s32 $0xFFFFD800  }
0x34: {  	[spmem:s9] =	stream.linear.scatter [tilespmem:s19], [sflag:$0x3], $0x2800, $0x38;
	[tilespmem:$0x1E800] =	vst v63  }
0x35: {  	_ =	swait.ge [sflag:s20], $0x2800  }
0x36: {  	[sflag:s20] =	ssyncset.done $0x0  }
0x37: {  	[sflag:s20] =	ssyncadd.s32 $0xFFFFD800  }
0x38: {  	[spmem:s10] =	stream.linear.scatter [tilespmem:s19], [sflag:$0x3], $0x2800, $0x38;
	[tilespmem:$0x1E800] =	vst v63  }
0x39: {  	_ =	swait.ge [sflag:s20], $0x2800  }
0x3a: {  	[sflag:s20] =	ssyncset.done $0x0  }
0x3b: {  	[sflag:s20] =	ssyncadd.s32 $0xFFFFD800  }
0x3c: {  	[spmem:s11] =	stream.linear.scatter [tilespmem:s19], [sflag:$0x3], $0x2800, $0x38;
	[tilespmem:$0x1E800] =	vst v63  }
0x3d: {  	_ =	swait.ge [sflag:s20], $0x2800  }
0x3e: {  	[sflag:s20] =	ssyncset.done $0x0  }
0x3f: {  	[sflag:s20] =	ssyncadd.s32 $0xFFFFD800  }
0x40: {  	[spmem:s12] =	stream.linear.scatter [tilespmem:s19], [sflag:$0x3], $0x2800, $0x38;
	[tilespmem:$0x1E800] =	vst v63  }
0x41: {  	_ =	swait.ge [sflag:s20], $0x2800  }
0x42: {  	[sflag:s20] =	ssyncset.done $0x0  }
0x43: {  	[sflag:s20] =	ssyncadd.s32 $0xFFFFD800  }
0x44: {  	s30 =	simm.s32 $0x0;
	[bflag:$0x0] =	sbarrier.arrive $0xFFFF  }
0x45: {  	[tilespmem:s30], [sflag:$0x3] =	stream.linear.gather [hbm4b:s13+s30], $0x1400, $0x38;
	[tilespmem:$0x1E800] =	vst v63  }
0x46: {  	_ =	swait.ge [sflag:s20], $0x1400  }
0x47: {  	[sflag:s20] =	ssyncset.done $0x0  }
0x48: {  	[sflag:s20] =	ssyncadd.s32 $0xFFFFEC00  }
0x49: {  	[tilespmem:s21], [sflag:$0x3] =	stream.linear.gather [hbm4b:s14+s30], $0x1400, $0x38;
	[tilespmem:$0x1E800] =	vst v63  }
0x4a: {  	_ =	swait.ge [sflag:s20], $0x1400  }
0x4b: {  	[sflag:s20] =	ssyncset.done $0x0  }
0x4c: {  	[sflag:s20] =	ssyncadd.s32 $0xFFFFEC00  }
0x4d: {  	[tilespmem:s19], [sflag:$0x1] =	stream.indirect.gather [hbm4b:s4+s22], $0x80, s30, s22, $0xb8;
	[tilespmem:$0x1E800] =	vst v63  }
0x4e: {  	s30 =	simm.s32 $0x80  }
0x4f: {  	[tilespmem:s23], [sflag:$0x2] =	stream.indirect.gather [hbm4b:s4+s22], $0x80, s30, s22, $0xb8;
	[tilespmem:$0x1E800] =	vst v63  }
0x50: {  	_ =	swait.ge [sflag:s24], $0x3E80  }
0x51: {  	[sflag:s24] =	ssyncset.done $0x0  }
0x52: {  	s30 =	simm.s32 $0x1400;
	[sflag:s24] =	ssyncadd.s32 $0xFFFFC180  }
0x53: {  	[spmem:s2] =	stream.indirect.scatter.add.f32 [tilespmem:s19], [sflag:$0x3], $0x80, s30, s22, $0xb8;
	[tilespmem:$0x1E800] =	vst v63  }
0x54: {  	_ =	swait.ge [sflag:s20], $0x3E80  }
0x55: {  	[sflag:s20] =	ssyncset.done $0x0  }
0x56: {  	s30 =	simm.s32 $0x100;
	[sflag:s20] =	ssyncadd.s32 $0xFFFFC180  }
0x57: {  	[tilespmem:s19], [sflag:$0x1] =	stream.indirect.gather [hbm4b:s4+s22], $0x80, s30, s22, $0xb8;
	[tilespmem:$0x1E800] =	vst v63  }
0x58: {  	_ =	swait.ge [sflag:s25], $0x3E80  }
0x59: {  	[sflag:s25] =	ssyncset.done $0x0  }
0x5a: {  	s30 =	simm.s32 $0x1480;
	[sflag:s25] =	ssyncadd.s32 $0xFFFFC180  }
0x5b: {  	[spmem:s2] =	stream.indirect.scatter.add.f32 [tilespmem:s23], [sflag:$0x3], $0x80, s30, s22, $0xb8;
	[tilespmem:$0x1E800] =	vst v63  }
0x5c: {  	_ =	swait.ge [sflag:s20], $0x3E80  }
0x5d: {  	s31 =	simm.s32 $0x800;
	s30 =	simm.s32 $0x100;
	[sflag:s20] =	ssyncset.done $0x0  }
.LBB2_4:
0x5e: {  	s0 =	sadd.s32 $0x80, s30  }
0x5f: {  	[sflag:s20] =	ssyncadd.s32 $0xFFFFC180;
	s1 =	smov.u32 s31;
	s6 =	sadd.s32 $0x400, s31  }
0x60: {  	[tilespmem:s23], [sflag:$0x2] =	stream.indirect.gather [hbm4b:s4+s22], $0x80, s0, s22, $0xb8;
	[tilespmem:$0x1E800] =	vst v63  }
0x61: {  	p0 =	sne.s32 s31, $0x4800;
	_ =	swait.ge [sflag:s24], $0x3E80  }
0x62: {  	[sflag:s24] =	ssyncset.done $0x0  }
0x63: {  	s0 =	sadd.s32 $0x1400, s30;
	[sflag:s24] =	ssyncadd.s32 $0xFFFFC180  }
0x64: {  	[spmem:s2] =	stream.indirect.scatter.add.f32 [tilespmem:s19], [sflag:$0x3], $0x80, s0, s22, $0xb8;
	[tilespmem:$0x1E800] =	vst v63  }
0x65: {  	_ =	swait.ge [sflag:s20], $0x3E80  }
0x66: {  	[sflag:s20] =	ssyncset.done $0x0  }
0x67: {  	s0 =	sadd.s32 $0x100, s30;
	[sflag:s20] =	ssyncadd.s32 $0xFFFFC180  }
0x68: {  	[tilespmem:s19], [sflag:$0x1] =	stream.indirect.gather [hbm4b:s4+s22], $0x80, s0, s22, $0xb8;
	[tilespmem:$0x1E800] =	vst v63  }
0x69: {  	_ =	swait.ge [sflag:s25], $0x3E80  }
.Ltmp1:
0x6a: {  	[sflag:s25] =	ssyncset.done $0x0;
	(pc) =	sbr.rel @p0 .LBB2_4-.Ltmp1, $4  }
0x6b: {  	s0 =	sadd.s32 $0x1480, s30;
	[sflag:s25] =	ssyncadd.s32 $0xFFFFC180  }
0x6c: {  	[spmem:s2] =	stream.indirect.scatter.add.f32 [tilespmem:s23], [sflag:$0x3], $0x80, s0, s22, $0xb8;
	[tilespmem:$0x1E800] =	vst v63  }
0x6d: {  	_ =	swait.ge [sflag:s20], $0x3E80  }
0x6e: {  	s31 =	smov.u32 s6;
	s30 =	sshra.s32 s1, $0x2;
	[sflag:s20] =	ssyncset.done $0x0  }
0x6f: {  	s0 =	sadd.s32 $0x80, s30;
	[sflag:s20] =	ssyncadd.s32 $0xFFFFC180  }
0x70: {  	[tilespmem:s23], [sflag:$0x2] =	stream.indirect.gather [hbm4b:s4+s22], $0x80, s0, s22, $0xb8;
	[tilespmem:$0x1E800] =	vst v63  }
0x71: {  	_ =	swait.ge [sflag:s24], $0x3E80  }
0x72: {  	[sflag:s24] =	ssyncset.done $0x0  }
0x73: {  	s1 =	sadd.s32 $0x1400, s30;
	[sflag:s24] =	ssyncadd.s32 $0xFFFFC180  }
0x74: {  	[spmem:s2] =	stream.indirect.scatter.add.f32 [tilespmem:s19], [sflag:$0x3], $0x80, s1, s22, $0xb8;
	[tilespmem:$0x1E800] =	vst v63  }
0x75: {  	_ =	swait.ge [sflag:s20], $0x3E80  }
0x76: {  	[sflag:s20] =	ssyncset.done $0x0  }
0x77: {  	s6 =	sadd.s32 $0x100, s30;
	[sflag:s20] =	ssyncadd.s32 $0xFFFFC180  }
0x78: {  	[tilespmem:s19], [sflag:$0x1] =	stream.indirect.gather [hbm4b:s4+s22], $0x80, s6, s22, $0xb8;
	[tilespmem:$0x1E800] =	vst v63  }
0x79: {  	_ =	swait.ge [sflag:s25], $0x3E80  }
0x7a: {  	[sflag:s25] =	ssyncset.done $0x0  }
0x7b: {  	s1 =	sadd.s32 $0x1480, s30;
	[sflag:s25] =	ssyncadd.s32 $0xFFFFC180  }
0x7c: {  	[spmem:s2] =	stream.indirect.scatter.add.f32 [tilespmem:s23], [sflag:$0x3], $0x80, s1, s22, $0xb8;
	[tilespmem:$0x1E800] =	vst v63  }
0x7d: {  	_ =	swait.ge [sflag:s20], $0x3E80  }
0x7e: {  	[sflag:s20] =	ssyncset.done $0x0  }
0x7f: {  	[sflag:s20] =	ssyncadd.s32 $0xFFFFC180  }
0x80: {  	[tilespmem:s23], [sflag:$0x2] =	stream.indirect.gather [hbm4b:s4+s22], $0x80, s26, s22, $0xb8;
	[tilespmem:$0x1E800] =	vst v63  }
0x81: {  	_ =	swait.ge [sflag:s24], $0x3E80  }
0x82: {  	[sflag:s24] =	ssyncset.done $0x0  }
0x83: {  	[sflag:s24] =	ssyncadd.s32 $0xFFFFC180  }
0x84: {  	[spmem:s2] =	stream.indirect.scatter.add.f32 [tilespmem:s19], [sflag:$0x3], $0x80, s28, s22, $0xb8;
	[tilespmem:$0x1E800] =	vst v63  }
0x85: {  	_ =	swait.ge [sflag:s20], $0x3E80  }
0x86: {  	[sflag:s20] =	ssyncset.done $0x0  }
0x87: {  	[sflag:s20] =	ssyncadd.s32 $0xFFFFC180  }
0x88: {  	_ =	swait.ge [sflag:s25], $0x3E80  }
0x89: {  	[sflag:s25] =	ssyncset.done $0x0  }
0x8a: {  	[sflag:s25] =	ssyncadd.s32 $0xFFFFC180  }
0x8b: {  	[spmem:s2] =	stream.indirect.scatter.add.f32 [tilespmem:s23], [sflag:$0x3], $0x80, s29, s22, $0xb8;
	[tilespmem:$0x1E800] =	vst v63  }
0x8c: {  	_ =	swait.ge [sflag:s20], $0x3E80  }
0x8d: {  	[sflag:s20] =	ssyncset.done $0x0  }
0x8e: {  	s6 =	simm.s32 $0x0;
	[sflag:s20] =	ssyncadd.s32 $0xFFFFC180  }
0x8f: {  	[tilespmem:s6], [sflag:$0x3] =	stream.linear.gather [hbm4b:s15+s6], $0x1400, $0x38;
	[tilespmem:$0x1E800] =	vst v63  }
0x90: {  	_ =	swait.ge [sflag:s20], $0x1400  }
0x91: {  	[sflag:s20] =	ssyncset.done $0x0  }
0x92: {  	[sflag:s20] =	ssyncadd.s32 $0xFFFFEC00  }
0x93: {  	[tilespmem:s21], [sflag:$0x3] =	stream.linear.gather [hbm4b:s16+s6], $0x1400, $0x38;
	[tilespmem:$0x1E800] =	vst v63  }
0x94: {  	_ =	swait.ge [sflag:s20], $0x1400  }
0x95: {  	[sflag:s20] =	ssyncset.done $0x0  }
0x96: {  	[sflag:s20] =	ssyncadd.s32 $0xFFFFEC00  }
0x97: {  	[tilespmem:s19], [sflag:$0x1] =	stream.indirect.gather [hbm4b:s4+s22], $0x80, s6, s22, $0xb8;
	[tilespmem:$0x1E800] =	vst v63  }
0x98: {  	s1 =	simm.s32 $0x80  }
0x99: {  	[tilespmem:s23], [sflag:$0x2] =	stream.indirect.gather [hbm4b:s4+s22], $0x80, s1, s22, $0xb8;
	[tilespmem:$0x1E800] =	vst v63  }
0x9a: {  	_ =	swait.ge [sflag:s24], $0x3E80  }
0x9b: {  	[sflag:s24] =	ssyncset.done $0x0  }
0x9c: {  	s6 =	simm.s32 $0x1400;
	[sflag:s24] =	ssyncadd.s32 $0xFFFFC180  }
0x9d: {  	[spmem:s2] =	stream.indirect.scatter.add.f32 [tilespmem:s19], [sflag:$0x3], $0x80, s6, s22, $0xb8;
	[tilespmem:$0x1E800] =	vst v63  }
0x9e: {  	_ =	swait.ge [sflag:s20], $0x3E80  }
0x9f: {  	[sflag:s20] =	ssyncset.done $0x0  }
0xa0: {  	s1 =	simm.s32 $0x100;
	[sflag:s20] =	ssyncadd.s32 $0xFFFFC180  }
0xa1: {  	[tilespmem:s19], [sflag:$0x1] =	stream.indirect.gather [hbm4b:s4+s22], $0x80, s1, s22, $0xb8;
	[tilespmem:$0x1E800] =	vst v63  }
0xa2: {  	_ =	swait.ge [sflag:s25], $0x3E80  }
0xa3: {  	[sflag:s25] =	ssyncset.done $0x0  }
0xa4: {  	s6 =	simm.s32 $0x1480;
	[sflag:s25] =	ssyncadd.s32 $0xFFFFC180  }
0xa5: {  	[spmem:s2] =	stream.indirect.scatter.add.f32 [tilespmem:s23], [sflag:$0x3], $0x80, s6, s22, $0xb8;
	[tilespmem:$0x1E800] =	vst v63  }
0xa6: {  	_ =	swait.ge [sflag:s20], $0x3E80  }
0xa7: {  	s31 =	simm.s32 $0x800;
	s30 =	simm.s32 $0x100;
	[sflag:s20] =	ssyncset.done $0x0  }
.LBB2_6:
0xa8: {  	s0 =	sadd.s32 $0x80, s30  }
0xa9: {  	[sflag:s20] =	ssyncadd.s32 $0xFFFFC180;
	s1 =	smov.u32 s31;
	s6 =	sadd.s32 $0x400, s31  }
0xaa: {  	[tilespmem:s23], [sflag:$0x2] =	stream.indirect.gather [hbm4b:s4+s22], $0x80, s0, s22, $0xb8;
	[tilespmem:$0x1E800] =	vst v63  }
0xab: {  	p0 =	sne.s32 s31, $0x4800;
	_ =	swait.ge [sflag:s24], $0x3E80  }
0xac: {  	[sflag:s24] =	ssyncset.done $0x0  }
0xad: {  	s0 =	sadd.s32 $0x1400, s30;
	[sflag:s24] =	ssyncadd.s32 $0xFFFFC180  }
0xae: {  	[spmem:s2] =	stream.indirect.scatter.add.f32 [tilespmem:s19], [sflag:$0x3], $0x80, s0, s22, $0xb8;
	[tilespmem:$0x1E800] =	vst v63  }
0xaf: {  	_ =	swait.ge [sflag:s20], $0x3E80  }
0xb0: {  	[sflag:s20] =	ssyncset.done $0x0  }
0xb1: {  	s0 =	sadd.s32 $0x100, s30;
	[sflag:s20] =	ssyncadd.s32 $0xFFFFC180  }
0xb2: {  	[tilespmem:s19], [sflag:$0x1] =	stream.indirect.gather [hbm4b:s4+s22], $0x80, s0, s22, $0xb8;
	[tilespmem:$0x1E800] =	vst v63  }
0xb3: {  	_ =	swait.ge [sflag:s25], $0x3E80  }
.Ltmp2:
0xb4: {  	[sflag:s25] =	ssyncset.done $0x0;
	(pc) =	sbr.rel @p0 .LBB2_6-.Ltmp2, $4  }
0xb5: {  	s0 =	sadd.s32 $0x1480, s30;
	[sflag:s25] =	ssyncadd.s32 $0xFFFFC180  }
0xb6: {  	[spmem:s2] =	stream.indirect.scatter.add.f32 [tilespmem:s23], [sflag:$0x3], $0x80, s0, s22, $0xb8;
	[tilespmem:$0x1E800] =	vst v63  }
0xb7: {  	_ =	swait.ge [sflag:s20], $0x3E80  }
0xb8: {  	s31 =	smov.u32 s6;
	s30 =	sshra.s32 s1, $0x2;
	[sflag:s20] =	ssyncset.done $0x0  }
0xb9: {  	s0 =	sadd.s32 $0x80, s30;
	[sflag:s20] =	ssyncadd.s32 $0xFFFFC180  }
0xba: {  	[tilespmem:s23], [sflag:$0x2] =	stream.indirect.gather [hbm4b:s4+s22], $0x80, s0, s22, $0xb8;
	[tilespmem:$0x1E800] =	vst v63  }
0xbb: {  	_ =	swait.ge [sflag:s24], $0x3E80  }
0xbc: {  	[sflag:s24] =	ssyncset.done $0x0  }
0xbd: {  	s1 =	sadd.s32 $0x1400, s30;
	[sflag:s24] =	ssyncadd.s32 $0xFFFFC180  }
0xbe: {  	[spmem:s2] =	stream.indirect.scatter.add.f32 [tilespmem:s19], [sflag:$0x3], $0x80, s1, s22, $0xb8;
	[tilespmem:$0x1E800] =	vst v63  }
0xbf: {  	_ =	swait.ge [sflag:s20], $0x3E80  }
0xc0: {  	[sflag:s20] =	ssyncset.done $0x0  }
0xc1: {  	s6 =	sadd.s32 $0x100, s30;
	[sflag:s20] =	ssyncadd.s32 $0xFFFFC180  }
0xc2: {  	[tilespmem:s19], [sflag:$0x1] =	stream.indirect.gather [hbm4b:s4+s22], $0x80, s6, s22, $0xb8;
	[tilespmem:$0x1E800] =	vst v63  }
0xc3: {  	_ =	swait.ge [sflag:s25], $0x3E80  }
0xc4: {  	[sflag:s25] =	ssyncset.done $0x0  }
0xc5: {  	s30 =	sadd.s32 $0x1480, s30;
	[sflag:s25] =	ssyncadd.s32 $0xFFFFC180  }
0xc6: {  	[spmem:s2] =	stream.indirect.scatter.add.f32 [tilespmem:s23], [sflag:$0x3], $0x80, s30, s22, $0xb8;
	[tilespmem:$0x1E800] =	vst v63  }
0xc7: {  	_ =	swait.ge [sflag:s20], $0x3E80  }
0xc8: {  	[sflag:s20] =	ssyncset.done $0x0  }
0xc9: {  	[sflag:s20] =	ssyncadd.s32 $0xFFFFC180  }
0xca: {  	[tilespmem:s23], [sflag:$0x2] =	stream.indirect.gather [hbm4b:s4+s22], $0x80, s26, s22, $0xb8;
	[tilespmem:$0x1E800] =	vst v63  }
0xcb: {  	_ =	swait.ge [sflag:s24], $0x3E80  }
0xcc: {  	[sflag:s24] =	ssyncset.done $0x0  }
0xcd: {  	[sflag:s24] =	ssyncadd.s32 $0xFFFFC180  }
0xce: {  	[spmem:s2] =	stream.indirect.scatter.add.f32 [tilespmem:s19], [sflag:$0x3], $0x80, s28, s22, $0xb8;
	[tilespmem:$0x1E800] =	vst v63  }
0xcf: {  	_ =	swait.ge [sflag:s20], $0x3E80  }
0xd0: {  	[sflag:s20] =	ssyncset.done $0x0  }
0xd1: {  	[sflag:s20] =	ssyncadd.s32 $0xFFFFC180  }
0xd2: {  	_ =	swait.ge [sflag:s25], $0x3E80  }
0xd3: {  	[sflag:s25] =	ssyncset.done $0x0  }
0xd4: {  	[sflag:s25] =	ssyncadd.s32 $0xFFFFC180  }
0xd5: {  	[spmem:s2] =	stream.indirect.scatter.add.f32 [tilespmem:s23], [sflag:$0x3], $0x80, s29, s22, $0xb8;
	[tilespmem:$0x1E800] =	vst v63  }
0xd6: {  	s31 =	stileid.u32;
	_ =	swait.ge [sflag:s20], $0x3E80  }
0xd7: {  	s3 =	sadd.s32 $0x1, s3;
	s0 =	sshll.u32 s31, $0x6;
	[sflag:s20] =	ssyncset.done $0x0  }
0xd8: {  	p0 =	sne.s32 s3, s18;
	s0 =	sor.u32 $0x1C03, s0;
	[sflag:s20] =	ssyncadd.s32 $0xFFFFC180  }
.Ltmp3:
0xd9: {  	s1 =	sshrl.u32 s5, $0x3;
	[bflag:$0x0] =	sbarrier.arrive $0xFFFF;
	(pc) =	sbr.rel @p0 .LBB2_1-.Ltmp3, $4  }
0xda: {  	[hbm:s17], [sflag:s0] =	dma.local [spmem:s1], $0x2800  }
0xdb: {  	_ =	swait.ge [sflag:s20], $0x2800  }
0xdc: {  	[sflag:s20] =	ssyncset.done $0x0  }
0xdd: {  	[sflag:s20] =	ssyncadd.s32 $0xFFFFD800  }
0xde: {  	_ =	sfence.sel $0x180000  }
0xdf: {  	[bflag:$0x0] =	sbarrier.arrive $0xFFFF  }
0xe0: {  	_ =	strace $0x9000004D  }
0xe1: {  	s0 =	stileid.u32;
	[bflag:$0x2] =	sbarrier.arrive $0xFFFF  }
0xe2: {  	p0 =	sne.s32 s0, $0x0;
	s0 =	rddreg [dreg:$0x3]  }
0xe3: {  	s0 =	sadd.s32 @!p0 $0x100000, s0  }
0xe4: {  	[sflag:s0] =	ssyncadd.tile.s32 @!p0 $0x1;
	_ =	shalt  }
.Lfunc_end2:
_tile_overlayer_lowered:
.L_overlay_start_2:
0xe5: {  	(tag) =	ssettag $0x2  }
0xe6: {  	s0 =	rddreg [dreg:$0x0];
	s2 =	stileid.u32  }
0xe7: {  	s1 =	rddreg [dreg:$0x1];
	p0 =	sne.s32 s2, $0x0  }
0xe8: {  	s3 =	rddreg [dreg:$0x2];
	[bflag:$0x3] =	sbarrier.arrive $0xFFFF;
	s2 =	simm.s32 @!p0 $0x1C03  }
0xe9: {  	[timem:s3], [sflag:s2] =	dma.local @!p0 [hbm:s0], s1  }
0xea: {  	s0 =	simm.s32 @!p0 $0x3  }
0xeb: {  	_ =	swait.ge @!p0 [sflag:s0], s1  }
0xec: {  	s1 =	ssub.s32 @!p0 $0x0, s1;
	[sflag:s0] =	ssyncset.done @!p0 $0x0  }
0xed: {  	[sflag:s0] =	ssyncadd.s32 @!p0 s1  }
0xee: {  	[bflag:$0x3] =	sbarrier.arrive $0xFFFF  }
0xef: {  	_ =	shalt  }

// kernel: kernel.8.cloned.1.call-start
scs
__scs_entry_jumppad:
0x0: {  	(pc) =	sbr.rel $0x88, $3  }
0x1: {  	(tag) =	ssettag $0x0;
	lr =	simm.s32 $0x1  }
0x2: {  	[smem:$0x3F9B] =	sst lr;
	_ =	strace $0xD0000000  }
0x3: {  	_ = 	snop  }
0x4: {  	_ = 	snop  }
0x5: {  	_ = 	snop  }
0x6: {  	_ = 	snop  }
0x7: {  	_ = 	snop  }
__scs_overlays_trampoline_lowered:
0x8: {  	[smem:$0x3FAA] =	sst s0  }
0x9: {  	[smem:$0x3FAB] =	sst s1  }
0xa: {  	[smem:$0x3FAC] =	sst s2  }
0xb: {  	[smem:$0x3FAD] =	sst s3  }
0xc: {  	[smem:$0x3FAE] =	sst s4  }
0xd: {  	[smem:$0x3FAF] =	sst s5  }
0xe: {  	[smem:$0x3FB0] =	sst s6  }
0xf: {  	[smem:$0x3FB1] =	sst s7  }
0x10: {  	[smem:$0x3FB2] =	sst s8  }
0x11: {  	[smem:$0x3FB3] =	sst s9;
	s0 =	simm.s32 @!p0 $0x0  }
0x12: {  	s1 =	sld [smem:$0x3F99];
	s0 =	simm.s32 @p0 $0x1  }
0x13: {  	[smem:$0x3FB4] =	sst s0;
	s0 =	simm.s32 @!p1 $0x0  }
0x14: {  	s2 =	sld [smem:$0x3F98];
	s0 =	simm.s32 @p1 $0x1  }
0x15: {  	[smem:$0x3FB5] =	sst s0;
	s0 =	simm.s32 @!p2 $0x0  }
0x16: {  	s3 =	sld [smem:$0x3FDB];
	s0 =	simm.s32 @p2 $0x1  }
0x17: {  	s4 =	simm.s32 $0x1BF5;
	[smem:$0x3FB7] =	sst s0  }
0x18: {  	s0 =	sld [smem:$0x3F9A];
	_ =	swait.ge [sflag:s4], $0x0  }
0x19: {  	s7 =	sld [smem:$0x3F9B]  }
0x1a: {  	s8 =	sadd.s32 $0xFFFFE003, lr  }
0x1b: {  	s9 =	sadd.s32 $0xFFFFFEF7, lr;
	s5 =	simm.s32 $0xFFFFFFFF;
	p2 =	slt.u32 s8, $0xFFFFF086  }
0x1c: {  	p1 =	slt.u32 s9, $0xF7A;
	s5 =	simm.s32 @!p2 $0x0  }
0x1d: {  	s5 =	simm.s32 @p1 $0x1;
	p0 =	seq.s32 s7, s2  }
0x1e: {  	s7 =	smul.u32 @!p0 $0xF7A, s2;
	p2 =	seq.s32 @!p0 s5, $0x0  }
0x1f: {  	s9 =	smul.u32 $0xF7A, s1;
	s8 =	simm.s32 @!p0 $0x1BF5;
	p2 =	por !p2, p0  }
0x20: {  	[sflag:s8] =	ssyncset.s32 @!p0 $0xFFFFF086;
	s6 =	sadd.s32 @!p0 s3, s7;
	s7 =	simm.s32 @!p0 $0x108  }
0x21: {  	s3 =	sadd.s32 s3, s9;
	s6 =	sadd.s32 @!p0 $0x88, s6;
	s7 =	simm.s32 @p2 $0x1082  }
0x22: {  	[simem:s7], [sflag:s8] =	dma.local @!p0 [hbm:s6], $0xF7A  }
0x23: {  	s9 =	sor.u32 $0xD0000000, s2;
	s6 =	simm.s32 $0x108;
	_ =	swait.ge @!p0 [sflag:s8], $0x0  }
0x24: {  	s3 =	sadd.s32 $0x88, s3;
	s6 =	simm.s32 @!p1 $0x1082;
	[sflag:s4] =	ssyncset.s32 $0xFFFFF086  }
0x25: {  	[simem:s6], [sflag:s4] =	dma.local [hbm:s3], $0xF7A  }
0x26: {  	[smem:$0x3F9B] =	sst s1;
	(tag) =	ssettag s2;
	_ =	strace s9  }
0x27: {  	s1 =	sld [smem:$0x3FAB]  }
0x28: {  	s2 =	sld [smem:$0x3FAC]  }
0x29: {  	s4 =	sld [smem:$0x3FAE]  }
0x2a: {  	p0 =	seq.s32 s5, $0x0;
	s5 =	sld [smem:$0x3FAF]  }
0x2b: {  	s6 =	sld [smem:$0x3FB0]  }
0x2c: {  	s7 =	sld [smem:$0x3FB1]  }
0x2d: {  	s3 =	simm.s32 $0x108;
	s8 =	sld [smem:$0x3FB2]  }
0x2e: {  	s3 =	simm.s32 @!p0 $0x1082;
	s9 =	sld [smem:$0x3FB3]  }
0x2f: {  	lr =	sadd.s32 s0, s3;
	s0 =	sld [smem:$0x3FAA]  }
0x30: {  	s3 =	sld [smem:$0x3FAD]  }
0x31: {  	[smem:$0x3FB6] =	sst s10  }
0x32: {  	s10 =	sld [smem:$0x3FB4];
	_ =	sdelay $0x3  }
0x33: {  	p0 =	seq.s32 s10, $0x1;
	s10 =	sld [smem:$0x3FB6];
	_ =	sdelay $0x3  }
0x34: {  	[smem:$0x3FB6] =	sst s10  }
0x35: {  	s10 =	sld [smem:$0x3FB5];
	_ =	sdelay $0x3  }
0x36: {  	p1 =	seq.s32 s10, $0x1;
	s10 =	sld [smem:$0x3FB6];
	_ =	sdelay $0x3  }
0x37: {  	[smem:$0x3FB6] =	sst s10  }
0x38: {  	s10 =	sld [smem:$0x3FB7]  }
0x39: {  	_ = 	snop;
	(pc) =	sbr.ind lr, $3  }
0x3a: {  	_ = 	snop  }
0x3b: {  	_ = 	snop  }
0x3c: {  	p2 =	seq.s32 s10, $0x1;
	s10 =	sld [smem:$0x3FB6]  }
0x3d: {  	_ =	shalt  }
0x3e: {  	_ =	shalt  }
0x3f: {  	_ =	shalt  }
0x40: {  	_ =	shalt  }
0x41: {  	_ =	shalt  }
0x42: {  	_ =	shalt  }
0x43: {  	_ =	shalt  }
0x44: {  	_ =	shalt  }
0x45: {  	_ =	shalt  }
0x46: {  	_ =	shalt  }
0x47: {  	_ =	shalt  }
0x48: {  	_ =	shalt  }
0x49: {  	_ =	shalt  }
0x4a: {  	_ =	shalt  }
0x4b: {  	_ =	shalt  }
0x4c: {  	_ =	shalt  }
0x4d: {  	_ =	shalt  }
0x4e: {  	_ =	shalt  }
0x4f: {  	_ =	shalt  }
0x50: {  	_ =	shalt  }
0x51: {  	_ =	shalt  }
0x52: {  	_ =	shalt  }
0x53: {  	_ =	shalt  }
0x54: {  	_ =	shalt  }
0x55: {  	_ =	shalt  }
0x56: {  	_ =	shalt  }
0x57: {  	_ =	shalt  }
0x58: {  	_ =	shalt  }
0x59: {  	_ =	shalt  }
0x5a: {  	_ =	shalt  }
0x5b: {  	_ =	shalt  }
0x5c: {  	_ =	shalt  }
0x5d: {  	_ =	shalt  }
0x5e: {  	_ =	shalt  }
0x5f: {  	_ =	shalt  }
0x60: {  	_ =	shalt  }
0x61: {  	_ =	shalt  }
0x62: {  	_ =	shalt  }
0x63: {  	_ =	shalt  }
0x64: {  	_ =	shalt  }
0x65: {  	_ =	shalt  }
0x66: {  	_ =	shalt  }
0x67: {  	_ =	shalt  }
0x68: {  	_ =	shalt  }
0x69: {  	_ =	shalt  }
0x6a: {  	_ =	shalt  }
0x6b: {  	_ =	shalt  }
0x6c: {  	_ =	shalt  }
0x6d: {  	_ =	shalt  }
0x6e: {  	_ =	shalt  }
0x6f: {  	_ =	shalt  }
0x70: {  	_ =	shalt  }
0x71: {  	_ =	shalt  }
0x72: {  	_ =	shalt  }
0x73: {  	_ =	shalt  }
0x74: {  	_ =	shalt  }
0x75: {  	_ =	shalt  }
0x76: {  	_ =	shalt  }
0x77: {  	_ =	shalt  }
0x78: {  	_ =	shalt  }
0x79: {  	_ =	shalt  }
0x7a: {  	_ =	shalt  }
0x7b: {  	_ =	shalt  }
0x7c: {  	_ =	shalt  }
0x7d: {  	_ =	shalt  }
0x7e: {  	_ =	shalt  }
0x7f: {  	_ =	shalt  }
0x80: {  	_ =	shalt  }
0x81: {  	_ =	shalt  }
0x82: {  	_ =	shalt  }
0x83: {  	_ =	shalt  }
0x84: {  	_ =	shalt  }
0x85: {  	_ =	shalt  }
0x86: {  	_ =	shalt  }
0x87: {  	_ =	shalt  }
.Lfunc_end0:
.L_simem_size_0:
called_computation_lowered:
.L_overlay_start_0:
0x88: {  	s2 =	sld [smem:$0x3FD9]  }
0x89: {  	s3 =	sld [smem:$0x3FFE];
	_ =	sdelay $0x1  }
0x8a: {  	s1 =	srdreg.scid  }
0x8b: {  	s0 =	sand.u32 $0x1, s1  }
0x8c: {  	s17 =	sshll.u32 s0, $0xA;
	s2 =	sadd.s32 s3, s2  }
0x8d: {  	s2 =	sadd.s32 s2, s17  }
0x8e: {  	[smem:$0x3FC2] =	sst s2  }
0x8f: {  	_ = 	snop  }
0x90: {  	s2 =	sld [smem:$0x3FD0];
	(tm) =	ssettm $0x1  }
0x91: {  	s18 =	sld [smem:$0x3FFB];
	_ =	sdelay $0x3  }
0x92: {  	_ =	strace s18  }
0x93: {  	s3 =	sld [smem:$0x3FFC];
	_ =	sdelay $0x3  }
0x94: {  	_ =	strace s3  }
0x95: {  	s3 =	sld [smem:$0x3FFD];
	_ =	sdelay $0x3  }
0x96: {  	_ =	strace s3  }
0x97: {  	_ =	strace $0x8FFFFFFF  }
0x98: {  	s19 =	sld [smem:$0x3FDB];
	_ =	sdelay $0x1  }
0x99: {  	s4 =	simm.s32 $_scs_section_size  }
0x9a: {  	s5 =	simm.s32 $_size__tile_overlayer_lowered;
	s6 =	simm.s32 $_tile_overlayer_lowered  }
0x9b: {  	s22 =	simm.s32 $0x1BFF;
	s21 =	sshll.u32 s6, $0x1;
	s3 =	sadd.s32 s4, s19  }
0x9c: {  	s7 =	simm.s32 $0x0;
	s20 =	sshll.u32 s5, $0x1;
	s5 =	sadd.s32 s21, s3  }
0x9d: {  	[timem:s7], [sflag:s22] =	dma.local [hbm:s5], s20  }
0x9e: {  	_ =	swait.ge [sflag:s22], s20  }
0x9f: {  	s4 =	ssub.s32 $0x0, s20;
	[sflag:s22] =	ssyncset.done $0x0  }
0xa0: {  	[sflag:s22] =	ssyncadd.s32 s4;
	_ =	sdelay $0x1  }
0xa1: {  	s23 =	simm.s32 $0x1B8B  }
0xa2: {  	_ =	swait.ge [sflag:s23], $0x1  }
0xa3: {  	[sflag:s23] =	ssyncset.done $0x0  }
0xa4: {  	s25 =	simm.s32 $0x1B8E;
	s24 =	sld [smem:$0x3FFE];
	[sflag:s23] =	ssyncadd.s32 $0xFFFFFFFF  }
0xa5: {  	s26 =	simm.s32 $execute0_lowered;
	[smem:$0x3FD2] =	sst s25  }
0xa6: {  	s5 =	sshll.u32 s26, $0x1;
	_ =	strace $0x80000046;
	[dreg:$0x1] =	wrdreg $0xFFFFFFFF  }
0xa7: {  	s28 =	simm.s32 $_size_execute0_lowered;
	s3 =	sadd.s32 s3, s5;
	[dreg:$0x0] =	wrdreg $0x0  }
0xa8: {  	s5 =	sshll.u32 s28, $0x1;
	[dreg:$0x2] =	wrdreg s3  }
0xa9: {  	[dreg:$0x3] =	wrdreg s5  }
0xaa: {  	[dreg:$0x4] =	wrdreg $0xC0  }
0xab: {  	_ =	task [dreg:s7], $0x5FFFF  }
0xac: {  	[dreg:$0x1] =	wrdreg $0xFFFFFFFF  }
0xad: {  	[dreg:$0x0] =	wrdreg $0x60  }
0xae: {  	[dreg:$0x2] =	wrdreg s2  }
0xaf: {  	[dreg:$0x3] =	wrdreg s24  }
0xb0: {  	[dreg:$0x4] =	wrdreg $0x29000  }
0xb1: {  	[dreg:$0x5] =	wrdreg $0x9  }
0xb2: {  	_ =	task.clear_ibuf [dreg:s7], $0x6FFFF;
	_ =	strace $0x90000046  }
0xb3: {  	s29 =	simm.s32 $0x9;
	_ =	strace $0x80000048  }
0xb4: {  	_ =	swait.ge [sflag:s29], $0x1  }
0xb5: {  	[sflag:s29] =	ssyncadd.s32 $0xFFFFFFFF  }
0xb6: {  	_ =	strace $0x90000048  }
0xb7: {  	_ =	sfence  }
0xb8: {  	s30 =	sld [smem:$0x0];
	_ =	sdelay $0x2  }
0xb9: {  	s31 =	sshll.u32 s1, $0xD;
	s1 =	sshrl.u32 s1, $0x2  }
0xba: {  	s3 =	sand.u32 $0x4000, s31;
	s1 =	sadd.s32 s1, s30  }
0xbb: {  	s0 =	sor.u32 s3, s0;
	s1 =	sshll.u32 s1, $0x11  }
0xbc: {  	s0 =	sor.u32 s1, s0  }
0xbd: {  	s0 =	sadd.s32 $0x8F2B, s0  }
0xbe: {  	[sflag:s0] =	ssyncadd.remote.s32 $0x1  }
0xbf: {  	_ =	sfence.sel $0xFFFF  }
0xc0: {  	[dreg:$0x0] =	wrdreg $0xFFFFFFFF;
	(pc) =	sbr.abs _section_cstart, $3  }
0xc1: {  	[dreg:$0x1] =	wrdreg $0xFFFFFFFF  }
0xc2: {  	_ =	task.clear_ibuf [dreg:s7], $0x2FFFF;
	_ =	strace $0x9FFFFFFF  }
0xc3: {  	(tm) =	ssettm $0x7FFFFFFF  }
tec
execute0_lowered:
.L_overlay_start_1:
0x0: {  	(tag) =	ssettag $0x1  }
0x1: {  	s8 =	rddreg [dreg:$0x0]  }
0x2: {  	s4 =	rddreg [dreg:$0x1]  }
0x3: {  	s2 =	rddreg [dreg:$0x2]  }
0x4: {  	s0 =	rddreg [dreg:$0x3];
	s5 =	srdreg.scid  }
0x5: {  	s1 =	stileid.u32;
	s3 =	simm.s32 $0x0;
	s12 =	simm.s32 $0x2800  }
0x6: {  	s13 =	simm.s32 $0x2;
	s14 =	simm.s32 $0x7D;
	s15 =	simm.s32 $0x2880  }
0x7: {  	s16 =	simm.s32 $0x1;
	s19 =	simm.s32 $0x20;
	s20 =	simm.s32 $0x10  }
0x8: {  	s21 =	simm.s32 $0x0;
	s5 =	sand.u32 $0x1, s5;
	s6 =	smul.u32 $0x500, s1  }
0x9: {  	[smem:$0x7FF] =	sst s3;
	s9 =	smul.u32 $0xA00, s1;
	s17 =	sshll.u32 s1, $0x6  }
0xa: {  	s7 =	sshll.u32 s5, $0x7;
	s29 =	sshll.u32 s5, $0x4;
	_ =	strace $0x80000047  }
0xb: {  	s5 =	ssub.s32 $0x2, s5;
	s17 =	sor.u32 $0x1C02, s17;
	s6 =	sor.u32 s7, s6  }
0xc: {  	s7 =	sor.u32 s1, s29;
	s9 =	sshrl.u32 s9, $0x2;
	s30 =	sshrl.u32 s5, $0x1  }
0xd: {  	s6 =	sshrl.u32 s6, $0x3;
	s7 =	smul.u32 $0x2800, s7;
	s11 =	ssub.s32 s5, s30  }
0xe: {  	s10 =	sadd.s32 s6, s4;
	s4 =	sadd.s32 s9, s2;
	s11 =	smax.u32 s11, $0x1  }
0xf: {  	s5 =	sadd.s32 $0x80, s4;
	s31 =	sshrl.u32 s7, $0x3;
	s6 =	sadd.s32 $0x100, s4  }
0x10: {  	s7 =	sadd.s32 $0x180, s4;
	s10 =	sadd.s32 $0x2A00, s10;
	s9 =	sadd.s32 s8, s31  }
0x11: {  	v0 =	vimm.f32 $0.0e+00;
	v1 =	vimm.f32 $1.000000000e+00;
	s18 =	sshrl.u32 s4, $0x3;
	s8 =	sadd.s32 $0x200, s4;
	s9 =	sadd.s32 $0xA000, s9  }
.LBB2_1:
0x12: {  	[tilespmem:$0x2800] =	vst v0  }
0x13: {  	[tilespmem:$0x2880] =	vst v1  }
0x14: {  	[tilespmem:$0x2810] =	vst v0  }
0x15: {  	[tilespmem:$0x2890] =	vst v1  }
0x16: {  	[tilespmem:$0x2820] =	vst v0  }
0x17: {  	[tilespmem:$0x28A0] =	vst v1  }
0x18: {  	[tilespmem:$0x2830] =	vst v0  }
0x19: {  	[tilespmem:$0x28B0] =	vst v1  }
0x1a: {  	[tilespmem:$0x2840] =	vst v0  }
0x1b: {  	[tilespmem:$0x28C0] =	vst v1  }
0x1c: {  	[tilespmem:$0x2850] =	vst v0  }
0x1d: {  	[tilespmem:$0x28D0] =	vst v1  }
0x1e: {  	[tilespmem:$0x2860] =	vst v0  }
0x1f: {  	[tilespmem:$0x28E0] =	vst v1  }
0x20: {  	[tilespmem:$0x2870] =	vst v0  }
0x21: {  	[tilespmem:$0x28F0] =	vst v1  }
0x22: {  	[spmem:s4] =	stream.linear.scatter [tilespmem:s12], [sflag:$0x2], $0x80, $0x38;
	[tilespmem:$0x2B80] =	vst v63  }
0x23: {  	_ =	swait.ge [sflag:s13], $0x80  }
0x24: {  	[sflag:s13] =	ssyncset.done $0x0  }
0x25: {  	[sflag:s13] =	ssyncadd.s32 $0xFFFFFF80  }
0x26: {  	[spmem:s5] =	stream.linear.scatter [tilespmem:s12], [sflag:$0x2], $0x80, $0x38;
	[tilespmem:$0x2B80] =	vst v63  }
0x27: {  	_ =	swait.ge [sflag:s13], $0x80  }
0x28: {  	[sflag:s13] =	ssyncset.done $0x0  }
0x29: {  	[sflag:s13] =	ssyncadd.s32 $0xFFFFFF80  }
0x2a: {  	[spmem:s6] =	stream.linear.scatter [tilespmem:s12], [sflag:$0x2], $0x80, $0x38;
	[tilespmem:$0x2B80] =	vst v63  }
0x2b: {  	_ =	swait.ge [sflag:s13], $0x80  }
0x2c: {  	[sflag:s13] =	ssyncset.done $0x0  }
0x2d: {  	[sflag:s13] =	ssyncadd.s32 $0xFFFFFF80  }
0x2e: {  	[spmem:s7] =	stream.linear.scatter [tilespmem:s12], [sflag:$0x2], $0x80, $0x38;
	[tilespmem:$0x2B80] =	vst v63  }
0x2f: {  	_ =	swait.ge [sflag:s13], $0x80  }
0x30: {  	[sflag:s13] =	ssyncset.done $0x0  }
0x31: {  	[sflag:s13] =	ssyncadd.s32 $0xFFFFFF80  }
0x32: {  	[spmem:s8] =	stream.linear.scatter [tilespmem:s12], [sflag:$0x2], $0x80, $0x38;
	[tilespmem:$0x2B80] =	vst v63  }
0x33: {  	_ =	swait.ge [sflag:s13], $0x80  }
0x34: {  	[sflag:s13] =	ssyncset.done $0x0  }
0x35: {  	[sflag:s13] =	ssyncadd.s32 $0xFFFFFF80  }
0x36: {  	[tilespmem:s3], [sflag:$0x2] =	stream.linear.gather [hbm4b:s9+s3], $0x2800, $0x38;
	[tilespmem:$0x2B80] =	vst v63  }
0x37: {  	_ =	swait.ge [sflag:s13], $0x2800  }
0x38: {  	[sflag:s13] =	ssyncset.done $0x0  }
0x39: {  	[sflag:s13] =	ssyncadd.s32 $0xFFFFD800  }
0x3a: {  	s22 =	simm.s32 $0x0;
	[bflag:$0x0] =	sbarrier.arrive $0xFFFF  }
0x3b: {  	[spmem:s2] =	stream.indirect.scatter.add.f32 [tilespmem:s15], [sflag:$0x1], $0x1, s22, s14, $0xb8;
	[tilespmem:$0x2B80] =	vst v63  }
0x3c: {  	s24 =	simm.s32 $0x80  }
0x3d: {  	[spmem:s2] =	stream.indirect.scatter.add.f32 [tilespmem:s15], [sflag:$0x1], $0x1, s24, s14, $0xb8;
	[tilespmem:$0x2B80] =	vst v63  }
0x3e: {  	s25 =	simm.s32 $0x100  }
0x3f: {  	[spmem:s2] =	stream.indirect.scatter.add.f32 [tilespmem:s15], [sflag:$0x1], $0x1, s25, s14, $0xb8;
	[tilespmem:$0x2B80] =	vst v63  }
0x40: {  	s26 =	simm.s32 $0x180  }
0x41: {  	[spmem:s2] =	stream.indirect.scatter.add.f32 [tilespmem:s15], [sflag:$0x1], $0x1, s26, s14, $0xb8;
	[tilespmem:$0x2B80] =	vst v63  }
0x42: {  	s28 =	simm.s32 $0x200  }
0x43: {  	[spmem:s2] =	stream.indirect.scatter.add.f32 [tilespmem:s15], [sflag:$0x1], $0x1, s28, s14, $0xb8;
	[tilespmem:$0x2B80] =	vst v63  }
0x44: {  	s29 =	simm.s32 $0x280  }
0x45: {  	[spmem:s2] =	stream.indirect.scatter.add.f32 [tilespmem:s15], [sflag:$0x1], $0x1, s29, s14, $0xb8;
	[tilespmem:$0x2B80] =	vst v63  }
0x46: {  	s30 =	simm.s32 $0x300  }
0x47: {  	[spmem:s2] =	stream.indirect.scatter.add.f32 [tilespmem:s15], [sflag:$0x1], $0x1, s30, s14, $0xb8;
	[tilespmem:$0x2B80] =	vst v63  }
0x48: {  	s31 =	simm.s32 $0x380  }
0x49: {  	[spmem:s2] =	stream.indirect.scatter.add.f32 [tilespmem:s15], [sflag:$0x1], $0x1, s31, s14, $0xb8;
	[tilespmem:$0x2B80] =	vst v63  }
0x4a: {  	_ =	swait.ge [sflag:s16], $0x7D  }
0x4b: {  	[sflag:s16] =	ssyncset.done $0x0  }
0x4c: {  	[sflag:s16] =	ssyncadd.s32 $0xFFFFFF83  }
0x4d: {  	_ =	swait.ge [sflag:s16], $0x7D  }
0x4e: {  	[sflag:s16] =	ssyncset.done $0x0  }
0x4f: {  	[sflag:s16] =	ssyncadd.s32 $0xFFFFFF83  }
0x50: {  	_ =	swait.ge [sflag:s16], $0x7D  }
0x51: {  	[sflag:s16] =	ssyncset.done $0x0  }
0x52: {  	[sflag:s16] =	ssyncadd.s32 $0xFFFFFF83  }
0x53: {  	_ =	swait.ge [sflag:s16], $0x7D  }
0x54: {  	[sflag:s16] =	ssyncset.done $0x0  }
0x55: {  	[sflag:s16] =	ssyncadd.s32 $0xFFFFFF83  }
0x56: {  	_ =	swait.ge [sflag:s16], $0x7D  }
0x57: {  	[sflag:s16] =	ssyncset.done $0x0  }
0x58: {  	[sflag:s16] =	ssyncadd.s32 $0xFFFFFF83  }
0x59: {  	_ =	swait.ge [sflag:s16], $0x7D  }
0x5a: {  	[sflag:s16] =	ssyncset.done $0x0  }
0x5b: {  	[sflag:s16] =	ssyncadd.s32 $0xFFFFFF83  }
0x5c: {  	_ =	swait.ge [sflag:s16], $0x7D  }
0x5d: {  	[sflag:s16] =	ssyncset.done $0x0  }
0x5e: {  	[sflag:s16] =	ssyncadd.s32 $0xFFFFFF83  }
0x5f: {  	_ =	swait.ge [sflag:s16], $0x7D  }
0x60: {  	s22 =	simm.s32 $0x1000;
	s24 =	simm.s32 $0x2000;
	[sflag:s16] =	ssyncset.done $0x0  }
.LBB2_2:
0x61: {  	s25 =	sshra.s32 s22, $0x2  }
0x62: {  	[sflag:s16] =	ssyncadd.s32 $0xFFFFFF83;
	s22 =	smov.u32 s24;
	s23 =	sadd.s32 $0x1000, s24  }
0x63: {  	[spmem:s2] =	stream.indirect.scatter.add.f32 [tilespmem:s15], [sflag:$0x1], $0x1, s25, s14, $0xb8;
	[tilespmem:$0x2B80] =	vst v63  }
0x64: {  	p0 =	sne.s32 s24, $0x9000;
	s24 =	sadd.s32 $0x80, s25  }
0x65: {  	[spmem:s2] =	stream.indirect.scatter.add.f32 [tilespmem:s15], [sflag:$0x1], $0x1, s24, s14, $0xb8;
	[tilespmem:$0x2B80] =	vst v63  }
0x66: {  	s24 =	sadd.s32 $0x100, s25  }
0x67: {  	[spmem:s2] =	stream.indirect.scatter.add.f32 [tilespmem:s15], [sflag:$0x1], $0x1, s24, s14, $0xb8;
	[tilespmem:$0x2B80] =	vst v63  }
0x68: {  	s24 =	sadd.s32 $0x180, s25  }
0x69: {  	[spmem:s2] =	stream.indirect.scatter.add.f32 [tilespmem:s15], [sflag:$0x1], $0x1, s24, s14, $0xb8;
	[tilespmem:$0x2B80] =	vst v63  }
0x6a: {  	s24 =	sadd.s32 $0x200, s25  }
0x6b: {  	[spmem:s2] =	stream.indirect.scatter.add.f32 [tilespmem:s15], [sflag:$0x1], $0x1, s24, s14, $0xb8;
	[tilespmem:$0x2B80] =	vst v63  }
0x6c: {  	s24 =	sadd.s32 $0x280, s25  }
0x6d: {  	[spmem:s2] =	stream.indirect.scatter.add.f32 [tilespmem:s15], [sflag:$0x1], $0x1, s24, s14, $0xb8;
	[tilespmem:$0x2B80] =	vst v63  }
0x6e: {  	s24 =	sadd.s32 $0x300, s25  }
0x6f: {  	[spmem:s2] =	stream.indirect.scatter.add.f32 [tilespmem:s15], [sflag:$0x1], $0x1, s24, s14, $0xb8;
	[tilespmem:$0x2B80] =	vst v63  }
0x70: {  	s24 =	sadd.s32 $0x380, s25  }
0x71: {  	[spmem:s2] =	stream.indirect.scatter.add.f32 [tilespmem:s15], [sflag:$0x1], $0x1, s24, s14, $0xb8;
	[tilespmem:$0x2B80] =	vst v63  }
0x72: {  	_ =	swait.ge [sflag:s16], $0x7D  }
0x73: {  	[sflag:s16] =	ssyncset.done $0x0  }
0x74: {  	[sflag:s16] =	ssyncadd.s32 $0xFFFFFF83  }
0x75: {  	_ =	swait.ge [sflag:s16], $0x7D  }
0x76: {  	[sflag:s16] =	ssyncset.done $0x0  }
0x77: {  	[sflag:s16] =	ssyncadd.s32 $0xFFFFFF83  }
0x78: {  	_ =	swait.ge [sflag:s16], $0x7D  }
0x79: {  	[sflag:s16] =	ssyncset.done $0x0  }
0x7a: {  	[sflag:s16] =	ssyncadd.s32 $0xFFFFFF83  }
0x7b: {  	_ =	swait.ge [sflag:s16], $0x7D  }
0x7c: {  	[sflag:s16] =	ssyncset.done $0x0  }
0x7d: {  	[sflag:s16] =	ssyncadd.s32 $0xFFFFFF83  }
0x7e: {  	_ =	swait.ge [sflag:s16], $0x7D  }
0x7f: {  	[sflag:s16] =	ssyncset.done $0x0  }
0x80: {  	[sflag:s16] =	ssyncadd.s32 $0xFFFFFF83  }
0x81: {  	_ =	swait.ge [sflag:s16], $0x7D  }
0x82: {  	[sflag:s16] =	ssyncset.done $0x0  }
0x83: {  	[sflag:s16] =	ssyncadd.s32 $0xFFFFFF83  }
.Ltmp0:
0x84: {  	_ =	swait.ge [sflag:s16], $0x7D;
	(pc) =	sbr.rel @p0 .LBB2_2-.Ltmp0, $4  }
0x85: {  	[sflag:s16] =	ssyncset.done $0x0  }
0x86: {  	[sflag:s16] =	ssyncadd.s32 $0xFFFFFF83  }
0x87: {  	_ =	swait.ge [sflag:s16], $0x7D  }
0x88: {  	s24 =	smov.u32 s23;
	[sflag:s16] =	ssyncset.done $0x0  }
0x89: {  	s22 =	sshra.s32 s22, $0x2;
	[sflag:s16] =	ssyncadd.s32 $0xFFFFFF83  }
0x8a: {  	[spmem:s2] =	stream.indirect.scatter.add.f32 [tilespmem:s15], [sflag:$0x1], $0x1, s22, s14, $0xb8;
	[tilespmem:$0x2B80] =	vst v63  }
0x8b: {  	s23 =	sadd.s32 $0x80, s22  }
0x8c: {  	[spmem:s2] =	stream.indirect.scatter.add.f32 [tilespmem:s15], [sflag:$0x1], $0x1, s23, s14, $0xb8;
	[tilespmem:$0x2B80] =	vst v63  }
0x8d: {  	s26 =	sadd.s32 $0x100, s22  }
0x8e: {  	[spmem:s2] =	stream.indirect.scatter.add.f32 [tilespmem:s15], [sflag:$0x1], $0x1, s26, s14, $0xb8;
	[tilespmem:$0x2B80] =	vst v63  }
0x8f: {  	s28 =	sadd.s32 $0x180, s22  }
0x90: {  	[spmem:s2] =	stream.indirect.scatter.add.f32 [tilespmem:s15], [sflag:$0x1], $0x1, s28, s14, $0xb8;
	[tilespmem:$0x2B80] =	vst v63  }
0x91: {  	s29 =	sadd.s32 $0x200, s22  }
0x92: {  	[spmem:s2] =	stream.indirect.scatter.add.f32 [tilespmem:s15], [sflag:$0x1], $0x1, s29, s14, $0xb8;
	[tilespmem:$0x2B80] =	vst v63  }
0x93: {  	s30 =	sadd.s32 $0x280, s22  }
0x94: {  	[spmem:s2] =	stream.indirect.scatter.add.f32 [tilespmem:s15], [sflag:$0x1], $0x1, s30, s14, $0xb8;
	[tilespmem:$0x2B80] =	vst v63  }
0x95: {  	s31 =	sadd.s32 $0x300, s22  }
0x96: {  	[spmem:s2] =	stream.indirect.scatter.add.f32 [tilespmem:s15], [sflag:$0x1], $0x1, s31, s14, $0xb8;
	[tilespmem:$0x2B80] =	vst v63  }
0x97: {  	s22 =	sadd.s32 $0x380, s22  }
0x98: {  	[spmem:s2] =	stream.indirect.scatter.add.f32 [tilespmem:s15], [sflag:$0x1], $0x1, s22, s14, $0xb8;
	[tilespmem:$0x2B80] =	vst v63  }
0x99: {  	_ =	swait.ge [sflag:s16], $0x7D  }
0x9a: {  	[sflag:s16] =	ssyncset.done $0x0  }
0x9b: {  	[sflag:s16] =	ssyncadd.s32 $0xFFFFFF83  }
0x9c: {  	_ =	swait.ge [sflag:s16], $0x7D  }
0x9d: {  	[sflag:s16] =	ssyncset.done $0x0  }
0x9e: {  	[sflag:s16] =	ssyncadd.s32 $0xFFFFFF83  }
0x9f: {  	_ =	swait.ge [sflag:s16], $0x7D  }
0xa0: {  	[sflag:s16] =	ssyncset.done $0x0  }
0xa1: {  	[sflag:s16] =	ssyncadd.s32 $0xFFFFFF83  }
0xa2: {  	_ =	swait.ge [sflag:s16], $0x7D  }
0xa3: {  	[sflag:s16] =	ssyncset.done $0x0  }
0xa4: {  	[sflag:s16] =	ssyncadd.s32 $0xFFFFFF83  }
0xa5: {  	_ =	swait.ge [sflag:s16], $0x7D  }
0xa6: {  	[sflag:s16] =	ssyncset.done $0x0  }
0xa7: {  	[sflag:s16] =	ssyncadd.s32 $0xFFFFFF83  }
0xa8: {  	_ =	swait.ge [sflag:s16], $0x7D  }
0xa9: {  	[sflag:s16] =	ssyncset.done $0x0  }
0xaa: {  	[sflag:s16] =	ssyncadd.s32 $0xFFFFFF83  }
0xab: {  	_ =	swait.ge [sflag:s16], $0x7D  }
0xac: {  	[sflag:s16] =	ssyncset.done $0x0  }
0xad: {  	[sflag:s16] =	ssyncadd.s32 $0xFFFFFF83  }
0xae: {  	_ =	swait.ge [sflag:s16], $0x7D  }
0xaf: {  	s21 =	sadd.s32 $0x1, s21;
	[sflag:s16] =	ssyncset.done $0x0  }
0xb0: {  	p0 =	sne.s32 s21, s11;
	[sflag:s16] =	ssyncadd.s32 $0xFFFFFF83  }
.Ltmp1:
0xb1: {  	[bflag:$0x0] =	sbarrier.arrive $0xFFFF;
	(pc) =	sbr.rel @p0 .LBB2_1-.Ltmp1, $4  }
0xb2: {  	[hbm:s10@s19], [sflag:s17] =	dma.strided [spmem:s18@s20], $0x50, s16, $0x10   }
0xb3: {  	_ =	swait.ge [sflag:s13], $0x50  }
0xb4: {  	[sflag:s13] =	ssyncset.done $0x0  }
0xb5: {  	[sflag:s13] =	ssyncadd.s32 $0xFFFFFFB0  }
0xb6: {  	_ =	sfence.sel $0x180000  }
0xb7: {  	[bflag:$0x0] =	sbarrier.arrive $0xFFFF  }
0xb8: {  	p0 =	sne.s32 s1, $0x0;
	_ =	strace $0x90000047  }
0xb9: {  	s0 =	sadd.s32 @!p0 $0x100000, s0;
	[bflag:$0x2] =	sbarrier.arrive $0xFFFF  }
0xba: {  	[sflag:s0] =	ssyncadd.tile.s32 @!p0 $0x1;
	_ =	shalt  }
.Lfunc_end2:
_tile_overlayer_lowered:
.L_overlay_start_2:
0xbb: {  	(tag) =	ssettag $0x2  }
0xbc: {  	s0 =	rddreg [dreg:$0x0];
	s2 =	stileid.u32  }
0xbd: {  	s1 =	rddreg [dreg:$0x1];
	p0 =	sne.s32 s2, $0x0  }
0xbe: {  	s3 =	rddreg [dreg:$0x2];
	[bflag:$0x3] =	sbarrier.arrive $0xFFFF;
	s2 =	simm.s32 @!p0 $0x1C02  }
0xbf: {  	[timem:s3], [sflag:s2] =	dma.local @!p0 [hbm:s0], s1  }
0xc0: {  	s0 =	simm.s32 @!p0 $0x2  }
0xc1: {  	_ =	swait.ge @!p0 [sflag:s0], s1  }
0xc2: {  	s1 =	ssub.s32 @!p0 $0x0, s1;
	[sflag:s0] =	ssyncset.done @!p0 $0x0  }
0xc3: {  	[sflag:s0] =	ssyncadd.s32 @!p0 s1  }
0xc4: {  	[bflag:$0x3] =	sbarrier.arrive $0xFFFF  }
0xc5: {  	_ =	shalt  }

</sc_bundles>
